<compile_context>
chip_gen: v7x
topology: tpu7x:2x2x1
jax: 0.10.2.dev20260603
libtpu: 0.0.44.dev20260713+nightly
codegen_flags: <defaults>
</compile_context>

<pallas_src>
import functools

import jax
import jax.numpy as jnp
from jax import lax
from jax.experimental import pallas as pl
from jax.experimental.pallas import tpu as pltpu
from jax.experimental.pallas import tpu_sc as plsc

N_NODES = 10000
N_PAD = 10240
N_EDGES = 320000
D = 128
SAMPLE_SIZES = (2000, 1000, 500)
INT_MIN = -2147483648

EDGE_ROWS = N_EDGES // 128
EDGE_ROWS_PAD = 2560
ROWS_PER_TILE = EDGE_ROWS_PAD // 32
EDGES_PER_TILE = N_EDGES // 32
PAD_BIN = 10016
SLICE_PER_TILE = N_PAD // 16


def _sc_bincount(eflat, ones_tile):
    mesh = plsc.VectorSubcoreMesh(core_axis_name="c", subcore_axis_name="s")

    @functools.partial(
        pl.kernel,
        out_type=jax.ShapeDtypeStruct((2, N_PAD), jnp.float32),
        mesh=mesh,
        scratch_types=[
            pltpu.VMEM((EDGES_PER_TILE,), jnp.int32),
            pltpu.VMEM((EDGES_PER_TILE,), jnp.float32),
            pltpu.VMEM((SLICE_PER_TILE,), jnp.float32),
            pltpu.VMEM_SHARED((N_PAD,), jnp.float32),
        ],
    )
    def k(col_hbm, ones_hbm, out_hbm, col_v, ones_v, io_v, acc_shared):
        cid = lax.axis_index("c")
        sid = lax.axis_index("s")
        wid = cid * 16 + sid

        for i in range(SLICE_PER_TILE // 16):
            io_v[pl.ds(i * 16, 16)] = jnp.zeros((16,), jnp.float32)
        pltpu.sync_copy(io_v, acc_shared.at[pl.ds(sid * SLICE_PER_TILE,
                                                  SLICE_PER_TILE)])
        pltpu.sync_copy(col_hbm.at[pl.ds(N_EDGES + wid * EDGES_PER_TILE,
                                         EDGES_PER_TILE)], col_v)
        pltpu.sync_copy(ones_hbm, ones_v)
        plsc.subcore_barrier()

        pltpu.sync_copy(ones_v, acc_shared.at[col_v], add=True)
        plsc.subcore_barrier()

        pltpu.sync_copy(acc_shared.at[pl.ds(sid * SLICE_PER_TILE,
                                            SLICE_PER_TILE)], io_v)
        pltpu.sync_copy(io_v, out_hbm.at[cid, pl.ds(sid * SLICE_PER_TILE,
                                                    SLICE_PER_TILE)])

    return k(eflat, ones_tile)


def _sortable(g):
    bits = lax.bitcast_convert_type(g, jnp.int32)
    return jnp.where(bits < 0, bits ^ jnp.int32(0x7FFFFFFF), bits)


def _tc_body(pr_ref, pd_ref, x_ref, gr_ref, gd_ref, wt_ref, b_ref, out_ref):
    deg_d = pd_ref[0] + pd_ref[1]
    id_d = (lax.broadcasted_iota(jnp.int32, (3, 8, 1280), 1) * 1280
            + lax.broadcasted_iota(jnp.int32, (3, 8, 1280), 2))
    valid_d = id_d < N_NODES
    total = jnp.sum(jnp.where(valid_d[0], deg_d, 0.0))
    logp_d = jnp.log(deg_d / total)
    key_d = jnp.where(valid_d, _sortable(gd_ref[...] + logp_d), INT_MIN)

    s_vec = jnp.int32(4000) >> (lax.broadcasted_iota(jnp.int32, (3, 1, 1), 0)
                                + 1)

    t = jnp.full((3, 1, 1), INT_MIN, jnp.int32)
    for shift in range(28, -1, -4):
        step = jnp.zeros((3, 1, 1), jnp.int32)
        for j in range(1, 16):
            cand = t + jnp.int32(((j << shift)) - (1 << 32)
                                 if (j << shift) >= (1 << 31)
                                 else (j << shift))
            cnt = jnp.sum((key_d >= cand).astype(jnp.int32), axis=(1, 2),
                          keepdims=True)
            step += (cnt >= s_vec).astype(jnp.int32)
        t = t + (step << shift)
    cnt_gt = jnp.sum((key_d > t).astype(jnp.int32), axis=(1, 2), keepdims=True)
    eq_d = key_d == t

    k0 = jnp.zeros((3, 1, 1), jnp.int32)
    for shift in range(12, -1, -4):
        step = jnp.zeros((3, 1, 1), jnp.int32)
        for j in range(1, 16):
            cand = k0 + jnp.int32(j << shift)
            f = cnt_gt + jnp.sum((eq_d & (id_d < cand)).astype(jnp.int32),
                                 axis=(1, 2), keepdims=True)
            step += (f < s_vec).astype(jnp.int32)
        k0 = k0 + (step << shift)

    lane = lax.broadcasted_iota(jnp.int32, (1, N_NODES), 1)
    deg_r = pr_ref[0:1, :N_NODES] + pr_ref[1:2, :N_NODES]
    logp_r = jnp.log(deg_r / total)

    h = None
    for l, s in enumerate(SAMPLE_SIZES):
        key_r = _sortable(gr_ref[l:l + 1, :N_NODES] + logp_r)
        t_l, k_l = t[l, 0, 0], k0[l, 0, 0] + 1
        mask = ((key_r > t_l)
                | ((key_r == t_l) & (lane < k_l))).astype(jnp.float32)
        if l == 0:
            z = lax.dot_general(wt_ref[0], x_ref[...],
                                (((1,), (1,)), ((), ())),
                                preferred_element_type=jnp.float32)
        else:
            z = jnp.dot(wt_ref[l], h, preferred_element_type=jnp.float32)
        h = mask * ((z + b_ref[l]) * (N_NODES / s))
        if l < len(SAMPLE_SIZES) - 1:
            h = jnp.maximum(h, 0.0)
    out_ref[...] = h.T


def _tc_main(pr, pd, x, gr, gd, wt, b):
    return pl.pallas_call(
        _tc_body,
        out_shape=jax.ShapeDtypeStruct((N_NODES, D), jnp.float32),
    )(pr, pd, x, gr, gd, wt, b)


def kernel(x, edge_index, W0, b0, W1, b1, W2, b2):
    ones_tile = jnp.ones((EDGES_PER_TILE,), jnp.float32)
    partials = _sc_bincount(edge_index.reshape(2 * N_EDGES), ones_tile)

    g = jnp.pad(
        jnp.stack([
            jax.random.gumbel(jax.random.fold_in(jax.random.key(42), l),
                              (N_NODES,), jnp.float32)
            for l in range(len(SAMPLE_SIZES))]),
        ((0, 0), (0, N_PAD - N_NODES)))

    wt = jnp.stack([W0.T, W1.T, W2.T])
    b = jnp.stack([b0, b1, b2])

    return _tc_main(partials, partials.reshape(2, 8, 1280), x,
                    g, g.reshape(3, 8, 1280), wt, b.reshape(3, D, 1))

# --- scband reference (transcript-rebuilt; emitter-appended) ---
"""Pipeline reference for scband-fast-gcnmodel-55662776156292 (READ-ONLY COPY).

The authoritative reference and input builder live on the scoring server;
editing this copy changes nothing except your own understanding.
"""

import jax, jax.numpy as jnp
import numpy as np

N_NODES = 10000
N_EDGES = 320000
D_IN = 128
D_HID = 128
D_OUT = 128
SAMPLE_SIZES = [2000, 1000, 500]


def _xavier(k, fan_in, fan_out):
    bound = float(np.sqrt(6.0 / (fan_in + fan_out)))
    return jax.random.uniform(k, (fan_in, fan_out), jnp.float32, -bound, bound)


def setup_inputs(seed: int = 0):
    key = jax.random.key(seed)
    ks = jax.random.split(key, 8)
    x = jax.random.normal(ks[0], (N_NODES, D_IN), dtype=jnp.float32)
    edge_index = jax.random.randint(ks[1], (2, N_EDGES), 0, N_NODES, dtype=jnp.int32)
    W0 = _xavier(ks[2], D_IN, D_HID)
    b0 = jnp.zeros((D_HID,), jnp.float32)
    W1 = _xavier(ks[3], D_HID, D_HID)
    b1 = jnp.zeros((D_HID,), jnp.float32)
    W2 = _xavier(ks[4], D_HID, D_OUT)
    b2 = jnp.zeros((D_OUT,), jnp.float32)
    return {"x": x, "edge_index": edge_index, "W0": W0, "b0": b0, "W1": W1, "b1": b1, "W2": W2, "b2": b2}


def _fastgcn_conv(x, edge_index, W, b, sample_size, layer_idx):
    # importance_scores = deg(col) / deg.sum()  (col = dst nodes)
    n = x.shape[0]
    col = edge_index[1]
    deg = jnp.bincount(col, length=n).astype(jnp.float32)
    p = deg / deg.sum()
    s = min(sample_size, n)
    if s < n:
        # torch.multinomial(p, s, replacement=False) -> deterministic jax equivalent
        skey = jax.random.fold_in(jax.random.key(42), layer_idx)
        idx = jax.random.choice(skey, n, (s,), replace=False, p=p)
        out = jnp.matmul(x[idx], W) + b
        res = jnp.zeros((n, W.shape[1]), dtype=x.dtype)
        res = res.at[idx].set(out * (n / s))
        return res
    else:
        return jnp.matmul(x, W) + b


def reference(x, edge_index, W0, b0, W1, b1, W2, b2):
    h = _fastgcn_conv(x, edge_index, W0, b0, SAMPLE_SIZES[0], 0)
    h = jax.nn.relu(h)
    # dropout is identity in eval mode
    h = _fastgcn_conv(h, edge_index, W1, b1, SAMPLE_SIZES[1], 1)
    h = jax.nn.relu(h)
    h = _fastgcn_conv(h, edge_index, W2, b2, SAMPLE_SIZES[2], 2)
    return h

if __name__ == "__main__":
    import jax
    _d = setup_inputs()
    print(jax.jit(kernel)(*tuple(_d.values())))

</pallas_src>

<mosaic_0001>
#map = affine_map<(d0, d1) -> (0)>
#map1 = affine_map<(d0, d1) -> (0, 0)>
module attributes {stable_mosaic.version = 14 : i64} {
  func.func @k(%arg0: i32, %arg1: i32, %arg2: memref<640000xi32, #tpu.memory_space<hbm>>, %arg3: memref<10000xf32, #tpu.memory_space<hbm>>, %arg4: memref<2x10240xf32, #tpu.memory_space<hbm>>, %arg5: memref<10000xi32, #tpu.memory_space<vmem>>, %arg6: memref<10000xf32, #tpu.memory_space<vmem>>, %arg7: memref<640xf32, #tpu.memory_space<vmem>>, %arg8: memref<10240xf32, #tpu.memory_space<vmem_shared>>) attributes {dimension_semantics = [#tpu.dimension_semantics<core_parallel>, #tpu.dimension_semantics<subcore_parallel>], iteration_bounds = array<i64: 2, 16>, scalar_prefetch = 0 : i64, scratch_operands = 4 : i64, tpu.core_type = #tpu.core_type<sc_vector_subcore>, window_params = [{transform_indices = #map}, {transform_indices = #map}, {transform_indices = #map1}]} {
    %mul3A = arith.constant 16 : i32
    %mul3A_0 = arith.muli %arg0, %mul3A : i32
    %add3A = arith.addi %mul3A_0, %arg1 : i32
    %broadcast_in_dim3A = arith.constant 0.000000e+00 : f32
    %broadcast_in_dim3A_1 = vector.broadcast %broadcast_in_dim3A : f32 to vector<16xf32>
    %swap3A = arith.constant 0 : index
    %swap3A_2 = tpu.vector_load %arg7[%swap3A] {strides = array<i32>} : memref<640xf32, #tpu.memory_space<vmem>>, vector<16xf32>,
    %swap3A_3 = vector.shape_cast %swap3A_2 : vector<16xf32> to vector<16xf32>
    %swap3A_4 = vector.shape_cast %broadcast_in_dim3A_1 : vector<16xf32> to vector<16xf32>
    tpu.vector_store %arg7[%swap3A], %swap3A_4 {strides = array<i32>} : memref<640xf32, #tpu.memory_space<vmem>>, vector<16xf32>,
    %broadcast_in_dim3A_5 = arith.constant 0.000000e+00 : f32
    %broadcast_in_dim3A_6 = vector.broadcast %broadcast_in_dim3A_5 : f32 to vector<16xf32>
    %swap3A_7 = arith.constant 16 : index
    %swap3A_8 = tpu.vector_load %arg7[%swap3A_7] {strides = array<i32>} : memref<640xf32, #tpu.memory_space<vmem>>, vector<16xf32>,
    %swap3A_9 = vector.shape_cast %swap3A_8 : vector<16xf32> to vector<16xf32>
    %swap3A_10 = vector.shape_cast %broadcast_in_dim3A_6 : vector<16xf32> to vector<16xf32>
    tpu.vector_store %arg7[%swap3A_7], %swap3A_10 {strides = array<i32>} : memref<640xf32, #tpu.memory_space<vmem>>, vector<16xf32>,
    %broadcast_in_dim3A_11 = arith.constant 0.000000e+00 : f32
    %broadcast_in_dim3A_12 = vector.broadcast %broadcast_in_dim3A_11 : f32 to vector<16xf32>
    %swap3A_13 = arith.constant 32 : index
    %swap3A_14 = tpu.vector_load %arg7[%swap3A_13] {strides = array<i32>} : memref<640xf32, #tpu.memory_space<vmem>>, vector<16xf32>,
    %swap3A_15 = vector.shape_cast %swap3A_14 : vector<16xf32> to vector<16xf32>
    %swap3A_16 = vector.shape_cast %broadcast_in_dim3A_12 : vector<16xf32> to vector<16xf32>
    tpu.vector_store %arg7[%swap3A_13], %swap3A_16 {strides = array<i32>} : memref<640xf32, #tpu.memory_space<vmem>>, vector<16xf32>,
    %broadcast_in_dim3A_17 = arith.constant 0.000000e+00 : f32
    %broadcast_in_dim3A_18 = vector.broadcast %broadcast_in_dim3A_17 : f32 to vector<16xf32>
    %swap3A_19 = arith.constant 48 : index
    %swap3A_20 = tpu.vector_load %arg7[%swap3A_19] {strides = array<i32>} : memref<640xf32, #tpu.memory_space<vmem>>, vector<16xf32>,
    %swap3A_21 = vector.shape_cast %swap3A_20 : vector<16xf32> to vector<16xf32>
    %swap3A_22 = vector.shape_cast %broadcast_in_dim3A_18 : vector<16xf32> to vector<16xf32>
    tpu.vector_store %arg7[%swap3A_19], %swap3A_22 {strides = array<i32>} : memref<640xf32, #tpu.memory_space<vmem>>, vector<16xf32>,
    %broadcast_in_dim3A_23 = arith.constant 0.000000e+00 : f32
    %broadcast_in_dim3A_24 = vector.broadcast %broadcast_in_dim3A_23 : f32 to vector<16xf32>
    %swap3A_25 = arith.constant 64 : index
    %swap3A_26 = tpu.vector_load %arg7[%swap3A_25] {strides = array<i32>} : memref<640xf32, #tpu.memory_space<vmem>>, vector<16xf32>,
    %swap3A_27 = vector.shape_cast %swap3A_26 : vector<16xf32> to vector<16xf32>
    %swap3A_28 = vector.shape_cast %broadcast_in_dim3A_24 : vector<16xf32> to vector<16xf32>
    tpu.vector_store %arg7[%swap3A_25], %swap3A_28 {strides = array<i32>} : memref<640xf32, #tpu.memory_space<vmem>>, vector<16xf32>,
    %broadcast_in_dim3A_29 = arith.constant 0.000000e+00 : f32
    %broadcast_in_dim3A_30 = vector.broadcast %broadcast_in_dim3A_29 : f32 to vector<16xf32>
    %swap3A_31 = arith.constant 80 : index
    %swap3A_32 = tpu.vector_load %arg7[%swap3A_31] {strides = array<i32>} : memref<640xf32, #tpu.memory_space<vmem>>, vector<16xf32>,
    %swap3A_33 = vector.shape_cast %swap3A_32 : vector<16xf32> to vector<16xf32>
    %swap3A_34 = vector.shape_cast %broadcast_in_dim3A_30 : vector<16xf32> to vector<16xf32>
    tpu.vector_store %arg7[%swap3A_31], %swap3A_34 {strides = array<i32>} : memref<640xf32, #tpu.memory_space<vmem>>, vector<16xf32>,
    %broadcast_in_dim3A_35 = arith.constant 0.000000e+00 : f32
    %broadcast_in_dim3A_36 = vector.broadcast %broadcast_in_dim3A_35 : f32 to vector<16xf32>
    %swap3A_37 = arith.constant 96 : index
    %swap3A_38 = tpu.vector_load %arg7[%swap3A_37] {strides = array<i32>} : memref<640xf32, #tpu.memory_space<vmem>>, vector<16xf32>,
    %swap3A_39 = vector.shape_cast %swap3A_38 : vector<16xf32> to vector<16xf32>
    %swap3A_40 = vector.shape_cast %broadcast_in_dim3A_36 : vector<16xf32> to vector<16xf32>
    tpu.vector_store %arg7[%swap3A_37], %swap3A_40 {strides = array<i32>} : memref<640xf32, #tpu.memory_space<vmem>>, vector<16xf32>,
    %broadcast_in_dim3A_41 = arith.constant 0.000000e+00 : f32
    %broadcast_in_dim3A_42 = vector.broadcast %broadcast_in_dim3A_41 : f32 to vector<16xf32>
    %swap3A_43 = arith.constant 112 : index
    %swap3A_44 = tpu.vector_load %arg7[%swap3A_43] {strides = array<i32>} : memref<640xf32, #tpu.memory_space<vmem>>, vector<16xf32>,
    %swap3A_45 = vector.shape_cast %swap3A_44 : vector<16xf32> to vector<16xf32>
    %swap3A_46 = vector.shape_cast %broadcast_in_dim3A_42 : vector<16xf32> to vector<16xf32>
    tpu.vector_store %arg7[%swap3A_43], %swap3A_46 {strides = array<i32>} : memref<640xf32, #tpu.memory_space<vmem>>, vector<16xf32>,
    %broadcast_in_dim3A_47 = arith.constant 0.000000e+00 : f32
    %broadcast_in_dim3A_48 = vector.broadcast %broadcast_in_dim3A_47 : f32 to vector<16xf32>
    %swap3A_49 = arith.constant 128 : index
    %swap3A_50 = tpu.vector_load %arg7[%swap3A_49] {strides = array<i32>} : memref<640xf32, #tpu.memory_space<vmem>>, vector<16xf32>,
    %swap3A_51 = vector.shape_cast %swap3A_50 : vector<16xf32> to vector<16xf32>
    %swap3A_52 = vector.shape_cast %broadcast_in_dim3A_48 : vector<16xf32> to vector<16xf32>
    tpu.vector_store %arg7[%swap3A_49], %swap3A_52 {strides = array<i32>} : memref<640xf32, #tpu.memory_space<vmem>>, vector<16xf32>,
    %broadcast_in_dim3A_53 = arith.constant 0.000000e+00 : f32
    %broadcast_in_dim3A_54 = vector.broadcast %broadcast_in_dim3A_53 : f32 to vector<16xf32>
    %swap3A_55 = arith.constant 144 : index
    %swap3A_56 = tpu.vector_load %arg7[%swap3A_55] {strides = array<i32>} : memref<640xf32, #tpu.memory_space<vmem>>, vector<16xf32>,
    %swap3A_57 = vector.shape_cast %swap3A_56 : vector<16xf32> to vector<16xf32>
    %swap3A_58 = vector.shape_cast %broadcast_in_dim3A_54 : vector<16xf32> to vector<16xf32>
    tpu.vector_store %arg7[%swap3A_55], %swap3A_58 {strides = array<i32>} : memref<640xf32, #tpu.memory_space<vmem>>, vector<16xf32>,
    %broadcast_in_dim3A_59 = arith.constant 0.000000e+00 : f32
    %broadcast_in_dim3A_60 = vector.broadcast %broadcast_in_dim3A_59 : f32 to vector<16xf32>
    %swap3A_61 = arith.constant 160 : index
    %swap3A_62 = tpu.vector_load %arg7[%swap3A_61] {strides = array<i32>} : memref<640xf32, #tpu.memory_space<vmem>>, vector<16xf32>,
    %swap3A_63 = vector.shape_cast %swap3A_62 : vector<16xf32> to vector<16xf32>
    %swap3A_64 = vector.shape_cast %broadcast_in_dim3A_60 : vector<16xf32> to vector<16xf32>
    tpu.vector_store %arg7[%swap3A_61], %swap3A_64 {strides = array<i32>} : memref<640xf32, #tpu.memory_space<vmem>>, vector<16xf32>,
    %broadcast_in_dim3A_65 = arith.constant 0.000000e+00 : f32
    %broadcast_in_dim3A_66 = vector.broadcast %broadcast_in_dim3A_65 : f32 to vector<16xf32>
    %swap3A_67 = arith.constant 176 : index
    %swap3A_68 = tpu.vector_load %arg7[%swap3A_67] {strides = array<i32>} : memref<640xf32, #tpu.memory_space<vmem>>, vector<16xf32>,
    %swap3A_69 = vector.shape_cast %swap3A_68 : vector<16xf32> to vector<16xf32>
    %swap3A_70 = vector.shape_cast %broadcast_in_dim3A_66 : vector<16xf32> to vector<16xf32>
    tpu.vector_store %arg7[%swap3A_67], %swap3A_70 {strides = array<i32>} : memref<640xf32, #tpu.memory_space<vmem>>, vector<16xf32>,
    %broadcast_in_dim3A_71 = arith.constant 0.000000e+00 : f32
    %broadcast_in_dim3A_72 = vector.broadcast %broadcast_in_dim3A_71 : f32 to vector<16xf32>
    %swap3A_73 = arith.constant 192 : index
    %swap3A_74 = tpu.vector_load %arg7[%swap3A_73] {strides = array<i32>} : memref<640xf32, #tpu.memory_space<vmem>>, vector<16xf32>,
    %swap3A_75 = vector.shape_cast %swap3A_74 : vector<16xf32> to vector<16xf32>
    %swap3A_76 = vector.shape_cast %broadcast_in_dim3A_72 : vector<16xf32> to vector<16xf32>
    tpu.vector_store %arg7[%swap3A_73], %swap3A_76 {strides = array<i32>} : memref<640xf32, #tpu.memory_space<vmem>>, vector<16xf32>,
    %broadcast_in_dim3A_77 = arith.constant 0.000000e+00 : f32
    %broadcast_in_dim3A_78 = vector.broadcast %broadcast_in_dim3A_77 : f32 to vector<16xf32>
    %swap3A_79 = arith.constant 208 : index
    %swap3A_80 = tpu.vector_load %arg7[%swap3A_79] {strides = array<i32>} : memref<640xf32, #tpu.memory_space<vmem>>, vector<16xf32>,
    %swap3A_81 = vector.shape_cast %swap3A_80 : vector<16xf32> to vector<16xf32>
    %swap3A_82 = vector.shape_cast %broadcast_in_dim3A_78 : vector<16xf32> to vector<16xf32>
    tpu.vector_store %arg7[%swap3A_79], %swap3A_82 {strides = array<i32>} : memref<640xf32, #tpu.memory_space<vmem>>, vector<16xf32>,
    %broadcast_in_dim3A_83 = arith.constant 0.000000e+00 : f32
    %broadcast_in_dim3A_84 = vector.broadcast %broadcast_in_dim3A_83 : f32 to vector<16xf32>
    %swap3A_85 = arith.constant 224 : index
    %swap3A_86 = tpu.vector_load %arg7[%swap3A_85] {strides = array<i32>} : memref<640xf32, #tpu.memory_space<vmem>>, vector<16xf32>,
    %swap3A_87 = vector.shape_cast %swap3A_86 : vector<16xf32> to vector<16xf32>
    %swap3A_88 = vector.shape_cast %broadcast_in_dim3A_84 : vector<16xf32> to vector<16xf32>
    tpu.vector_store %arg7[%swap3A_85], %swap3A_88 {strides = array<i32>} : memref<640xf32, #tpu.memory_space<vmem>>, vector<16xf32>,
    %broadcast_in_dim3A_89 = arith.constant 0.000000e+00 : f32
    %broadcast_in_dim3A_90 = vector.broadcast %broadcast_in_dim3A_89 : f32 to vector<16xf32>
    %swap3A_91 = arith.constant 240 : index
    %swap3A_92 = tpu.vector_load %arg7[%swap3A_91] {strides = array<i32>} : memref<640xf32, #tpu.memory_space<vmem>>, vector<16xf32>,
    %swap3A_93 = vector.shape_cast %swap3A_92 : vector<16xf32> to vector<16xf32>
    %swap3A_94 = vector.shape_cast %broadcast_in_dim3A_90 : vector<16xf32> to vector<16xf32>
    tpu.vector_store %arg7[%swap3A_91], %swap3A_94 {strides = array<i32>} : memref<640xf32, #tpu.memory_space<vmem>>, vector<16xf32>,
    %broadcast_in_dim3A_95 = arith.constant 0.000000e+00 : f32
    %broadcast_in_dim3A_96 = vector.broadcast %broadcast_in_dim3A_95 : f32 to vector<16xf32>
    %swap3A_97 = arith.constant 256 : index
    %swap3A_98 = tpu.vector_load %arg7[%swap3A_97] {strides = array<i32>} : memref<640xf32, #tpu.memory_space<vmem>>, vector<16xf32>,
    %swap3A_99 = vector.shape_cast %swap3A_98 : vector<16xf32> to vector<16xf32>
    %swap3A_100 = vector.shape_cast %broadcast_in_dim3A_96 : vector<16xf32> to vector<16xf32>
    tpu.vector_store %arg7[%swap3A_97], %swap3A_100 {strides = array<i32>} : memref<640xf32, #tpu.memory_space<vmem>>, vector<16xf32>,
    %broadcast_in_dim3A_101 = arith.constant 0.000000e+00 : f32
    %broadcast_in_dim3A_102 = vector.broadcast %broadcast_in_dim3A_101 : f32 to vector<16xf32>
    %swap3A_103 = arith.constant 272 : index
    %swap3A_104 = tpu.vector_load %arg7[%swap3A_103] {strides = array<i32>} : memref<640xf32, #tpu.memory_space<vmem>>, vector<16xf32>,
    %swap3A_105 = vector.shape_cast %swap3A_104 : vector<16xf32> to vector<16xf32>
    %swap3A_106 = vector.shape_cast %broadcast_in_dim3A_102 : vector<16xf32> to vector<16xf32>
    tpu.vector_store %arg7[%swap3A_103], %swap3A_106 {strides = array<i32>} : memref<640xf32, #tpu.memory_space<vmem>>, vector<16xf32>,
    %broadcast_in_dim3A_107 = arith.constant 0.000000e+00 : f32
    %broadcast_in_dim3A_108 = vector.broadcast %broadcast_in_dim3A_107 : f32 to vector<16xf32>
    %swap3A_109 = arith.constant 288 : index
    %swap3A_110 = tpu.vector_load %arg7[%swap3A_109] {strides = array<i32>} : memref<640xf32, #tpu.memory_space<vmem>>, vector<16xf32>,
    %swap3A_111 = vector.shape_cast %swap3A_110 : vector<16xf32> to vector<16xf32>
    %swap3A_112 = vector.shape_cast %broadcast_in_dim3A_108 : vector<16xf32> to vector<16xf32>
    tpu.vector_store %arg7[%swap3A_109], %swap3A_112 {strides = array<i32>} : memref<640xf32, #tpu.memory_space<vmem>>, vector<16xf32>,
    %broadcast_in_dim3A_113 = arith.constant 0.000000e+00 : f32
    %broadcast_in_dim3A_114 = vector.broadcast %broadcast_in_dim3A_113 : f32 to vector<16xf32>
    %swap3A_115 = arith.constant 304 : index
    %swap3A_116 = tpu.vector_load %arg7[%swap3A_115] {strides = array<i32>} : memref<640xf32, #tpu.memory_space<vmem>>, vector<16xf32>,
    %swap3A_117 = vector.shape_cast %swap3A_116 : vector<16xf32> to vector<16xf32>
    %swap3A_118 = vector.shape_cast %broadcast_in_dim3A_114 : vector<16xf32> to vector<16xf32>
    tpu.vector_store %arg7[%swap3A_115], %swap3A_118 {strides = array<i32>} : memref<640xf32, #tpu.memory_space<vmem>>, vector<16xf32>,
    %broadcast_in_dim3A_119 = arith.constant 0.000000e+00 : f32
    %broadcast_in_dim3A_120 = vector.broadcast %broadcast_in_dim3A_119 : f32 to vector<16xf32>
    %swap3A_121 = arith.constant 320 : index
    %swap3A_122 = tpu.vector_load %arg7[%swap3A_121] {strides = array<i32>} : memref<640xf32, #tpu.memory_space<vmem>>, vector<16xf32>,
    %swap3A_123 = vector.shape_cast %swap3A_122 : vector<16xf32> to vector<16xf32>
    %swap3A_124 = vector.shape_cast %broadcast_in_dim3A_120 : vector<16xf32> to vector<16xf32>
    tpu.vector_store %arg7[%swap3A_121], %swap3A_124 {strides = array<i32>} : memref<640xf32, #tpu.memory_space<vmem>>, vector<16xf32>,
    %broadcast_in_dim3A_125 = arith.constant 0.000000e+00 : f32
    %broadcast_in_dim3A_126 = vector.broadcast %broadcast_in_dim3A_125 : f32 to vector<16xf32>
    %swap3A_127 = arith.constant 336 : index
    %swap3A_128 = tpu.vector_load %arg7[%swap3A_127] {strides = array<i32>} : memref<640xf32, #tpu.memory_space<vmem>>, vector<16xf32>,
    %swap3A_129 = vector.shape_cast %swap3A_128 : vector<16xf32> to vector<16xf32>
    %swap3A_130 = vector.shape_cast %broadcast_in_dim3A_126 : vector<16xf32> to vector<16xf32>
    tpu.vector_store %arg7[%swap3A_127], %swap3A_130 {strides = array<i32>} : memref<640xf32, #tpu.memory_space<vmem>>, vector<16xf32>,
    %broadcast_in_dim3A_131 = arith.constant 0.000000e+00 : f32
    %broadcast_in_dim3A_132 = vector.broadcast %broadcast_in_dim3A_131 : f32 to vector<16xf32>
    %swap3A_133 = arith.constant 352 : index
    %swap3A_134 = tpu.vector_load %arg7[%swap3A_133] {strides = array<i32>} : memref<640xf32, #tpu.memory_space<vmem>>, vector<16xf32>,
    %swap3A_135 = vector.shape_cast %swap3A_134 : vector<16xf32> to vector<16xf32>
    %swap3A_136 = vector.shape_cast %broadcast_in_dim3A_132 : vector<16xf32> to vector<16xf32>
    tpu.vector_store %arg7[%swap3A_133], %swap3A_136 {strides = array<i32>} : memref<640xf32, #tpu.memory_space<vmem>>, vector<16xf32>,
    %broadcast_in_dim3A_137 = arith.constant 0.000000e+00 : f32
    %broadcast_in_dim3A_138 = vector.broadcast %broadcast_in_dim3A_137 : f32 to vector<16xf32>
    %swap3A_139 = arith.constant 368 : index
    %swap3A_140 = tpu.vector_load %arg7[%swap3A_139] {strides = array<i32>} : memref<640xf32, #tpu.memory_space<vmem>>, vector<16xf32>,
    %swap3A_141 = vector.shape_cast %swap3A_140 : vector<16xf32> to vector<16xf32>
    %swap3A_142 = vector.shape_cast %broadcast_in_dim3A_138 : vector<16xf32> to vector<16xf32>
    tpu.vector_store %arg7[%swap3A_139], %swap3A_142 {strides = array<i32>} : memref<640xf32, #tpu.memory_space<vmem>>, vector<16xf32>,
    %broadcast_in_dim3A_143 = arith.constant 0.000000e+00 : f32
    %broadcast_in_dim3A_144 = vector.broadcast %broadcast_in_dim3A_143 : f32 to vector<16xf32>
    %swap3A_145 = arith.constant 384 : index
    %swap3A_146 = tpu.vector_load %arg7[%swap3A_145] {strides = array<i32>} : memref<640xf32, #tpu.memory_space<vmem>>, vector<16xf32>,
    %swap3A_147 = vector.shape_cast %swap3A_146 : vector<16xf32> to vector<16xf32>
    %swap3A_148 = vector.shape_cast %broadcast_in_dim3A_144 : vector<16xf32> to vector<16xf32>
    tpu.vector_store %arg7[%swap3A_145], %swap3A_148 {strides = array<i32>} : memref<640xf32, #tpu.memory_space<vmem>>, vector<16xf32>,
    %broadcast_in_dim3A_149 = arith.constant 0.000000e+00 : f32
    %broadcast_in_dim3A_150 = vector.broadcast %broadcast_in_dim3A_149 : f32 to vector<16xf32>
    %swap3A_151 = arith.constant 400 : index
    %swap3A_152 = tpu.vector_load %arg7[%swap3A_151] {strides = array<i32>} : memref<640xf32, #tpu.memory_space<vmem>>, vector<16xf32>,
    %swap3A_153 = vector.shape_cast %swap3A_152 : vector<16xf32> to vector<16xf32>
    %swap3A_154 = vector.shape_cast %broadcast_in_dim3A_150 : vector<16xf32> to vector<16xf32>
    tpu.vector_store %arg7[%swap3A_151], %swap3A_154 {strides = array<i32>} : memref<640xf32, #tpu.memory_space<vmem>>, vector<16xf32>,
    %broadcast_in_dim3A_155 = arith.constant 0.000000e+00 : f32
    %broadcast_in_dim3A_156 = vector.broadcast %broadcast_in_dim3A_155 : f32 to vector<16xf32>
    %swap3A_157 = arith.constant 416 : index
    %swap3A_158 = tpu.vector_load %arg7[%swap3A_157] {strides = array<i32>} : memref<640xf32, #tpu.memory_space<vmem>>, vector<16xf32>,
    %swap3A_159 = vector.shape_cast %swap3A_158 : vector<16xf32> to vector<16xf32>
    %swap3A_160 = vector.shape_cast %broadcast_in_dim3A_156 : vector<16xf32> to vector<16xf32>
    tpu.vector_store %arg7[%swap3A_157], %swap3A_160 {strides = array<i32>} : memref<640xf32, #tpu.memory_space<vmem>>, vector<16xf32>,
    %broadcast_in_dim3A_161 = arith.constant 0.000000e+00 : f32
    %broadcast_in_dim3A_162 = vector.broadcast %broadcast_in_dim3A_161 : f32 to vector<16xf32>
    %swap3A_163 = arith.constant 432 : index
    %swap3A_164 = tpu.vector_load %arg7[%swap3A_163] {strides = array<i32>} : memref<640xf32, #tpu.memory_space<vmem>>, vector<16xf32>,
    %swap3A_165 = vector.shape_cast %swap3A_164 : vector<16xf32> to vector<16xf32>
    %swap3A_166 = vector.shape_cast %broadcast_in_dim3A_162 : vector<16xf32> to vector<16xf32>
    tpu.vector_store %arg7[%swap3A_163], %swap3A_166 {strides = array<i32>} : memref<640xf32, #tpu.memory_space<vmem>>, vector<16xf32>,
    %broadcast_in_dim3A_167 = arith.constant 0.000000e+00 : f32
    %broadcast_in_dim3A_168 = vector.broadcast %broadcast_in_dim3A_167 : f32 to vector<16xf32>
    %swap3A_169 = arith.constant 448 : index
    %swap3A_170 = tpu.vector_load %arg7[%swap3A_169] {strides = array<i32>} : memref<640xf32, #tpu.memory_space<vmem>>, vector<16xf32>,
    %swap3A_171 = vector.shape_cast %swap3A_170 : vector<16xf32> to vector<16xf32>
    %swap3A_172 = vector.shape_cast %broadcast_in_dim3A_168 : vector<16xf32> to vector<16xf32>
    tpu.vector_store %arg7[%swap3A_169], %swap3A_172 {strides = array<i32>} : memref<640xf32, #tpu.memory_space<vmem>>, vector<16xf32>,
    %broadcast_in_dim3A_173 = arith.constant 0.000000e+00 : f32
    %broadcast_in_dim3A_174 = vector.broadcast %broadcast_in_dim3A_173 : f32 to vector<16xf32>
    %swap3A_175 = arith.constant 464 : index
    %swap3A_176 = tpu.vector_load %arg7[%swap3A_175] {strides = array<i32>} : memref<640xf32, #tpu.memory_space<vmem>>, vector<16xf32>,
    %swap3A_177 = vector.shape_cast %swap3A_176 : vector<16xf32> to vector<16xf32>
    %swap3A_178 = vector.shape_cast %broadcast_in_dim3A_174 : vector<16xf32> to vector<16xf32>
    tpu.vector_store %arg7[%swap3A_175], %swap3A_178 {strides = array<i32>} : memref<640xf32, #tpu.memory_space<vmem>>, vector<16xf32>,
    %broadcast_in_dim3A_179 = arith.constant 0.000000e+00 : f32
    %broadcast_in_dim3A_180 = vector.broadcast %broadcast_in_dim3A_179 : f32 to vector<16xf32>
    %swap3A_181 = arith.constant 480 : index
    %swap3A_182 = tpu.vector_load %arg7[%swap3A_181] {strides = array<i32>} : memref<640xf32, #tpu.memory_space<vmem>>, vector<16xf32>,
    %swap3A_183 = vector.shape_cast %swap3A_182 : vector<16xf32> to vector<16xf32>
    %swap3A_184 = vector.shape_cast %broadcast_in_dim3A_180 : vector<16xf32> to vector<16xf32>
    tpu.vector_store %arg7[%swap3A_181], %swap3A_184 {strides = array<i32>} : memref<640xf32, #tpu.memory_space<vmem>>, vector<16xf32>,
    %broadcast_in_dim3A_185 = arith.constant 0.000000e+00 : f32
    %broadcast_in_dim3A_186 = vector.broadcast %broadcast_in_dim3A_185 : f32 to vector<16xf32>
    %swap3A_187 = arith.constant 496 : index
    %swap3A_188 = tpu.vector_load %arg7[%swap3A_187] {strides = array<i32>} : memref<640xf32, #tpu.memory_space<vmem>>, vector<16xf32>,
    %swap3A_189 = vector.shape_cast %swap3A_188 : vector<16xf32> to vector<16xf32>
    %swap3A_190 = vector.shape_cast %broadcast_in_dim3A_186 : vector<16xf32> to vector<16xf32>
    tpu.vector_store %arg7[%swap3A_187], %swap3A_190 {strides = array<i32>} : memref<640xf32, #tpu.memory_space<vmem>>, vector<16xf32>,
    %broadcast_in_dim3A_191 = arith.constant 0.000000e+00 : f32
    %broadcast_in_dim3A_192 = vector.broadcast %broadcast_in_dim3A_191 : f32 to vector<16xf32>
    %swap3A_193 = arith.constant 512 : index
    %swap3A_194 = tpu.vector_load %arg7[%swap3A_193] {strides = array<i32>} : memref<640xf32, #tpu.memory_space<vmem>>, vector<16xf32>,
    %swap3A_195 = vector.shape_cast %swap3A_194 : vector<16xf32> to vector<16xf32>
    %swap3A_196 = vector.shape_cast %broadcast_in_dim3A_192 : vector<16xf32> to vector<16xf32>
    tpu.vector_store %arg7[%swap3A_193], %swap3A_196 {strides = array<i32>} : memref<640xf32, #tpu.memory_space<vmem>>, vector<16xf32>,
    %broadcast_in_dim3A_197 = arith.constant 0.000000e+00 : f32
    %broadcast_in_dim3A_198 = vector.broadcast %broadcast_in_dim3A_197 : f32 to vector<16xf32>
    %swap3A_199 = arith.constant 528 : index
    %swap3A_200 = tpu.vector_load %arg7[%swap3A_199] {strides = array<i32>} : memref<640xf32, #tpu.memory_space<vmem>>, vector<16xf32>,
    %swap3A_201 = vector.shape_cast %swap3A_200 : vector<16xf32> to vector<16xf32>
    %swap3A_202 = vector.shape_cast %broadcast_in_dim3A_198 : vector<16xf32> to vector<16xf32>
    tpu.vector_store %arg7[%swap3A_199], %swap3A_202 {strides = array<i32>} : memref<640xf32, #tpu.memory_space<vmem>>, vector<16xf32>,
    %broadcast_in_dim3A_203 = arith.constant 0.000000e+00 : f32
    %broadcast_in_dim3A_204 = vector.broadcast %broadcast_in_dim3A_203 : f32 to vector<16xf32>
    %swap3A_205 = arith.constant 544 : index
    %swap3A_206 = tpu.vector_load %arg7[%swap3A_205] {strides = array<i32>} : memref<640xf32, #tpu.memory_space<vmem>>, vector<16xf32>,
    %swap3A_207 = vector.shape_cast %swap3A_206 : vector<16xf32> to vector<16xf32>
    %swap3A_208 = vector.shape_cast %broadcast_in_dim3A_204 : vector<16xf32> to vector<16xf32>
    tpu.vector_store %arg7[%swap3A_205], %swap3A_208 {strides = array<i32>} : memref<640xf32, #tpu.memory_space<vmem>>, vector<16xf32>,
    %broadcast_in_dim3A_209 = arith.constant 0.000000e+00 : f32
    %broadcast_in_dim3A_210 = vector.broadcast %broadcast_in_dim3A_209 : f32 to vector<16xf32>
    %swap3A_211 = arith.constant 560 : index
    %swap3A_212 = tpu.vector_load %arg7[%swap3A_211] {strides = array<i32>} : memref<640xf32, #tpu.memory_space<vmem>>, vector<16xf32>,
    %swap3A_213 = vector.shape_cast %swap3A_212 : vector<16xf32> to vector<16xf32>
    %swap3A_214 = vector.shape_cast %broadcast_in_dim3A_210 : vector<16xf32> to vector<16xf32>
    tpu.vector_store %arg7[%swap3A_211], %swap3A_214 {strides = array<i32>} : memref<640xf32, #tpu.memory_space<vmem>>, vector<16xf32>,
    %broadcast_in_dim3A_215 = arith.constant 0.000000e+00 : f32
    %broadcast_in_dim3A_216 = vector.broadcast %broadcast_in_dim3A_215 : f32 to vector<16xf32>
    %swap3A_217 = arith.constant 576 : index
    %swap3A_218 = tpu.vector_load %arg7[%swap3A_217] {strides = array<i32>} : memref<640xf32, #tpu.memory_space<vmem>>, vector<16xf32>,
    %swap3A_219 = vector.shape_cast %swap3A_218 : vector<16xf32> to vector<16xf32>
    %swap3A_220 = vector.shape_cast %broadcast_in_dim3A_216 : vector<16xf32> to vector<16xf32>
    tpu.vector_store %arg7[%swap3A_217], %swap3A_220 {strides = array<i32>} : memref<640xf32, #tpu.memory_space<vmem>>, vector<16xf32>,
    %broadcast_in_dim3A_221 = arith.constant 0.000000e+00 : f32
    %broadcast_in_dim3A_222 = vector.broadcast %broadcast_in_dim3A_221 : f32 to vector<16xf32>
    %swap3A_223 = arith.constant 592 : index
    %swap3A_224 = tpu.vector_load %arg7[%swap3A_223] {strides = array<i32>} : memref<640xf32, #tpu.memory_space<vmem>>, vector<16xf32>,
    %swap3A_225 = vector.shape_cast %swap3A_224 : vector<16xf32> to vector<16xf32>
    %swap3A_226 = vector.shape_cast %broadcast_in_dim3A_222 : vector<16xf32> to vector<16xf32>
    tpu.vector_store %arg7[%swap3A_223], %swap3A_226 {strides = array<i32>} : memref<640xf32, #tpu.memory_space<vmem>>, vector<16xf32>,
    %broadcast_in_dim3A_227 = arith.constant 0.000000e+00 : f32
    %broadcast_in_dim3A_228 = vector.broadcast %broadcast_in_dim3A_227 : f32 to vector<16xf32>
    %swap3A_229 = arith.constant 608 : index
    %swap3A_230 = tpu.vector_load %arg7[%swap3A_229] {strides = array<i32>} : memref<640xf32, #tpu.memory_space<vmem>>, vector<16xf32>,
    %swap3A_231 = vector.shape_cast %swap3A_230 : vector<16xf32> to vector<16xf32>
    %swap3A_232 = vector.shape_cast %broadcast_in_dim3A_228 : vector<16xf32> to vector<16xf32>
    tpu.vector_store %arg7[%swap3A_229], %swap3A_232 {strides = array<i32>} : memref<640xf32, #tpu.memory_space<vmem>>, vector<16xf32>,
    %broadcast_in_dim3A_233 = arith.constant 0.000000e+00 : f32
    %broadcast_in_dim3A_234 = vector.broadcast %broadcast_in_dim3A_233 : f32 to vector<16xf32>
    %swap3A_235 = arith.constant 624 : index
    %swap3A_236 = tpu.vector_load %arg7[%swap3A_235] {strides = array<i32>} : memref<640xf32, #tpu.memory_space<vmem>>, vector<16xf32>,
    %swap3A_237 = vector.shape_cast %swap3A_236 : vector<16xf32> to vector<16xf32>
    %swap3A_238 = vector.shape_cast %broadcast_in_dim3A_234 : vector<16xf32> to vector<16xf32>
    tpu.vector_store %arg7[%swap3A_235], %swap3A_238 {strides = array<i32>} : memref<640xf32, #tpu.memory_space<vmem>>, vector<16xf32>,
    %mul3A_239 = arith.constant 640 : i32
    %mul3A_240 = arith.muli %arg1, %mul3A_239 : i32
    "tpu.region"() ({
      %run_scoped3A = tpu.sem_alloc : memref<!tpu.dma_semaphore, #tpu.memory_space<semaphore_mem>>
      %dma_start3A = tpu.memref_slice %arg8[%mul3A_240] : memref<10240xf32, #tpu.memory_space<vmem_shared>> -> memref<640xf32, #tpu.memory_space<vmem_shared>>
      %dma_start3A_250 = tpu.memref_slice %arg8[%mul3A_240] : memref<10240xf32, #tpu.memory_space<vmem_shared>> -> memref<640xf32, #tpu.memory_space<vmem_shared>>
      tpu.enqueue_dma source(%arg7 : memref<640xf32, #tpu.memory_space<vmem>>) target(%dma_start3A_250 : memref<640xf32, #tpu.memory_space<vmem_shared>>) target_semaphore(%run_scoped3A : memref<!tpu.dma_semaphore, #tpu.memory_space<semaphore_mem>>)
      %dma_wait3A = tpu.memref_slice %arg8[%mul3A_240] : memref<10240xf32, #tpu.memory_space<vmem_shared>> -> memref<640xf32, #tpu.memory_space<vmem_shared>>
      %dma_wait3A_251 = tpu.memref_slice %arg8[%mul3A_240] : memref<10240xf32, #tpu.memory_space<vmem_shared>> -> memref<640xf32, #tpu.memory_space<vmem_shared>>
      tpu.wait_dma2 semaphore(%run_scoped3A : memref<!tpu.dma_semaphore, #tpu.memory_space<semaphore_mem>>) src(%arg7 : memref<640xf32, #tpu.memory_space<vmem>>) dst(%dma_wait3A_251 : memref<640xf32, #tpu.memory_space<vmem_shared>>)
      tpu.yield
    }) : () -> ()
    %mul3A_241 = arith.constant 10000 : i32
    %mul3A_242 = arith.muli %add3A, %mul3A_241 : i32
    %add3A_243 = arith.constant 320000 : i32
    %add3A_244 = arith.addi %add3A_243, %mul3A_242 : i32
    "tpu.region"() ({
      %run_scoped3A = tpu.sem_alloc : memref<!tpu.dma_semaphore, #tpu.memory_space<semaphore_mem>>
      %dma_start3A = tpu.memref_slice %arg2[%add3A_244] : memref<640000xi32, #tpu.memory_space<hbm>> -> memref<10000xi32, #tpu.memory_space<hbm>>
      %dma_start3A_250 = tpu.memref_slice %arg2[%add3A_244] : memref<640000xi32, #tpu.memory_space<hbm>> -> memref<10000xi32, #tpu.memory_space<hbm>>
      tpu.enqueue_dma source(%dma_start3A_250 : memref<10000xi32, #tpu.memory_space<hbm>>) target(%arg5 : memref<10000xi32, #tpu.memory_space<vmem>>) target_semaphore(%run_scoped3A : memref<!tpu.dma_semaphore, #tpu.memory_space<semaphore_mem>>)
      %dma_wait3A = tpu.memref_slice %arg2[%add3A_244] : memref<640000xi32, #tpu.memory_space<hbm>> -> memref<10000xi32, #tpu.memory_space<hbm>>
      %dma_wait3A_251 = tpu.memref_slice %arg2[%add3A_244] : memref<640000xi32, #tpu.memory_space<hbm>> -> memref<10000xi32, #tpu.memory_space<hbm>>
      tpu.wait_dma2 semaphore(%run_scoped3A : memref<!tpu.dma_semaphore, #tpu.memory_space<semaphore_mem>>) src(%dma_wait3A_251 : memref<10000xi32, #tpu.memory_space<hbm>>) dst(%arg5 : memref<10000xi32, #tpu.memory_space<vmem>>)
      tpu.yield
    }) : () -> ()
    "tpu.region"() ({
      %run_scoped3A = tpu.sem_alloc : memref<!tpu.dma_semaphore, #tpu.memory_space<semaphore_mem>>
      tpu.enqueue_dma source(%arg3 : memref<10000xf32, #tpu.memory_space<hbm>>) target(%arg6 : memref<10000xf32, #tpu.memory_space<vmem>>) target_semaphore(%run_scoped3A : memref<!tpu.dma_semaphore, #tpu.memory_space<semaphore_mem>>)
      tpu.wait_dma2 semaphore(%run_scoped3A : memref<!tpu.dma_semaphore, #tpu.memory_space<semaphore_mem>>) src(%arg3 : memref<10000xf32, #tpu.memory_space<hbm>>) dst(%arg6 : memref<10000xf32, #tpu.memory_space<vmem>>)
      tpu.yield
    }) : () -> ()
    %barrier3A = arith.constant 0 : index
    tpu.barrier barrier_id(%barrier3A)
    "tpu.region"() ({
      %run_scoped3A = tpu.sem_alloc : memref<!tpu.dma_semaphore, #tpu.memory_space<semaphore_mem>>
      %dma_start3A = arith.constant 0 : i32
      %dma_start3A_250 = tpu.memref_slice %arg8[%dma_start3A] : memref<10240xf32, #tpu.memory_space<vmem_shared>> -> memref<10240xf32, #tpu.memory_space<vmem_shared>>
      tpu.enqueue_indirect_dma source(%arg6 : memref<10000xf32, #tpu.memory_space<vmem>>) target(%dma_start3A_250 : memref<10240xf32, #tpu.memory_space<vmem_shared>>) offsets(%arg5 : memref<10000xi32, #tpu.memory_space<vmem>>) semaphore(%run_scoped3A : memref<!tpu.dma_semaphore, #tpu.memory_space<semaphore_mem>>) {add = true}
      %dma_wait3A = arith.constant 0 : i32
      %dma_wait3A_251 = tpu.memref_slice %arg8[%dma_wait3A] : memref<10240xf32, #tpu.memory_space<vmem_shared>> -> memref<10240xf32, #tpu.memory_space<vmem_shared>>
      tpu.wait_indirect_dma semaphore(%run_scoped3A : memref<!tpu.dma_semaphore, #tpu.memory_space<semaphore_mem>>) src(%arg6 : memref<10000xf32, #tpu.memory_space<vmem>>) dst(%dma_wait3A_251 : memref<10240xf32, #tpu.memory_space<vmem_shared>>)
      tpu.yield
    }) : () -> ()
    %barrier3A_245 = arith.constant 0 : index
    tpu.barrier barrier_id(%barrier3A_245)
    %mul3A_246 = arith.constant 640 : i32
    %mul3A_247 = arith.muli %arg1, %mul3A_246 : i32
    "tpu.region"() ({
      %run_scoped3A = tpu.sem_alloc : memref<!tpu.dma_semaphore, #tpu.memory_space<semaphore_mem>>
      %dma_start3A = tpu.memref_slice %arg8[%mul3A_247] : memref<10240xf32, #tpu.memory_space<vmem_shared>> -> memref<640xf32, #tpu.memory_space<vmem_shared>>
      %dma_start3A_250 = tpu.memref_slice %arg8[%mul3A_247] : memref<10240xf32, #tpu.memory_space<vmem_shared>> -> memref<640xf32, #tpu.memory_space<vmem_shared>>
      tpu.enqueue_dma source(%dma_start3A_250 : memref<640xf32, #tpu.memory_space<vmem_shared>>) target(%arg7 : memref<640xf32, #tpu.memory_space<vmem>>) target_semaphore(%run_scoped3A : memref<!tpu.dma_semaphore, #tpu.memory_space<semaphore_mem>>)
      %dma_wait3A = tpu.memref_slice %arg8[%mul3A_247] : memref<10240xf32, #tpu.memory_space<vmem_shared>> -> memref<640xf32, #tpu.memory_space<vmem_shared>>
      %dma_wait3A_251 = tpu.memref_slice %arg8[%mul3A_247] : memref<10240xf32, #tpu.memory_space<vmem_shared>> -> memref<640xf32, #tpu.memory_space<vmem_shared>>
      tpu.wait_dma2 semaphore(%run_scoped3A : memref<!tpu.dma_semaphore, #tpu.memory_space<semaphore_mem>>) src(%dma_wait3A_251 : memref<640xf32, #tpu.memory_space<vmem_shared>>) dst(%arg7 : memref<640xf32, #tpu.memory_space<vmem>>)
      tpu.yield
    }) : () -> ()
    %mul3A_248 = arith.constant 640 : i32
    %mul3A_249 = arith.muli %arg1, %mul3A_248 : i32
    "tpu.region"() ({
      %run_scoped3A = tpu.sem_alloc : memref<!tpu.dma_semaphore, #tpu.memory_space<semaphore_mem>>
      %dma_start3A = tpu.memref_slice %arg4[%arg0, %mul3A_249] : memref<2x10240xf32, #tpu.memory_space<hbm>> -> memref<1x640xf32, #tpu.memory_space<hbm>>
      %dma_start3A_250 = tpu.memref_squeeze %dma_start3A : memref<1x640xf32, #tpu.memory_space<hbm>> -> memref<640xf32, #tpu.memory_space<hbm>>
      %dma_start3A_251 = tpu.memref_slice %arg4[%arg0, %mul3A_249] : memref<2x10240xf32, #tpu.memory_space<hbm>> -> memref<1x640xf32, #tpu.memory_space<hbm>>
      %dma_start3A_252 = tpu.memref_squeeze %dma_start3A_251 : memref<1x640xf32, #tpu.memory_space<hbm>> -> memref<640xf32, #tpu.memory_space<hbm>>
      tpu.enqueue_dma source(%arg7 : memref<640xf32, #tpu.memory_space<vmem>>) target(%dma_start3A_252 : memref<640xf32, #tpu.memory_space<hbm>>) target_semaphore(%run_scoped3A : memref<!tpu.dma_semaphore, #tpu.memory_space<semaphore_mem>>)
      %dma_wait3A = tpu.memref_slice %arg4[%arg0, %mul3A_249] : memref<2x10240xf32, #tpu.memory_space<hbm>> -> memref<1x640xf32, #tpu.memory_space<hbm>>
      %dma_wait3A_253 = tpu.memref_squeeze %dma_wait3A : memref<1x640xf32, #tpu.memory_space<hbm>> -> memref<640xf32, #tpu.memory_space<hbm>>
      %dma_wait3A_254 = tpu.memref_slice %arg4[%arg0, %mul3A_249] : memref<2x10240xf32, #tpu.memory_space<hbm>> -> memref<1x640xf32, #tpu.memory_space<hbm>>
      %dma_wait3A_255 = tpu.memref_squeeze %dma_wait3A_254 : memref<1x640xf32, #tpu.memory_space<hbm>> -> memref<640xf32, #tpu.memory_space<hbm>>
      tpu.wait_dma2 semaphore(%run_scoped3A : memref<!tpu.dma_semaphore, #tpu.memory_space<semaphore_mem>>) src(%arg7 : memref<640xf32, #tpu.memory_space<vmem>>) dst(%dma_wait3A_255 : memref<640xf32, #tpu.memory_space<hbm>>)
      tpu.yield
    }) : () -> ()
    return
  }
}

module attributes {stable_mosaic.version = 14 : i64} {
  func.func @_tc_body(%arg0: memref<2x10240xf32, #tpu.memory_space<vmem>>, %arg1: memref<2x8x1280xf32, #tpu.memory_space<vmem>>, %arg2: memref<10000x128xf32, #tpu.memory_space<vmem>>, %arg3: memref<3x10240xf32, #tpu.memory_space<vmem>>, %arg4: memref<3x8x1280xf32, #tpu.memory_space<vmem>>, %arg5: memref<3x128x128xf32, #tpu.memory_space<vmem>>, %arg6: memref<3x128x1xf32, #tpu.memory_space<vmem>>, %arg7: memref<10000x128xf32, #tpu.memory_space<vmem>>) attributes {dimension_semantics = [], scalar_prefetch = 0 : i64, scratch_operands = 0 : i64, tpu.core_type = #tpu.core_type<tc>} {
    %get3A = arith.constant 0 : index
    %get3A_0 = arith.constant 0 : index
    %get3A_1 = arith.constant 0 : index
    %get3A_2 = vector.load %arg1[%get3A, %get3A_0, %get3A_1] : memref<2x8x1280xf32, #tpu.memory_space<vmem>>, vector<1x8x1280xf32>
    %get3A_3 = vector.shape_cast %get3A_2 : vector<1x8x1280xf32> to vector<8x1280xf32>
    %get3A_4 = arith.constant 1 : index
    %get3A_5 = arith.constant 0 : index
    %get3A_6 = arith.constant 0 : index
    %get3A_7 = vector.load %arg1[%get3A_4, %get3A_5, %get3A_6] : memref<2x8x1280xf32, #tpu.memory_space<vmem>>, vector<1x8x1280xf32>
    %get3A_8 = vector.shape_cast %get3A_7 : vector<1x8x1280xf32> to vector<8x1280xf32>
    %add3A = arith.addf %get3A_3, %get3A_8 : vector<8x1280xf32>
    %iota3A = tpu.iota {dimensions = array<i32: 1>} : vector<3x8x1280xi32>
    %mul3A = arith.constant 1280 : i32
    %mul3A_9 = vector.broadcast %mul3A : i32 to vector<3x8x1280xi32>
    %mul3A_10 = arith.muli %iota3A, %mul3A_9 : vector<3x8x1280xi32>
    %iota3A_11 = tpu.iota {dimensions = array<i32: 2>} : vector<3x8x1280xi32>
    %add3A_12 = arith.addi %mul3A_10, %iota3A_11 : vector<3x8x1280xi32>
    %lt3A = arith.constant 10000 : i32
    %lt3A_13 = vector.broadcast %lt3A : i32 to vector<3x8x1280xi32>
    %lt3A_14 = arith.cmpi slt, %add3A_12, %lt3A_13 : vector<3x8x1280xi32>
    %slice3A = vector.extract_strided_slice %lt3A_14 {offsets = [0, 0, 0], sizes = [1, 8, 1280], strides = [1, 1, 1]} : vector<3x8x1280xi1> to vector<1x8x1280xi1>
    %squeeze3A = vector.shape_cast %slice3A : vector<1x8x1280xi1> to vector<8x1280xi1>
    %jit3A = arith.constant 0.000000e+00 : f32
    %broadcast_in_dim3A = vector.broadcast %jit3A : f32 to vector<8x1280xf32>
    %select_n3A = arith.select %squeeze3A, %add3A, %broadcast_in_dim3A : vector<8x1280xi1>, vector<8x1280xf32>
    %reduce_sum3A = vector.shape_cast %select_n3A : vector<8x1280xf32> to vector<1x8x1280xf32>
    %reduce_sum3A_15 = arith.constant dense<0.000000e+00> : vector<1xf32>
    %reduce_sum3A_16 = vector.multi_reduction <add>, %reduce_sum3A, %reduce_sum3A_15 [1, 2] : vector<1x8x1280xf32> to vector<1xf32>
    %reduce_sum3A_17 = vector.shape_cast %reduce_sum3A_16 : vector<1xf32> to vector<1x1x1xf32>
    %reduce_sum3A_18 = vector.extract %reduce_sum3A_17[0, 0, 0] : f32 from vector<1x1x1xf32>
    %div3A = vector.broadcast %reduce_sum3A_18 : f32 to vector<8x1280xf32>
    %div3A_19 = arith.divf %add3A, %div3A : vector<8x1280xf32>
    %log3A = math.log %div3A_19 : vector<8x1280xf32>
    %get3A_20 = arith.constant 0 : index
    %get3A_21 = arith.constant 0 : index
    %get3A_22 = arith.constant 0 : index
    %get3A_23 = vector.load %arg4[%get3A_20, %get3A_21, %get3A_22] : memref<3x8x1280xf32, #tpu.memory_space<vmem>>, vector<3x8x1280xf32>
    %broadcast_in_dim3A_24 = vector.shape_cast %log3A : vector<8x1280xf32> to vector<1x8x1280xf32>
    %add3A_25 = vector.broadcast %broadcast_in_dim3A_24 : vector<1x8x1280xf32> to vector<3x8x1280xf32>
    %add3A_26 = arith.addf %get3A_23, %add3A_25 : vector<3x8x1280xf32>
    %bitcast_convert_type3A = tpu.bitcast %add3A_26 : vector<3x8x1280xf32> -> vector<3x8x1280xi32>
    %lt3A_27 = arith.constant 0 : i32
    %lt3A_28 = vector.broadcast %lt3A_27 : i32 to vector<3x8x1280xi32>
    %lt3A_29 = arith.cmpi slt, %bitcast_convert_type3A, %lt3A_28 : vector<3x8x1280xi32>
    %xor3A = arith.constant 2147483647 : i32
    %xor3A_30 = vector.broadcast %xor3A : i32 to vector<3x8x1280xi32>
    %xor3A_31 = arith.xori %bitcast_convert_type3A, %xor3A_30 : vector<3x8x1280xi32>
    %select_n3A_32 = arith.select %lt3A_29, %xor3A_31, %bitcast_convert_type3A : vector<3x8x1280xi1>, vector<3x8x1280xi32>
    %jit3A_33 = arith.constant -2147483648 : i32
    %broadcast_in_dim3A_34 = vector.broadcast %jit3A_33 : i32 to vector<3x8x1280xi32>
    %select_n3A_35 = arith.select %lt3A_14, %select_n3A_32, %broadcast_in_dim3A_34 : vector<3x8x1280xi1>, vector<3x8x1280xi32>
    %iota3A_36 = tpu.iota {dimensions = array<i32: 0>} : vector<3x1x1xi32>
    %add3A_37 = arith.constant 1 : i32
    %add3A_38 = vector.broadcast %add3A_37 : i32 to vector<3x1x1xi32>
    %add3A_39 = arith.addi %iota3A_36, %add3A_38 : vector<3x1x1xi32>
    %shift_right_arithmetic3A = arith.constant 4000 : i32
    %shift_right_arithmetic3A_40 = vector.broadcast %shift_right_arithmetic3A : i32 to vector<3x1x1xi32>
    %shift_right_arithmetic3A_41 = arith.shrsi %shift_right_arithmetic3A_40, %add3A_39 : vector<3x1x1xi32>
    %broadcast_in_dim3A_42 = arith.constant -2147483648 : i32
    %broadcast_in_dim3A_43 = vector.broadcast %broadcast_in_dim3A_42 : i32 to vector<3x1x1xi32>
    %broadcast_in_dim3A_44 = arith.constant 0 : i32
    %broadcast_in_dim3A_45 = vector.broadcast %broadcast_in_dim3A_44 : i32 to vector<3x1x1xi32>
    %add3A_46 = arith.constant 268435456 : i32
    %add3A_47 = vector.broadcast %add3A_46 : i32 to vector<3x1x1xi32>
    %add3A_48 = arith.addi %broadcast_in_dim3A_43, %add3A_47 : vector<3x1x1xi32>
    %ge3A = vector.broadcast %add3A_48 : vector<3x1x1xi32> to vector<3x8x1280xi32>
    %ge3A_49 = arith.cmpi sge, %select_n3A_35, %ge3A : vector<3x8x1280xi32>
    %convert_element_type3A = arith.extui %ge3A_49 : vector<3x8x1280xi1> to vector<3x8x1280xi32>
    %reduce_sum3A_50 = arith.constant dense<0> : vector<3xi32>
    %reduce_sum3A_51 = vector.multi_reduction <add>, %convert_element_type3A, %reduce_sum3A_50 [1, 2] : vector<3x8x1280xi32> to vector<3xi32>
    %broadcast_in_dim3A_52 = vector.shape_cast %reduce_sum3A_51 : vector<3xi32> to vector<3x1x1xi32>
    %ge3A_53 = arith.cmpi sge, %broadcast_in_dim3A_52, %shift_right_arithmetic3A_41 : vector<3x1x1xi32>
    %convert_element_type3A_54 = arith.extui %ge3A_53 : vector<3x1x1xi1> to vector<3x1x1xi32>
    %add3A_55 = arith.addi %broadcast_in_dim3A_45, %convert_element_type3A_54 : vector<3x1x1xi32>
    %add3A_56 = arith.constant 536870912 : i32
    %add3A_57 = vector.broadcast %add3A_56 : i32 to vector<3x1x1xi32>
    %add3A_58 = arith.addi %broadcast_in_dim3A_43, %add3A_57 : vector<3x1x1xi32>
    %ge3A_59 = vector.broadcast %add3A_58 : vector<3x1x1xi32> to vector<3x8x1280xi32>
    %ge3A_60 = arith.cmpi sge, %select_n3A_35, %ge3A_59 : vector<3x8x1280xi32>
    %convert_element_type3A_61 = arith.extui %ge3A_60 : vector<3x8x1280xi1> to vector<3x8x1280xi32>
    %reduce_sum3A_62 = arith.constant dense<0> : vector<3xi32>
    %reduce_sum3A_63 = vector.multi_reduction <add>, %convert_element_type3A_61, %reduce_sum3A_62 [1, 2] : vector<3x8x1280xi32> to vector<3xi32>
    %broadcast_in_dim3A_64 = vector.shape_cast %reduce_sum3A_63 : vector<3xi32> to vector<3x1x1xi32>
    %ge3A_65 = arith.cmpi sge, %broadcast_in_dim3A_64, %shift_right_arithmetic3A_41 : vector<3x1x1xi32>
    %convert_element_type3A_66 = arith.extui %ge3A_65 : vector<3x1x1xi1> to vector<3x1x1xi32>
    %add3A_67 = arith.addi %add3A_55, %convert_element_type3A_66 : vector<3x1x1xi32>
    %add3A_68 = arith.constant 805306368 : i32
    %add3A_69 = vector.broadcast %add3A_68 : i32 to vector<3x1x1xi32>
    %add3A_70 = arith.addi %broadcast_in_dim3A_43, %add3A_69 : vector<3x1x1xi32>
    %ge3A_71 = vector.broadcast %add3A_70 : vector<3x1x1xi32> to vector<3x8x1280xi32>
    %ge3A_72 = arith.cmpi sge, %select_n3A_35, %ge3A_71 : vector<3x8x1280xi32>
    %convert_element_type3A_73 = arith.extui %ge3A_72 : vector<3x8x1280xi1> to vector<3x8x1280xi32>
    %reduce_sum3A_74 = arith.constant dense<0> : vector<3xi32>
    %reduce_sum3A_75 = vector.multi_reduction <add>, %convert_element_type3A_73, %reduce_sum3A_74 [1, 2] : vector<3x8x1280xi32> to vector<3xi32>
    %broadcast_in_dim3A_76 = vector.shape_cast %reduce_sum3A_75 : vector<3xi32> to vector<3x1x1xi32>
    %ge3A_77 = arith.cmpi sge, %broadcast_in_dim3A_76, %shift_right_arithmetic3A_41 : vector<3x1x1xi32>
    %convert_element_type3A_78 = arith.extui %ge3A_77 : vector<3x1x1xi1> to vector<3x1x1xi32>
    %add3A_79 = arith.addi %add3A_67, %convert_element_type3A_78 : vector<3x1x1xi32>
    %add3A_80 = arith.constant 1073741824 : i32
    %add3A_81 = vector.broadcast %add3A_80 : i32 to vector<3x1x1xi32>
    %add3A_82 = arith.addi %broadcast_in_dim3A_43, %add3A_81 : vector<3x1x1xi32>
    %ge3A_83 = vector.broadcast %add3A_82 : vector<3x1x1xi32> to vector<3x8x1280xi32>
    %ge3A_84 = arith.cmpi sge, %select_n3A_35, %ge3A_83 : vector<3x8x1280xi32>
    %convert_element_type3A_85 = arith.extui %ge3A_84 : vector<3x8x1280xi1> to vector<3x8x1280xi32>
    %reduce_sum3A_86 = arith.constant dense<0> : vector<3xi32>
    %reduce_sum3A_87 = vector.multi_reduction <add>, %convert_element_type3A_85, %reduce_sum3A_86 [1, 2] : vector<3x8x1280xi32> to vector<3xi32>
    %broadcast_in_dim3A_88 = vector.shape_cast %reduce_sum3A_87 : vector<3xi32> to vector<3x1x1xi32>
    %ge3A_89 = arith.cmpi sge, %broadcast_in_dim3A_88, %shift_right_arithmetic3A_41 : vector<3x1x1xi32>
    %convert_element_type3A_90 = arith.extui %ge3A_89 : vector<3x1x1xi1> to vector<3x1x1xi32>
    %add3A_91 = arith.addi %add3A_79, %convert_element_type3A_90 : vector<3x1x1xi32>
    %add3A_92 = arith.constant 1342177280 : i32
    %add3A_93 = vector.broadcast %add3A_92 : i32 to vector<3x1x1xi32>
    %add3A_94 = arith.addi %broadcast_in_dim3A_43, %add3A_93 : vector<3x1x1xi32>
    %ge3A_95 = vector.broadcast %add3A_94 : vector<3x1x1xi32> to vector<3x8x1280xi32>
    %ge3A_96 = arith.cmpi sge, %select_n3A_35, %ge3A_95 : vector<3x8x1280xi32>
    %convert_element_type3A_97 = arith.extui %ge3A_96 : vector<3x8x1280xi1> to vector<3x8x1280xi32>
    %reduce_sum3A_98 = arith.constant dense<0> : vector<3xi32>
    %reduce_sum3A_99 = vector.multi_reduction <add>, %convert_element_type3A_97, %reduce_sum3A_98 [1, 2] : vector<3x8x1280xi32> to vector<3xi32>
    %broadcast_in_dim3A_100 = vector.shape_cast %reduce_sum3A_99 : vector<3xi32> to vector<3x1x1xi32>
    %ge3A_101 = arith.cmpi sge, %broadcast_in_dim3A_100, %shift_right_arithmetic3A_41 : vector<3x1x1xi32>
    %convert_element_type3A_102 = arith.extui %ge3A_101 : vector<3x1x1xi1> to vector<3x1x1xi32>
    %add3A_103 = arith.addi %add3A_91, %convert_element_type3A_102 : vector<3x1x1xi32>
    %add3A_104 = arith.constant 1610612736 : i32
    %add3A_105 = vector.broadcast %add3A_104 : i32 to vector<3x1x1xi32>
    %add3A_106 = arith.addi %broadcast_in_dim3A_43, %add3A_105 : vector<3x1x1xi32>
    %ge3A_107 = vector.broadcast %add3A_106 : vector<3x1x1xi32> to vector<3x8x1280xi32>
    %ge3A_108 = arith.cmpi sge, %select_n3A_35, %ge3A_107 : vector<3x8x1280xi32>
    %convert_element_type3A_109 = arith.extui %ge3A_108 : vector<3x8x1280xi1> to vector<3x8x1280xi32>
    %reduce_sum3A_110 = arith.constant dense<0> : vector<3xi32>
    %reduce_sum3A_111 = vector.multi_reduction <add>, %convert_element_type3A_109, %reduce_sum3A_110 [1, 2] : vector<3x8x1280xi32> to vector<3xi32>
    %broadcast_in_dim3A_112 = vector.shape_cast %reduce_sum3A_111 : vector<3xi32> to vector<3x1x1xi32>
    %ge3A_113 = arith.cmpi sge, %broadcast_in_dim3A_112, %shift_right_arithmetic3A_41 : vector<3x1x1xi32>
    %convert_element_type3A_114 = arith.extui %ge3A_113 : vector<3x1x1xi1> to vector<3x1x1xi32>
    %add3A_115 = arith.addi %add3A_103, %convert_element_type3A_114 : vector<3x1x1xi32>
    %add3A_116 = arith.constant 1879048192 : i32
    %add3A_117 = vector.broadcast %add3A_116 : i32 to vector<3x1x1xi32>
    %add3A_118 = arith.addi %broadcast_in_dim3A_43, %add3A_117 : vector<3x1x1xi32>
    %ge3A_119 = vector.broadcast %add3A_118 : vector<3x1x1xi32> to vector<3x8x1280xi32>
    %ge3A_120 = arith.cmpi sge, %select_n3A_35, %ge3A_119 : vector<3x8x1280xi32>
    %convert_element_type3A_121 = arith.extui %ge3A_120 : vector<3x8x1280xi1> to vector<3x8x1280xi32>
    %reduce_sum3A_122 = arith.constant dense<0> : vector<3xi32>
    %reduce_sum3A_123 = vector.multi_reduction <add>, %convert_element_type3A_121, %reduce_sum3A_122 [1, 2] : vector<3x8x1280xi32> to vector<3xi32>
    %broadcast_in_dim3A_124 = vector.shape_cast %reduce_sum3A_123 : vector<3xi32> to vector<3x1x1xi32>
    %ge3A_125 = arith.cmpi sge, %broadcast_in_dim3A_124, %shift_right_arithmetic3A_41 : vector<3x1x1xi32>
    %convert_element_type3A_126 = arith.extui %ge3A_125 : vector<3x1x1xi1> to vector<3x1x1xi32>
    %add3A_127 = arith.addi %add3A_115, %convert_element_type3A_126 : vector<3x1x1xi32>
    %add3A_128 = arith.constant -2147483648 : i32
    %add3A_129 = vector.broadcast %add3A_128 : i32 to vector<3x1x1xi32>
    %add3A_130 = arith.addi %broadcast_in_dim3A_43, %add3A_129 : vector<3x1x1xi32>
    %ge3A_131 = vector.broadcast %add3A_130 : vector<3x1x1xi32> to vector<3x8x1280xi32>
    %ge3A_132 = arith.cmpi sge, %select_n3A_35, %ge3A_131 : vector<3x8x1280xi32>
    %convert_element_type3A_133 = arith.extui %ge3A_132 : vector<3x8x1280xi1> to vector<3x8x1280xi32>
    %reduce_sum3A_134 = arith.constant dense<0> : vector<3xi32>
    %reduce_sum3A_135 = vector.multi_reduction <add>, %convert_element_type3A_133, %reduce_sum3A_134 [1, 2] : vector<3x8x1280xi32> to vector<3xi32>
    %broadcast_in_dim3A_136 = vector.shape_cast %reduce_sum3A_135 : vector<3xi32> to vector<3x1x1xi32>
    %ge3A_137 = arith.cmpi sge, %broadcast_in_dim3A_136, %shift_right_arithmetic3A_41 : vector<3x1x1xi32>
    %convert_element_type3A_138 = arith.extui %ge3A_137 : vector<3x1x1xi1> to vector<3x1x1xi32>
    %add3A_139 = arith.addi %add3A_127, %convert_element_type3A_138 : vector<3x1x1xi32>
    %add3A_140 = arith.constant -1879048192 : i32
    %add3A_141 = vector.broadcast %add3A_140 : i32 to vector<3x1x1xi32>
    %add3A_142 = arith.addi %broadcast_in_dim3A_43, %add3A_141 : vector<3x1x1xi32>
    %ge3A_143 = vector.broadcast %add3A_142 : vector<3x1x1xi32> to vector<3x8x1280xi32>
    %ge3A_144 = arith.cmpi sge, %select_n3A_35, %ge3A_143 : vector<3x8x1280xi32>
    %convert_element_type3A_145 = arith.extui %ge3A_144 : vector<3x8x1280xi1> to vector<3x8x1280xi32>
    %reduce_sum3A_146 = arith.constant dense<0> : vector<3xi32>
    %reduce_sum3A_147 = vector.multi_reduction <add>, %convert_element_type3A_145, %reduce_sum3A_146 [1, 2] : vector<3x8x1280xi32> to vector<3xi32>
    %broadcast_in_dim3A_148 = vector.shape_cast %reduce_sum3A_147 : vector<3xi32> to vector<3x1x1xi32>
    %ge3A_149 = arith.cmpi sge, %broadcast_in_dim3A_148, %shift_right_arithmetic3A_41 : vector<3x1x1xi32>
    %convert_element_type3A_150 = arith.extui %ge3A_149 : vector<3x1x1xi1> to vector<3x1x1xi32>
    %add3A_151 = arith.addi %add3A_139, %convert_element_type3A_150 : vector<3x1x1xi32>
    %add3A_152 = arith.constant -1610612736 : i32
    %add3A_153 = vector.broadcast %add3A_152 : i32 to vector<3x1x1xi32>
    %add3A_154 = arith.addi %broadcast_in_dim3A_43, %add3A_153 : vector<3x1x1xi32>
    %ge3A_155 = vector.broadcast %add3A_154 : vector<3x1x1xi32> to vector<3x8x1280xi32>
    %ge3A_156 = arith.cmpi sge, %select_n3A_35, %ge3A_155 : vector<3x8x1280xi32>
    %convert_element_type3A_157 = arith.extui %ge3A_156 : vector<3x8x1280xi1> to vector<3x8x1280xi32>
    %reduce_sum3A_158 = arith.constant dense<0> : vector<3xi32>
    %reduce_sum3A_159 = vector.multi_reduction <add>, %convert_element_type3A_157, %reduce_sum3A_158 [1, 2] : vector<3x8x1280xi32> to vector<3xi32>
    %broadcast_in_dim3A_160 = vector.shape_cast %reduce_sum3A_159 : vector<3xi32> to vector<3x1x1xi32>
    %ge3A_161 = arith.cmpi sge, %broadcast_in_dim3A_160, %shift_right_arithmetic3A_41 : vector<3x1x1xi32>
    %convert_element_type3A_162 = arith.extui %ge3A_161 : vector<3x1x1xi1> to vector<3x1x1xi32>
    %add3A_163 = arith.addi %add3A_151, %convert_element_type3A_162 : vector<3x1x1xi32>
    %add3A_164 = arith.constant -1342177280 : i32
    %add3A_165 = vector.broadcast %add3A_164 : i32 to vector<3x1x1xi32>
    %add3A_166 = arith.addi %broadcast_in_dim3A_43, %add3A_165 : vector<3x1x1xi32>
    %ge3A_167 = vector.broadcast %add3A_166 : vector<3x1x1xi32> to vector<3x8x1280xi32>
    %ge3A_168 = arith.cmpi sge, %select_n3A_35, %ge3A_167 : vector<3x8x1280xi32>
    %convert_element_type3A_169 = arith.extui %ge3A_168 : vector<3x8x1280xi1> to vector<3x8x1280xi32>
    %reduce_sum3A_170 = arith.constant dense<0> : vector<3xi32>
    %reduce_sum3A_171 = vector.multi_reduction <add>, %convert_element_type3A_169, %reduce_sum3A_170 [1, 2] : vector<3x8x1280xi32> to vector<3xi32>
    %broadcast_in_dim3A_172 = vector.shape_cast %reduce_sum3A_171 : vector<3xi32> to vector<3x1x1xi32>
    %ge3A_173 = arith.cmpi sge, %broadcast_in_dim3A_172, %shift_right_arithmetic3A_41 : vector<3x1x1xi32>
    %convert_element_type3A_174 = arith.extui %ge3A_173 : vector<3x1x1xi1> to vector<3x1x1xi32>
    %add3A_175 = arith.addi %add3A_163, %convert_element_type3A_174 : vector<3x1x1xi32>
    %add3A_176 = arith.constant -1073741824 : i32
    %add3A_177 = vector.broadcast %add3A_176 : i32 to vector<3x1x1xi32>
    %add3A_178 = arith.addi %broadcast_in_dim3A_43, %add3A_177 : vector<3x1x1xi32>
    %ge3A_179 = vector.broadcast %add3A_178 : vector<3x1x1xi32> to vector<3x8x1280xi32>
    %ge3A_180 = arith.cmpi sge, %select_n3A_35, %ge3A_179 : vector<3x8x1280xi32>
    %convert_element_type3A_181 = arith.extui %ge3A_180 : vector<3x8x1280xi1> to vector<3x8x1280xi32>
    %reduce_sum3A_182 = arith.constant dense<0> : vector<3xi32>
    %reduce_sum3A_183 = vector.multi_reduction <add>, %convert_element_type3A_181, %reduce_sum3A_182 [1, 2] : vector<3x8x1280xi32> to vector<3xi32>
    %broadcast_in_dim3A_184 = vector.shape_cast %reduce_sum3A_183 : vector<3xi32> to vector<3x1x1xi32>
    %ge3A_185 = arith.cmpi sge, %broadcast_in_dim3A_184, %shift_right_arithmetic3A_41 : vector<3x1x1xi32>
    %convert_element_type3A_186 = arith.extui %ge3A_185 : vector<3x1x1xi1> to vector<3x1x1xi32>
    %add3A_187 = arith.addi %add3A_175, %convert_element_type3A_186 : vector<3x1x1xi32>
    %add3A_188 = arith.constant -805306368 : i32
    %add3A_189 = vector.broadcast %add3A_188 : i32 to vector<3x1x1xi32>
    %add3A_190 = arith.addi %broadcast_in_dim3A_43, %add3A_189 : vector<3x1x1xi32>
    %ge3A_191 = vector.broadcast %add3A_190 : vector<3x1x1xi32> to vector<3x8x1280xi32>
    %ge3A_192 = arith.cmpi sge, %select_n3A_35, %ge3A_191 : vector<3x8x1280xi32>
    %convert_element_type3A_193 = arith.extui %ge3A_192 : vector<3x8x1280xi1> to vector<3x8x1280xi32>
    %reduce_sum3A_194 = arith.constant dense<0> : vector<3xi32>
    %reduce_sum3A_195 = vector.multi_reduction <add>, %convert_element_type3A_193, %reduce_sum3A_194 [1, 2] : vector<3x8x1280xi32> to vector<3xi32>
    %broadcast_in_dim3A_196 = vector.shape_cast %reduce_sum3A_195 : vector<3xi32> to vector<3x1x1xi32>
    %ge3A_197 = arith.cmpi sge, %broadcast_in_dim3A_196, %shift_right_arithmetic3A_41 : vector<3x1x1xi32>
    %convert_element_type3A_198 = arith.extui %ge3A_197 : vector<3x1x1xi1> to vector<3x1x1xi32>
    %add3A_199 = arith.addi %add3A_187, %convert_element_type3A_198 : vector<3x1x1xi32>
    %add3A_200 = arith.constant -536870912 : i32
    %add3A_201 = vector.broadcast %add3A_200 : i32 to vector<3x1x1xi32>
    %add3A_202 = arith.addi %broadcast_in_dim3A_43, %add3A_201 : vector<3x1x1xi32>
    %ge3A_203 = vector.broadcast %add3A_202 : vector<3x1x1xi32> to vector<3x8x1280xi32>
    %ge3A_204 = arith.cmpi sge, %select_n3A_35, %ge3A_203 : vector<3x8x1280xi32>
    %convert_element_type3A_205 = arith.extui %ge3A_204 : vector<3x8x1280xi1> to vector<3x8x1280xi32>
    %reduce_sum3A_206 = arith.constant dense<0> : vector<3xi32>
    %reduce_sum3A_207 = vector.multi_reduction <add>, %convert_element_type3A_205, %reduce_sum3A_206 [1, 2] : vector<3x8x1280xi32> to vector<3xi32>
    %broadcast_in_dim3A_208 = vector.shape_cast %reduce_sum3A_207 : vector<3xi32> to vector<3x1x1xi32>
    %ge3A_209 = arith.cmpi sge, %broadcast_in_dim3A_208, %shift_right_arithmetic3A_41 : vector<3x1x1xi32>
    %convert_element_type3A_210 = arith.extui %ge3A_209 : vector<3x1x1xi1> to vector<3x1x1xi32>
    %add3A_211 = arith.addi %add3A_199, %convert_element_type3A_210 : vector<3x1x1xi32>
    %add3A_212 = arith.constant -268435456 : i32
    %add3A_213 = vector.broadcast %add3A_212 : i32 to vector<3x1x1xi32>
    %add3A_214 = arith.addi %broadcast_in_dim3A_43, %add3A_213 : vector<3x1x1xi32>
    %ge3A_215 = vector.broadcast %add3A_214 : vector<3x1x1xi32> to vector<3x8x1280xi32>
    %ge3A_216 = arith.cmpi sge, %select_n3A_35, %ge3A_215 : vector<3x8x1280xi32>
    %convert_element_type3A_217 = arith.extui %ge3A_216 : vector<3x8x1280xi1> to vector<3x8x1280xi32>
    %reduce_sum3A_218 = arith.constant dense<0> : vector<3xi32>
    %reduce_sum3A_219 = vector.multi_reduction <add>, %convert_element_type3A_217, %reduce_sum3A_218 [1, 2] : vector<3x8x1280xi32> to vector<3xi32>
    %broadcast_in_dim3A_220 = vector.shape_cast %reduce_sum3A_219 : vector<3xi32> to vector<3x1x1xi32>
    %ge3A_221 = arith.cmpi sge, %broadcast_in_dim3A_220, %shift_right_arithmetic3A_41 : vector<3x1x1xi32>
    %convert_element_type3A_222 = arith.extui %ge3A_221 : vector<3x1x1xi1> to vector<3x1x1xi32>
    %add3A_223 = arith.addi %add3A_211, %convert_element_type3A_222 : vector<3x1x1xi32>
    %shift_left3A = arith.constant 28 : i32
    %shift_left3A_224 = vector.broadcast %shift_left3A : i32 to vector<3x1x1xi32>
    %shift_left3A_225 = arith.shli %add3A_223, %shift_left3A_224 : vector<3x1x1xi32>
    %add3A_226 = arith.addi %broadcast_in_dim3A_43, %shift_left3A_225 : vector<3x1x1xi32>
    %broadcast_in_dim3A_227 = arith.constant 0 : i32
    %broadcast_in_dim3A_228 = vector.broadcast %broadcast_in_dim3A_227 : i32 to vector<3x1x1xi32>
    %add3A_229 = arith.constant 16777216 : i32
    %add3A_230 = vector.broadcast %add3A_229 : i32 to vector<3x1x1xi32>
    %add3A_231 = arith.addi %add3A_226, %add3A_230 : vector<3x1x1xi32>
    %ge3A_232 = vector.broadcast %add3A_231 : vector<3x1x1xi32> to vector<3x8x1280xi32>
    %ge3A_233 = arith.cmpi sge, %select_n3A_35, %ge3A_232 : vector<3x8x1280xi32>
    %convert_element_type3A_234 = arith.extui %ge3A_233 : vector<3x8x1280xi1> to vector<3x8x1280xi32>
    %reduce_sum3A_235 = arith.constant dense<0> : vector<3xi32>
    %reduce_sum3A_236 = vector.multi_reduction <add>, %convert_element_type3A_234, %reduce_sum3A_235 [1, 2] : vector<3x8x1280xi32> to vector<3xi32>
    %broadcast_in_dim3A_237 = vector.shape_cast %reduce_sum3A_236 : vector<3xi32> to vector<3x1x1xi32>
    %ge3A_238 = arith.cmpi sge, %broadcast_in_dim3A_237, %shift_right_arithmetic3A_41 : vector<3x1x1xi32>
    %convert_element_type3A_239 = arith.extui %ge3A_238 : vector<3x1x1xi1> to vector<3x1x1xi32>
    %add3A_240 = arith.addi %broadcast_in_dim3A_228, %convert_element_type3A_239 : vector<3x1x1xi32>
    %add3A_241 = arith.constant 33554432 : i32
    %add3A_242 = vector.broadcast %add3A_241 : i32 to vector<3x1x1xi32>
    %add3A_243 = arith.addi %add3A_226, %add3A_242 : vector<3x1x1xi32>
    %ge3A_244 = vector.broadcast %add3A_243 : vector<3x1x1xi32> to vector<3x8x1280xi32>
    %ge3A_245 = arith.cmpi sge, %select_n3A_35, %ge3A_244 : vector<3x8x1280xi32>
    %convert_element_type3A_246 = arith.extui %ge3A_245 : vector<3x8x1280xi1> to vector<3x8x1280xi32>
    %reduce_sum3A_247 = arith.constant dense<0> : vector<3xi32>
    %reduce_sum3A_248 = vector.multi_reduction <add>, %convert_element_type3A_246, %reduce_sum3A_247 [1, 2] : vector<3x8x1280xi32> to vector<3xi32>
    %broadcast_in_dim3A_249 = vector.shape_cast %reduce_sum3A_248 : vector<3xi32> to vector<3x1x1xi32>
    %ge3A_250 = arith.cmpi sge, %broadcast_in_dim3A_249, %shift_right_arithmetic3A_41 : vector<3x1x1xi32>
    %convert_element_type3A_251 = arith.extui %ge3A_250 : vector<3x1x1xi1> to vector<3x1x1xi32>
    %add3A_252 = arith.addi %add3A_240, %convert_element_type3A_251 : vector<3x1x1xi32>
    %add3A_253 = arith.constant 50331648 : i32
    %add3A_254 = vector.broadcast %add3A_253 : i32 to vector<3x1x1xi32>
    %add3A_255 = arith.addi %add3A_226, %add3A_254 : vector<3x1x1xi32>
    %ge3A_256 = vector.broadcast %add3A_255 : vector<3x1x1xi32> to vector<3x8x1280xi32>
    %ge3A_257 = arith.cmpi sge, %select_n3A_35, %ge3A_256 : vector<3x8x1280xi32>
    %convert_element_type3A_258 = arith.extui %ge3A_257 : vector<3x8x1280xi1> to vector<3x8x1280xi32>
    %reduce_sum3A_259 = arith.constant dense<0> : vector<3xi32>
    %reduce_sum3A_260 = vector.multi_reduction <add>, %convert_element_type3A_258, %reduce_sum3A_259 [1, 2] : vector<3x8x1280xi32> to vector<3xi32>
    %broadcast_in_dim3A_261 = vector.shape_cast %reduce_sum3A_260 : vector<3xi32> to vector<3x1x1xi32>
    %ge3A_262 = arith.cmpi sge, %broadcast_in_dim3A_261, %shift_right_arithmetic3A_41 : vector<3x1x1xi32>
    %convert_element_type3A_263 = arith.extui %ge3A_262 : vector<3x1x1xi1> to vector<3x1x1xi32>
    %add3A_264 = arith.addi %add3A_252, %convert_element_type3A_263 : vector<3x1x1xi32>
    %add3A_265 = arith.constant 67108864 : i32
    %add3A_266 = vector.broadcast %add3A_265 : i32 to vector<3x1x1xi32>
    %add3A_267 = arith.addi %add3A_226, %add3A_266 : vector<3x1x1xi32>
    %ge3A_268 = vector.broadcast %add3A_267 : vector<3x1x1xi32> to vector<3x8x1280xi32>
    %ge3A_269 = arith.cmpi sge, %select_n3A_35, %ge3A_268 : vector<3x8x1280xi32>
    %convert_element_type3A_270 = arith.extui %ge3A_269 : vector<3x8x1280xi1> to vector<3x8x1280xi32>
    %reduce_sum3A_271 = arith.constant dense<0> : vector<3xi32>
    %reduce_sum3A_272 = vector.multi_reduction <add>, %convert_element_type3A_270, %reduce_sum3A_271 [1, 2] : vector<3x8x1280xi32> to vector<3xi32>
    %broadcast_in_dim3A_273 = vector.shape_cast %reduce_sum3A_272 : vector<3xi32> to vector<3x1x1xi32>
    %ge3A_274 = arith.cmpi sge, %broadcast_in_dim3A_273, %shift_right_arithmetic3A_41 : vector<3x1x1xi32>
    %convert_element_type3A_275 = arith.extui %ge3A_274 : vector<3x1x1xi1> to vector<3x1x1xi32>
    %add3A_276 = arith.addi %add3A_264, %convert_element_type3A_275 : vector<3x1x1xi32>
    %add3A_277 = arith.constant 83886080 : i32
    %add3A_278 = vector.broadcast %add3A_277 : i32 to vector<3x1x1xi32>
    %add3A_279 = arith.addi %add3A_226, %add3A_278 : vector<3x1x1xi32>
    %ge3A_280 = vector.broadcast %add3A_279 : vector<3x1x1xi32> to vector<3x8x1280xi32>
    %ge3A_281 = arith.cmpi sge, %select_n3A_35, %ge3A_280 : vector<3x8x1280xi32>
    %convert_element_type3A_282 = arith.extui %ge3A_281 : vector<3x8x1280xi1> to vector<3x8x1280xi32>
    %reduce_sum3A_283 = arith.constant dense<0> : vector<3xi32>
    %reduce_sum3A_284 = vector.multi_reduction <add>, %convert_element_type3A_282, %reduce_sum3A_283 [1, 2] : vector<3x8x1280xi32> to vector<3xi32>
    %broadcast_in_dim3A_285 = vector.shape_cast %reduce_sum3A_284 : vector<3xi32> to vector<3x1x1xi32>
    %ge3A_286 = arith.cmpi sge, %broadcast_in_dim3A_285, %shift_right_arithmetic3A_41 : vector<3x1x1xi32>
    %convert_element_type3A_287 = arith.extui %ge3A_286 : vector<3x1x1xi1> to vector<3x1x1xi32>
    %add3A_288 = arith.addi %add3A_276, %convert_element_type3A_287 : vector<3x1x1xi32>
    %add3A_289 = arith.constant 100663296 : i32
    %add3A_290 = vector.broadcast %add3A_289 : i32 to vector<3x1x1xi32>
    %add3A_291 = arith.addi %add3A_226, %add3A_290 : vector<3x1x1xi32>
    %ge3A_292 = vector.broadcast %add3A_291 : vector<3x1x1xi32> to vector<3x8x1280xi32>
    %ge3A_293 = arith.cmpi sge, %select_n3A_35, %ge3A_292 : vector<3x8x1280xi32>
    %convert_element_type3A_294 = arith.extui %ge3A_293 : vector<3x8x1280xi1> to vector<3x8x1280xi32>
    %reduce_sum3A_295 = arith.constant dense<0> : vector<3xi32>
    %reduce_sum3A_296 = vector.multi_reduction <add>, %convert_element_type3A_294, %reduce_sum3A_295 [1, 2] : vector<3x8x1280xi32> to vector<3xi32>
    %broadcast_in_dim3A_297 = vector.shape_cast %reduce_sum3A_296 : vector<3xi32> to vector<3x1x1xi32>
    %ge3A_298 = arith.cmpi sge, %broadcast_in_dim3A_297, %shift_right_arithmetic3A_41 : vector<3x1x1xi32>
    %convert_element_type3A_299 = arith.extui %ge3A_298 : vector<3x1x1xi1> to vector<3x1x1xi32>
    %add3A_300 = arith.addi %add3A_288, %convert_element_type3A_299 : vector<3x1x1xi32>
    %add3A_301 = arith.constant 117440512 : i32
    %add3A_302 = vector.broadcast %add3A_301 : i32 to vector<3x1x1xi32>
    %add3A_303 = arith.addi %add3A_226, %add3A_302 : vector<3x1x1xi32>
    %ge3A_304 = vector.broadcast %add3A_303 : vector<3x1x1xi32> to vector<3x8x1280xi32>
    %ge3A_305 = arith.cmpi sge, %select_n3A_35, %ge3A_304 : vector<3x8x1280xi32>
    %convert_element_type3A_306 = arith.extui %ge3A_305 : vector<3x8x1280xi1> to vector<3x8x1280xi32>
    %reduce_sum3A_307 = arith.constant dense<0> : vector<3xi32>
    %reduce_sum3A_308 = vector.multi_reduction <add>, %convert_element_type3A_306, %reduce_sum3A_307 [1, 2] : vector<3x8x1280xi32> to vector<3xi32>
    %broadcast_in_dim3A_309 = vector.shape_cast %reduce_sum3A_308 : vector<3xi32> to vector<3x1x1xi32>
    %ge3A_310 = arith.cmpi sge, %broadcast_in_dim3A_309, %shift_right_arithmetic3A_41 : vector<3x1x1xi32>
    %convert_element_type3A_311 = arith.extui %ge3A_310 : vector<3x1x1xi1> to vector<3x1x1xi32>
    %add3A_312 = arith.addi %add3A_300, %convert_element_type3A_311 : vector<3x1x1xi32>
    %add3A_313 = arith.constant 134217728 : i32
    %add3A_314 = vector.broadcast %add3A_313 : i32 to vector<3x1x1xi32>
    %add3A_315 = arith.addi %add3A_226, %add3A_314 : vector<3x1x1xi32>
    %ge3A_316 = vector.broadcast %add3A_315 : vector<3x1x1xi32> to vector<3x8x1280xi32>
    %ge3A_317 = arith.cmpi sge, %select_n3A_35, %ge3A_316 : vector<3x8x1280xi32>
    %convert_element_type3A_318 = arith.extui %ge3A_317 : vector<3x8x1280xi1> to vector<3x8x1280xi32>
    %reduce_sum3A_319 = arith.constant dense<0> : vector<3xi32>
    %reduce_sum3A_320 = vector.multi_reduction <add>, %convert_element_type3A_318, %reduce_sum3A_319 [1, 2] : vector<3x8x1280xi32> to vector<3xi32>
    %broadcast_in_dim3A_321 = vector.shape_cast %reduce_sum3A_320 : vector<3xi32> to vector<3x1x1xi32>
    %ge3A_322 = arith.cmpi sge, %broadcast_in_dim3A_321, %shift_right_arithmetic3A_41 : vector<3x1x1xi32>
    %convert_element_type3A_323 = arith.extui %ge3A_322 : vector<3x1x1xi1> to vector<3x1x1xi32>
    %add3A_324 = arith.addi %add3A_312, %convert_element_type3A_323 : vector<3x1x1xi32>
    %add3A_325 = arith.constant 150994944 : i32
    %add3A_326 = vector.broadcast %add3A_325 : i32 to vector<3x1x1xi32>
    %add3A_327 = arith.addi %add3A_226, %add3A_326 : vector<3x1x1xi32>
    %ge3A_328 = vector.broadcast %add3A_327 : vector<3x1x1xi32> to vector<3x8x1280xi32>
    %ge3A_329 = arith.cmpi sge, %select_n3A_35, %ge3A_328 : vector<3x8x1280xi32>
    %convert_element_type3A_330 = arith.extui %ge3A_329 : vector<3x8x1280xi1> to vector<3x8x1280xi32>
    %reduce_sum3A_331 = arith.constant dense<0> : vector<3xi32>
    %reduce_sum3A_332 = vector.multi_reduction <add>, %convert_element_type3A_330, %reduce_sum3A_331 [1, 2] : vector<3x8x1280xi32> to vector<3xi32>
    %broadcast_in_dim3A_333 = vector.shape_cast %reduce_sum3A_332 : vector<3xi32> to vector<3x1x1xi32>
    %ge3A_334 = arith.cmpi sge, %broadcast_in_dim3A_333, %shift_right_arithmetic3A_41 : vector<3x1x1xi32>
    %convert_element_type3A_335 = arith.extui %ge3A_334 : vector<3x1x1xi1> to vector<3x1x1xi32>
    %add3A_336 = arith.addi %add3A_324, %convert_element_type3A_335 : vector<3x1x1xi32>
    %add3A_337 = arith.constant 167772160 : i32
    %add3A_338 = vector.broadcast %add3A_337 : i32 to vector<3x1x1xi32>
    %add3A_339 = arith.addi %add3A_226, %add3A_338 : vector<3x1x1xi32>
    %ge3A_340 = vector.broadcast %add3A_339 : vector<3x1x1xi32> to vector<3x8x1280xi32>
    %ge3A_341 = arith.cmpi sge, %select_n3A_35, %ge3A_340 : vector<3x8x1280xi32>
    %convert_element_type3A_342 = arith.extui %ge3A_341 : vector<3x8x1280xi1> to vector<3x8x1280xi32>
    %reduce_sum3A_343 = arith.constant dense<0> : vector<3xi32>
    %reduce_sum3A_344 = vector.multi_reduction <add>, %convert_element_type3A_342, %reduce_sum3A_343 [1, 2] : vector<3x8x1280xi32> to vector<3xi32>
    %broadcast_in_dim3A_345 = vector.shape_cast %reduce_sum3A_344 : vector<3xi32> to vector<3x1x1xi32>
    %ge3A_346 = arith.cmpi sge, %broadcast_in_dim3A_345, %shift_right_arithmetic3A_41 : vector<3x1x1xi32>
    %convert_element_type3A_347 = arith.extui %ge3A_346 : vector<3x1x1xi1> to vector<3x1x1xi32>
    %add3A_348 = arith.addi %add3A_336, %convert_element_type3A_347 : vector<3x1x1xi32>
    %add3A_349 = arith.constant 184549376 : i32
    %add3A_350 = vector.broadcast %add3A_349 : i32 to vector<3x1x1xi32>
    %add3A_351 = arith.addi %add3A_226, %add3A_350 : vector<3x1x1xi32>
    %ge3A_352 = vector.broadcast %add3A_351 : vector<3x1x1xi32> to vector<3x8x1280xi32>
    %ge3A_353 = arith.cmpi sge, %select_n3A_35, %ge3A_352 : vector<3x8x1280xi32>
    %convert_element_type3A_354 = arith.extui %ge3A_353 : vector<3x8x1280xi1> to vector<3x8x1280xi32>
    %reduce_sum3A_355 = arith.constant dense<0> : vector<3xi32>
    %reduce_sum3A_356 = vector.multi_reduction <add>, %convert_element_type3A_354, %reduce_sum3A_355 [1, 2] : vector<3x8x1280xi32> to vector<3xi32>
    %broadcast_in_dim3A_357 = vector.shape_cast %reduce_sum3A_356 : vector<3xi32> to vector<3x1x1xi32>
    %ge3A_358 = arith.cmpi sge, %broadcast_in_dim3A_357, %shift_right_arithmetic3A_41 : vector<3x1x1xi32>
    %convert_element_type3A_359 = arith.extui %ge3A_358 : vector<3x1x1xi1> to vector<3x1x1xi32>
    %add3A_360 = arith.addi %add3A_348, %convert_element_type3A_359 : vector<3x1x1xi32>
    %add3A_361 = arith.constant 201326592 : i32
    %add3A_362 = vector.broadcast %add3A_361 : i32 to vector<3x1x1xi32>
    %add3A_363 = arith.addi %add3A_226, %add3A_362 : vector<3x1x1xi32>
    %ge3A_364 = vector.broadcast %add3A_363 : vector<3x1x1xi32> to vector<3x8x1280xi32>
    %ge3A_365 = arith.cmpi sge, %select_n3A_35, %ge3A_364 : vector<3x8x1280xi32>
    %convert_element_type3A_366 = arith.extui %ge3A_365 : vector<3x8x1280xi1> to vector<3x8x1280xi32>
    %reduce_sum3A_367 = arith.constant dense<0> : vector<3xi32>
    %reduce_sum3A_368 = vector.multi_reduction <add>, %convert_element_type3A_366, %reduce_sum3A_367 [1, 2] : vector<3x8x1280xi32> to vector<3xi32>
    %broadcast_in_dim3A_369 = vector.shape_cast %reduce_sum3A_368 : vector<3xi32> to vector<3x1x1xi32>
    %ge3A_370 = arith.cmpi sge, %broadcast_in_dim3A_369, %shift_right_arithmetic3A_41 : vector<3x1x1xi32>
    %convert_element_type3A_371 = arith.extui %ge3A_370 : vector<3x1x1xi1> to vector<3x1x1xi32>
    %add3A_372 = arith.addi %add3A_360, %convert_element_type3A_371 : vector<3x1x1xi32>
    %add3A_373 = arith.constant 218103808 : i32
    %add3A_374 = vector.broadcast %add3A_373 : i32 to vector<3x1x1xi32>
    %add3A_375 = arith.addi %add3A_226, %add3A_374 : vector<3x1x1xi32>
    %ge3A_376 = vector.broadcast %add3A_375 : vector<3x1x1xi32> to vector<3x8x1280xi32>
    %ge3A_377 = arith.cmpi sge, %select_n3A_35, %ge3A_376 : vector<3x8x1280xi32>
    %convert_element_type3A_378 = arith.extui %ge3A_377 : vector<3x8x1280xi1> to vector<3x8x1280xi32>
    %reduce_sum3A_379 = arith.constant dense<0> : vector<3xi32>
    %reduce_sum3A_380 = vector.multi_reduction <add>, %convert_element_type3A_378, %reduce_sum3A_379 [1, 2] : vector<3x8x1280xi32> to vector<3xi32>
    %broadcast_in_dim3A_381 = vector.shape_cast %reduce_sum3A_380 : vector<3xi32> to vector<3x1x1xi32>
    %ge3A_382 = arith.cmpi sge, %broadcast_in_dim3A_381, %shift_right_arithmetic3A_41 : vector<3x1x1xi32>
    %convert_element_type3A_383 = arith.extui %ge3A_382 : vector<3x1x1xi1> to vector<3x1x1xi32>
    %add3A_384 = arith.addi %add3A_372, %convert_element_type3A_383 : vector<3x1x1xi32>
    %add3A_385 = arith.constant 234881024 : i32
    %add3A_386 = vector.broadcast %add3A_385 : i32 to vector<3x1x1xi32>
    %add3A_387 = arith.addi %add3A_226, %add3A_386 : vector<3x1x1xi32>
    %ge3A_388 = vector.broadcast %add3A_387 : vector<3x1x1xi32> to vector<3x8x1280xi32>
    %ge3A_389 = arith.cmpi sge, %select_n3A_35, %ge3A_388 : vector<3x8x1280xi32>
    %convert_element_type3A_390 = arith.extui %ge3A_389 : vector<3x8x1280xi1> to vector<3x8x1280xi32>
    %reduce_sum3A_391 = arith.constant dense<0> : vector<3xi32>
    %reduce_sum3A_392 = vector.multi_reduction <add>, %convert_element_type3A_390, %reduce_sum3A_391 [1, 2] : vector<3x8x1280xi32> to vector<3xi32>
    %broadcast_in_dim3A_393 = vector.shape_cast %reduce_sum3A_392 : vector<3xi32> to vector<3x1x1xi32>
    %ge3A_394 = arith.cmpi sge, %broadcast_in_dim3A_393, %shift_right_arithmetic3A_41 : vector<3x1x1xi32>
    %convert_element_type3A_395 = arith.extui %ge3A_394 : vector<3x1x1xi1> to vector<3x1x1xi32>
    %add3A_396 = arith.addi %add3A_384, %convert_element_type3A_395 : vector<3x1x1xi32>
    %add3A_397 = arith.constant 251658240 : i32
    %add3A_398 = vector.broadcast %add3A_397 : i32 to vector<3x1x1xi32>
    %add3A_399 = arith.addi %add3A_226, %add3A_398 : vector<3x1x1xi32>
    %ge3A_400 = vector.broadcast %add3A_399 : vector<3x1x1xi32> to vector<3x8x1280xi32>
    %ge3A_401 = arith.cmpi sge, %select_n3A_35, %ge3A_400 : vector<3x8x1280xi32>
    %convert_element_type3A_402 = arith.extui %ge3A_401 : vector<3x8x1280xi1> to vector<3x8x1280xi32>
    %reduce_sum3A_403 = arith.constant dense<0> : vector<3xi32>
    %reduce_sum3A_404 = vector.multi_reduction <add>, %convert_element_type3A_402, %reduce_sum3A_403 [1, 2] : vector<3x8x1280xi32> to vector<3xi32>
    %broadcast_in_dim3A_405 = vector.shape_cast %reduce_sum3A_404 : vector<3xi32> to vector<3x1x1xi32>
    %ge3A_406 = arith.cmpi sge, %broadcast_in_dim3A_405, %shift_right_arithmetic3A_41 : vector<3x1x1xi32>
    %convert_element_type3A_407 = arith.extui %ge3A_406 : vector<3x1x1xi1> to vector<3x1x1xi32>
    %add3A_408 = arith.addi %add3A_396, %convert_element_type3A_407 : vector<3x1x1xi32>
    %shift_left3A_409 = arith.constant 24 : i32
    %shift_left3A_410 = vector.broadcast %shift_left3A_409 : i32 to vector<3x1x1xi32>
    %shift_left3A_411 = arith.shli %add3A_408, %shift_left3A_410 : vector<3x1x1xi32>
    %add3A_412 = arith.addi %add3A_226, %shift_left3A_411 : vector<3x1x1xi32>
    %broadcast_in_dim3A_413 = arith.constant 0 : i32
    %broadcast_in_dim3A_414 = vector.broadcast %broadcast_in_dim3A_413 : i32 to vector<3x1x1xi32>
    %add3A_415 = arith.constant 1048576 : i32
    %add3A_416 = vector.broadcast %add3A_415 : i32 to vector<3x1x1xi32>
    %add3A_417 = arith.addi %add3A_412, %add3A_416 : vector<3x1x1xi32>
    %ge3A_418 = vector.broadcast %add3A_417 : vector<3x1x1xi32> to vector<3x8x1280xi32>
    %ge3A_419 = arith.cmpi sge, %select_n3A_35, %ge3A_418 : vector<3x8x1280xi32>
    %convert_element_type3A_420 = arith.extui %ge3A_419 : vector<3x8x1280xi1> to vector<3x8x1280xi32>
    %reduce_sum3A_421 = arith.constant dense<0> : vector<3xi32>
    %reduce_sum3A_422 = vector.multi_reduction <add>, %convert_element_type3A_420, %reduce_sum3A_421 [1, 2] : vector<3x8x1280xi32> to vector<3xi32>
    %broadcast_in_dim3A_423 = vector.shape_cast %reduce_sum3A_422 : vector<3xi32> to vector<3x1x1xi32>
    %ge3A_424 = arith.cmpi sge, %broadcast_in_dim3A_423, %shift_right_arithmetic3A_41 : vector<3x1x1xi32>
    %convert_element_type3A_425 = arith.extui %ge3A_424 : vector<3x1x1xi1> to vector<3x1x1xi32>
    %add3A_426 = arith.addi %broadcast_in_dim3A_414, %convert_element_type3A_425 : vector<3x1x1xi32>
    %add3A_427 = arith.constant 2097152 : i32
    %add3A_428 = vector.broadcast %add3A_427 : i32 to vector<3x1x1xi32>
    %add3A_429 = arith.addi %add3A_412, %add3A_428 : vector<3x1x1xi32>
    %ge3A_430 = vector.broadcast %add3A_429 : vector<3x1x1xi32> to vector<3x8x1280xi32>
    %ge3A_431 = arith.cmpi sge, %select_n3A_35, %ge3A_430 : vector<3x8x1280xi32>
    %convert_element_type3A_432 = arith.extui %ge3A_431 : vector<3x8x1280xi1> to vector<3x8x1280xi32>
    %reduce_sum3A_433 = arith.constant dense<0> : vector<3xi32>
    %reduce_sum3A_434 = vector.multi_reduction <add>, %convert_element_type3A_432, %reduce_sum3A_433 [1, 2] : vector<3x8x1280xi32> to vector<3xi32>
    %broadcast_in_dim3A_435 = vector.shape_cast %reduce_sum3A_434 : vector<3xi32> to vector<3x1x1xi32>
    %ge3A_436 = arith.cmpi sge, %broadcast_in_dim3A_435, %shift_right_arithmetic3A_41 : vector<3x1x1xi32>
    %convert_element_type3A_437 = arith.extui %ge3A_436 : vector<3x1x1xi1> to vector<3x1x1xi32>
    %add3A_438 = arith.addi %add3A_426, %convert_element_type3A_437 : vector<3x1x1xi32>
    %add3A_439 = arith.constant 3145728 : i32
    %add3A_440 = vector.broadcast %add3A_439 : i32 to vector<3x1x1xi32>
    %add3A_441 = arith.addi %add3A_412, %add3A_440 : vector<3x1x1xi32>
    %ge3A_442 = vector.broadcast %add3A_441 : vector<3x1x1xi32> to vector<3x8x1280xi32>
    %ge3A_443 = arith.cmpi sge, %select_n3A_35, %ge3A_442 : vector<3x8x1280xi32>
    %convert_element_type3A_444 = arith.extui %ge3A_443 : vector<3x8x1280xi1> to vector<3x8x1280xi32>
    %reduce_sum3A_445 = arith.constant dense<0> : vector<3xi32>
    %reduce_sum3A_446 = vector.multi_reduction <add>, %convert_element_type3A_444, %reduce_sum3A_445 [1, 2] : vector<3x8x1280xi32> to vector<3xi32>
    %broadcast_in_dim3A_447 = vector.shape_cast %reduce_sum3A_446 : vector<3xi32> to vector<3x1x1xi32>
    %ge3A_448 = arith.cmpi sge, %broadcast_in_dim3A_447, %shift_right_arithmetic3A_41 : vector<3x1x1xi32>
    %convert_element_type3A_449 = arith.extui %ge3A_448 : vector<3x1x1xi1> to vector<3x1x1xi32>
    %add3A_450 = arith.addi %add3A_438, %convert_element_type3A_449 : vector<3x1x1xi32>
    %add3A_451 = arith.constant 4194304 : i32
    %add3A_452 = vector.broadcast %add3A_451 : i32 to vector<3x1x1xi32>
    %add3A_453 = arith.addi %add3A_412, %add3A_452 : vector<3x1x1xi32>
    %ge3A_454 = vector.broadcast %add3A_453 : vector<3x1x1xi32> to vector<3x8x1280xi32>
    %ge3A_455 = arith.cmpi sge, %select_n3A_35, %ge3A_454 : vector<3x8x1280xi32>
    %convert_element_type3A_456 = arith.extui %ge3A_455 : vector<3x8x1280xi1> to vector<3x8x1280xi32>
    %reduce_sum3A_457 = arith.constant dense<0> : vector<3xi32>
    %reduce_sum3A_458 = vector.multi_reduction <add>, %convert_element_type3A_456, %reduce_sum3A_457 [1, 2] : vector<3x8x1280xi32> to vector<3xi32>
    %broadcast_in_dim3A_459 = vector.shape_cast %reduce_sum3A_458 : vector<3xi32> to vector<3x1x1xi32>
    %ge3A_460 = arith.cmpi sge, %broadcast_in_dim3A_459, %shift_right_arithmetic3A_41 : vector<3x1x1xi32>
    %convert_element_type3A_461 = arith.extui %ge3A_460 : vector<3x1x1xi1> to vector<3x1x1xi32>
    %add3A_462 = arith.addi %add3A_450, %convert_element_type3A_461 : vector<3x1x1xi32>
    %add3A_463 = arith.constant 5242880 : i32
    %add3A_464 = vector.broadcast %add3A_463 : i32 to vector<3x1x1xi32>
    %add3A_465 = arith.addi %add3A_412, %add3A_464 : vector<3x1x1xi32>
    %ge3A_466 = vector.broadcast %add3A_465 : vector<3x1x1xi32> to vector<3x8x1280xi32>
    %ge3A_467 = arith.cmpi sge, %select_n3A_35, %ge3A_466 : vector<3x8x1280xi32>
    %convert_element_type3A_468 = arith.extui %ge3A_467 : vector<3x8x1280xi1> to vector<3x8x1280xi32>
    %reduce_sum3A_469 = arith.constant dense<0> : vector<3xi32>
    %reduce_sum3A_470 = vector.multi_reduction <add>, %convert_element_type3A_468, %reduce_sum3A_469 [1, 2] : vector<3x8x1280xi32> to vector<3xi32>
    %broadcast_in_dim3A_471 = vector.shape_cast %reduce_sum3A_470 : vector<3xi32> to vector<3x1x1xi32>
    %ge3A_472 = arith.cmpi sge, %broadcast_in_dim3A_471, %shift_right_arithmetic3A_41 : vector<3x1x1xi32>
    %convert_element_type3A_473 = arith.extui %ge3A_472 : vector<3x1x1xi1> to vector<3x1x1xi32>
    %add3A_474 = arith.addi %add3A_462, %convert_element_type3A_473 : vector<3x1x1xi32>
    %add3A_475 = arith.constant 6291456 : i32
    %add3A_476 = vector.broadcast %add3A_475 : i32 to vector<3x1x1xi32>
    %add3A_477 = arith.addi %add3A_412, %add3A_476 : vector<3x1x1xi32>
    %ge3A_478 = vector.broadcast %add3A_477 : vector<3x1x1xi32> to vector<3x8x1280xi32>
    %ge3A_479 = arith.cmpi sge, %select_n3A_35, %ge3A_478 : vector<3x8x1280xi32>
    %convert_element_type3A_480 = arith.extui %ge3A_479 : vector<3x8x1280xi1> to vector<3x8x1280xi32>
    %reduce_sum3A_481 = arith.constant dense<0> : vector<3xi32>
    %reduce_sum3A_482 = vector.multi_reduction <add>, %convert_element_type3A_480, %reduce_sum3A_481 [1, 2] : vector<3x8x1280xi32> to vector<3xi32>
    %broadcast_in_dim3A_483 = vector.shape_cast %reduce_sum3A_482 : vector<3xi32> to vector<3x1x1xi32>
    %ge3A_484 = arith.cmpi sge, %broadcast_in_dim3A_483, %shift_right_arithmetic3A_41 : vector<3x1x1xi32>
    %convert_element_type3A_485 = arith.extui %ge3A_484 : vector<3x1x1xi1> to vector<3x1x1xi32>
    %add3A_486 = arith.addi %add3A_474, %convert_element_type3A_485 : vector<3x1x1xi32>
    %add3A_487 = arith.constant 7340032 : i32
    %add3A_488 = vector.broadcast %add3A_487 : i32 to vector<3x1x1xi32>
    %add3A_489 = arith.addi %add3A_412, %add3A_488 : vector<3x1x1xi32>
    %ge3A_490 = vector.broadcast %add3A_489 : vector<3x1x1xi32> to vector<3x8x1280xi32>
    %ge3A_491 = arith.cmpi sge, %select_n3A_35, %ge3A_490 : vector<3x8x1280xi32>
    %convert_element_type3A_492 = arith.extui %ge3A_491 : vector<3x8x1280xi1> to vector<3x8x1280xi32>
    %reduce_sum3A_493 = arith.constant dense<0> : vector<3xi32>
    %reduce_sum3A_494 = vector.multi_reduction <add>, %convert_element_type3A_492, %reduce_sum3A_493 [1, 2] : vector<3x8x1280xi32> to vector<3xi32>
    %broadcast_in_dim3A_495 = vector.shape_cast %reduce_sum3A_494 : vector<3xi32> to vector<3x1x1xi32>
    %ge3A_496 = arith.cmpi sge, %broadcast_in_dim3A_495, %shift_right_arithmetic3A_41 : vector<3x1x1xi32>
    %convert_element_type3A_497 = arith.extui %ge3A_496 : vector<3x1x1xi1> to vector<3x1x1xi32>
    %add3A_498 = arith.addi %add3A_486, %convert_element_type3A_497 : vector<3x1x1xi32>
    %add3A_499 = arith.constant 8388608 : i32
    %add3A_500 = vector.broadcast %add3A_499 : i32 to vector<3x1x1xi32>
    %add3A_501 = arith.addi %add3A_412, %add3A_500 : vector<3x1x1xi32>
    %ge3A_502 = vector.broadcast %add3A_501 : vector<3x1x1xi32> to vector<3x8x1280xi32>
    %ge3A_503 = arith.cmpi sge, %select_n3A_35, %ge3A_502 : vector<3x8x1280xi32>
    %convert_element_type3A_504 = arith.extui %ge3A_503 : vector<3x8x1280xi1> to vector<3x8x1280xi32>
    %reduce_sum3A_505 = arith.constant dense<0> : vector<3xi32>
    %reduce_sum3A_506 = vector.multi_reduction <add>, %convert_element_type3A_504, %reduce_sum3A_505 [1, 2] : vector<3x8x1280xi32> to vector<3xi32>
    %broadcast_in_dim3A_507 = vector.shape_cast %reduce_sum3A_506 : vector<3xi32> to vector<3x1x1xi32>
    %ge3A_508 = arith.cmpi sge, %broadcast_in_dim3A_507, %shift_right_arithmetic3A_41 : vector<3x1x1xi32>
    %convert_element_type3A_509 = arith.extui %ge3A_508 : vector<3x1x1xi1> to vector<3x1x1xi32>
    %add3A_510 = arith.addi %add3A_498, %convert_element_type3A_509 : vector<3x1x1xi32>
    %add3A_511 = arith.constant 9437184 : i32
    %add3A_512 = vector.broadcast %add3A_511 : i32 to vector<3x1x1xi32>
    %add3A_513 = arith.addi %add3A_412, %add3A_512 : vector<3x1x1xi32>
    %ge3A_514 = vector.broadcast %add3A_513 : vector<3x1x1xi32> to vector<3x8x1280xi32>
    %ge3A_515 = arith.cmpi sge, %select_n3A_35, %ge3A_514 : vector<3x8x1280xi32>
    %convert_element_type3A_516 = arith.extui %ge3A_515 : vector<3x8x1280xi1> to vector<3x8x1280xi32>
    %reduce_sum3A_517 = arith.constant dense<0> : vector<3xi32>
    %reduce_sum3A_518 = vector.multi_reduction <add>, %convert_element_type3A_516, %reduce_sum3A_517 [1, 2] : vector<3x8x1280xi32> to vector<3xi32>
    %broadcast_in_dim3A_519 = vector.shape_cast %reduce_sum3A_518 : vector<3xi32> to vector<3x1x1xi32>
    %ge3A_520 = arith.cmpi sge, %broadcast_in_dim3A_519, %shift_right_arithmetic3A_41 : vector<3x1x1xi32>
    %convert_element_type3A_521 = arith.extui %ge3A_520 : vector<3x1x1xi1> to vector<3x1x1xi32>
    %add3A_522 = arith.addi %add3A_510, %convert_element_type3A_521 : vector<3x1x1xi32>
    %add3A_523 = arith.constant 10485760 : i32
    %add3A_524 = vector.broadcast %add3A_523 : i32 to vector<3x1x1xi32>
    %add3A_525 = arith.addi %add3A_412, %add3A_524 : vector<3x1x1xi32>
    %ge3A_526 = vector.broadcast %add3A_525 : vector<3x1x1xi32> to vector<3x8x1280xi32>
    %ge3A_527 = arith.cmpi sge, %select_n3A_35, %ge3A_526 : vector<3x8x1280xi32>
    %convert_element_type3A_528 = arith.extui %ge3A_527 : vector<3x8x1280xi1> to vector<3x8x1280xi32>
    %reduce_sum3A_529 = arith.constant dense<0> : vector<3xi32>
    %reduce_sum3A_530 = vector.multi_reduction <add>, %convert_element_type3A_528, %reduce_sum3A_529 [1, 2] : vector<3x8x1280xi32> to vector<3xi32>
    %broadcast_in_dim3A_531 = vector.shape_cast %reduce_sum3A_530 : vector<3xi32> to vector<3x1x1xi32>
    %ge3A_532 = arith.cmpi sge, %broadcast_in_dim3A_531, %shift_right_arithmetic3A_41 : vector<3x1x1xi32>
    %convert_element_type3A_533 = arith.extui %ge3A_532 : vector<3x1x1xi1> to vector<3x1x1xi32>
    %add3A_534 = arith.addi %add3A_522, %convert_element_type3A_533 : vector<3x1x1xi32>
    %add3A_535 = arith.constant 11534336 : i32
    %add3A_536 = vector.broadcast %add3A_535 : i32 to vector<3x1x1xi32>
    %add3A_537 = arith.addi %add3A_412, %add3A_536 : vector<3x1x1xi32>
    %ge3A_538 = vector.broadcast %add3A_537 : vector<3x1x1xi32> to vector<3x8x1280xi32>
    %ge3A_539 = arith.cmpi sge, %select_n3A_35, %ge3A_538 : vector<3x8x1280xi32>
    %convert_element_type3A_540 = arith.extui %ge3A_539 : vector<3x8x1280xi1> to vector<3x8x1280xi32>
    %reduce_sum3A_541 = arith.constant dense<0> : vector<3xi32>
    %reduce_sum3A_542 = vector.multi_reduction <add>, %convert_element_type3A_540, %reduce_sum3A_541 [1, 2] : vector<3x8x1280xi32> to vector<3xi32>
    %broadcast_in_dim3A_543 = vector.shape_cast %reduce_sum3A_542 : vector<3xi32> to vector<3x1x1xi32>
    %ge3A_544 = arith.cmpi sge, %broadcast_in_dim3A_543, %shift_right_arithmetic3A_41 : vector<3x1x1xi32>
    %convert_element_type3A_545 = arith.extui %ge3A_544 : vector<3x1x1xi1> to vector<3x1x1xi32>
    %add3A_546 = arith.addi %add3A_534, %convert_element_type3A_545 : vector<3x1x1xi32>
    %add3A_547 = arith.constant 12582912 : i32
    %add3A_548 = vector.broadcast %add3A_547 : i32 to vector<3x1x1xi32>
    %add3A_549 = arith.addi %add3A_412, %add3A_548 : vector<3x1x1xi32>
    %ge3A_550 = vector.broadcast %add3A_549 : vector<3x1x1xi32> to vector<3x8x1280xi32>
    %ge3A_551 = arith.cmpi sge, %select_n3A_35, %ge3A_550 : vector<3x8x1280xi32>
    %convert_element_type3A_552 = arith.extui %ge3A_551 : vector<3x8x1280xi1> to vector<3x8x1280xi32>
    %reduce_sum3A_553 = arith.constant dense<0> : vector<3xi32>
    %reduce_sum3A_554 = vector.multi_reduction <add>, %convert_element_type3A_552, %reduce_sum3A_553 [1, 2] : vector<3x8x1280xi32> to vector<3xi32>
    %broadcast_in_dim3A_555 = vector.shape_cast %reduce_sum3A_554 : vector<3xi32> to vector<3x1x1xi32>
    %ge3A_556 = arith.cmpi sge, %broadcast_in_dim3A_555, %shift_right_arithmetic3A_41 : vector<3x1x1xi32>
    %convert_element_type3A_557 = arith.extui %ge3A_556 : vector<3x1x1xi1> to vector<3x1x1xi32>
    %add3A_558 = arith.addi %add3A_546, %convert_element_type3A_557 : vector<3x1x1xi32>
    %add3A_559 = arith.constant 13631488 : i32
    %add3A_560 = vector.broadcast %add3A_559 : i32 to vector<3x1x1xi32>
    %add3A_561 = arith.addi %add3A_412, %add3A_560 : vector<3x1x1xi32>
    %ge3A_562 = vector.broadcast %add3A_561 : vector<3x1x1xi32> to vector<3x8x1280xi32>
    %ge3A_563 = arith.cmpi sge, %select_n3A_35, %ge3A_562 : vector<3x8x1280xi32>
    %convert_element_type3A_564 = arith.extui %ge3A_563 : vector<3x8x1280xi1> to vector<3x8x1280xi32>
    %reduce_sum3A_565 = arith.constant dense<0> : vector<3xi32>
    %reduce_sum3A_566 = vector.multi_reduction <add>, %convert_element_type3A_564, %reduce_sum3A_565 [1, 2] : vector<3x8x1280xi32> to vector<3xi32>
    %broadcast_in_dim3A_567 = vector.shape_cast %reduce_sum3A_566 : vector<3xi32> to vector<3x1x1xi32>
    %ge3A_568 = arith.cmpi sge, %broadcast_in_dim3A_567, %shift_right_arithmetic3A_41 : vector<3x1x1xi32>
    %convert_element_type3A_569 = arith.extui %ge3A_568 : vector<3x1x1xi1> to vector<3x1x1xi32>
    %add3A_570 = arith.addi %add3A_558, %convert_element_type3A_569 : vector<3x1x1xi32>
    %add3A_571 = arith.constant 14680064 : i32
    %add3A_572 = vector.broadcast %add3A_571 : i32 to vector<3x1x1xi32>
    %add3A_573 = arith.addi %add3A_412, %add3A_572 : vector<3x1x1xi32>
    %ge3A_574 = vector.broadcast %add3A_573 : vector<3x1x1xi32> to vector<3x8x1280xi32>
    %ge3A_575 = arith.cmpi sge, %select_n3A_35, %ge3A_574 : vector<3x8x1280xi32>
    %convert_element_type3A_576 = arith.extui %ge3A_575 : vector<3x8x1280xi1> to vector<3x8x1280xi32>
    %reduce_sum3A_577 = arith.constant dense<0> : vector<3xi32>
    %reduce_sum3A_578 = vector.multi_reduction <add>, %convert_element_type3A_576, %reduce_sum3A_577 [1, 2] : vector<3x8x1280xi32> to vector<3xi32>
    %broadcast_in_dim3A_579 = vector.shape_cast %reduce_sum3A_578 : vector<3xi32> to vector<3x1x1xi32>
    %ge3A_580 = arith.cmpi sge, %broadcast_in_dim3A_579, %shift_right_arithmetic3A_41 : vector<3x1x1xi32>
    %convert_element_type3A_581 = arith.extui %ge3A_580 : vector<3x1x1xi1> to vector<3x1x1xi32>
    %add3A_582 = arith.addi %add3A_570, %convert_element_type3A_581 : vector<3x1x1xi32>
    %add3A_583 = arith.constant 15728640 : i32
    %add3A_584 = vector.broadcast %add3A_583 : i32 to vector<3x1x1xi32>
    %add3A_585 = arith.addi %add3A_412, %add3A_584 : vector<3x1x1xi32>
    %ge3A_586 = vector.broadcast %add3A_585 : vector<3x1x1xi32> to vector<3x8x1280xi32>
    %ge3A_587 = arith.cmpi sge, %select_n3A_35, %ge3A_586 : vector<3x8x1280xi32>
    %convert_element_type3A_588 = arith.extui %ge3A_587 : vector<3x8x1280xi1> to vector<3x8x1280xi32>
    %reduce_sum3A_589 = arith.constant dense<0> : vector<3xi32>
    %reduce_sum3A_590 = vector.multi_reduction <add>, %convert_element_type3A_588, %reduce_sum3A_589 [1, 2] : vector<3x8x1280xi32> to vector<3xi32>
    %broadcast_in_dim3A_591 = vector.shape_cast %reduce_sum3A_590 : vector<3xi32> to vector<3x1x1xi32>
    %ge3A_592 = arith.cmpi sge, %broadcast_in_dim3A_591, %shift_right_arithmetic3A_41 : vector<3x1x1xi32>
    %convert_element_type3A_593 = arith.extui %ge3A_592 : vector<3x1x1xi1> to vector<3x1x1xi32>
    %add3A_594 = arith.addi %add3A_582, %convert_element_type3A_593 : vector<3x1x1xi32>
    %shift_left3A_595 = arith.constant 20 : i32
    %shift_left3A_596 = vector.broadcast %shift_left3A_595 : i32 to vector<3x1x1xi32>
    %shift_left3A_597 = arith.shli %add3A_594, %shift_left3A_596 : vector<3x1x1xi32>
    %add3A_598 = arith.addi %add3A_412, %shift_left3A_597 : vector<3x1x1xi32>
    %broadcast_in_dim3A_599 = arith.constant 0 : i32
    %broadcast_in_dim3A_600 = vector.broadcast %broadcast_in_dim3A_599 : i32 to vector<3x1x1xi32>
    %add3A_601 = arith.constant 65536 : i32
    %add3A_602 = vector.broadcast %add3A_601 : i32 to vector<3x1x1xi32>
    %add3A_603 = arith.addi %add3A_598, %add3A_602 : vector<3x1x1xi32>
    %ge3A_604 = vector.broadcast %add3A_603 : vector<3x1x1xi32> to vector<3x8x1280xi32>
    %ge3A_605 = arith.cmpi sge, %select_n3A_35, %ge3A_604 : vector<3x8x1280xi32>
    %convert_element_type3A_606 = arith.extui %ge3A_605 : vector<3x8x1280xi1> to vector<3x8x1280xi32>
    %reduce_sum3A_607 = arith.constant dense<0> : vector<3xi32>
    %reduce_sum3A_608 = vector.multi_reduction <add>, %convert_element_type3A_606, %reduce_sum3A_607 [1, 2] : vector<3x8x1280xi32> to vector<3xi32>
    %broadcast_in_dim3A_609 = vector.shape_cast %reduce_sum3A_608 : vector<3xi32> to vector<3x1x1xi32>
    %ge3A_610 = arith.cmpi sge, %broadcast_in_dim3A_609, %shift_right_arithmetic3A_41 : vector<3x1x1xi32>
    %convert_element_type3A_611 = arith.extui %ge3A_610 : vector<3x1x1xi1> to vector<3x1x1xi32>
    %add3A_612 = arith.addi %broadcast_in_dim3A_600, %convert_element_type3A_611 : vector<3x1x1xi32>
    %add3A_613 = arith.constant 131072 : i32
    %add3A_614 = vector.broadcast %add3A_613 : i32 to vector<3x1x1xi32>
    %add3A_615 = arith.addi %add3A_598, %add3A_614 : vector<3x1x1xi32>
    %ge3A_616 = vector.broadcast %add3A_615 : vector<3x1x1xi32> to vector<3x8x1280xi32>
    %ge3A_617 = arith.cmpi sge, %select_n3A_35, %ge3A_616 : vector<3x8x1280xi32>
    %convert_element_type3A_618 = arith.extui %ge3A_617 : vector<3x8x1280xi1> to vector<3x8x1280xi32>
    %reduce_sum3A_619 = arith.constant dense<0> : vector<3xi32>
    %reduce_sum3A_620 = vector.multi_reduction <add>, %convert_element_type3A_618, %reduce_sum3A_619 [1, 2] : vector<3x8x1280xi32> to vector<3xi32>
    %broadcast_in_dim3A_621 = vector.shape_cast %reduce_sum3A_620 : vector<3xi32> to vector<3x1x1xi32>
    %ge3A_622 = arith.cmpi sge, %broadcast_in_dim3A_621, %shift_right_arithmetic3A_41 : vector<3x1x1xi32>
    %convert_element_type3A_623 = arith.extui %ge3A_622 : vector<3x1x1xi1> to vector<3x1x1xi32>
    %add3A_624 = arith.addi %add3A_612, %convert_element_type3A_623 : vector<3x1x1xi32>
    %add3A_625 = arith.constant 196608 : i32
    %add3A_626 = vector.broadcast %add3A_625 : i32 to vector<3x1x1xi32>
    %add3A_627 = arith.addi %add3A_598, %add3A_626 : vector<3x1x1xi32>
    %ge3A_628 = vector.broadcast %add3A_627 : vector<3x1x1xi32> to vector<3x8x1280xi32>
    %ge3A_629 = arith.cmpi sge, %select_n3A_35, %ge3A_628 : vector<3x8x1280xi32>
    %convert_element_type3A_630 = arith.extui %ge3A_629 : vector<3x8x1280xi1> to vector<3x8x1280xi32>
    %reduce_sum3A_631 = arith.constant dense<0> : vector<3xi32>
    %reduce_sum3A_632 = vector.multi_reduction <add>, %convert_element_type3A_630, %reduce_sum3A_631 [1, 2] : vector<3x8x1280xi32> to vector<3xi32>
    %broadcast_in_dim3A_633 = vector.shape_cast %reduce_sum3A_632 : vector<3xi32> to vector<3x1x1xi32>
    %ge3A_634 = arith.cmpi sge, %broadcast_in_dim3A_633, %shift_right_arithmetic3A_41 : vector<3x1x1xi32>
    %convert_element_type3A_635 = arith.extui %ge3A_634 : vector<3x1x1xi1> to vector<3x1x1xi32>
    %add3A_636 = arith.addi %add3A_624, %convert_element_type3A_635 : vector<3x1x1xi32>
    %add3A_637 = arith.constant 262144 : i32
    %add3A_638 = vector.broadcast %add3A_637 : i32 to vector<3x1x1xi32>
    %add3A_639 = arith.addi %add3A_598, %add3A_638 : vector<3x1x1xi32>
    %ge3A_640 = vector.broadcast %add3A_639 : vector<3x1x1xi32> to vector<3x8x1280xi32>
    %ge3A_641 = arith.cmpi sge, %select_n3A_35, %ge3A_640 : vector<3x8x1280xi32>
    %convert_element_type3A_642 = arith.extui %ge3A_641 : vector<3x8x1280xi1> to vector<3x8x1280xi32>
    %reduce_sum3A_643 = arith.constant dense<0> : vector<3xi32>
    %reduce_sum3A_644 = vector.multi_reduction <add>, %convert_element_type3A_642, %reduce_sum3A_643 [1, 2] : vector<3x8x1280xi32> to vector<3xi32>
    %broadcast_in_dim3A_645 = vector.shape_cast %reduce_sum3A_644 : vector<3xi32> to vector<3x1x1xi32>
    %ge3A_646 = arith.cmpi sge, %broadcast_in_dim3A_645, %shift_right_arithmetic3A_41 : vector<3x1x1xi32>
    %convert_element_type3A_647 = arith.extui %ge3A_646 : vector<3x1x1xi1> to vector<3x1x1xi32>
    %add3A_648 = arith.addi %add3A_636, %convert_element_type3A_647 : vector<3x1x1xi32>
    %add3A_649 = arith.constant 327680 : i32
    %add3A_650 = vector.broadcast %add3A_649 : i32 to vector<3x1x1xi32>
    %add3A_651 = arith.addi %add3A_598, %add3A_650 : vector<3x1x1xi32>
    %ge3A_652 = vector.broadcast %add3A_651 : vector<3x1x1xi32> to vector<3x8x1280xi32>
    %ge3A_653 = arith.cmpi sge, %select_n3A_35, %ge3A_652 : vector<3x8x1280xi32>
    %convert_element_type3A_654 = arith.extui %ge3A_653 : vector<3x8x1280xi1> to vector<3x8x1280xi32>
    %reduce_sum3A_655 = arith.constant dense<0> : vector<3xi32>
    %reduce_sum3A_656 = vector.multi_reduction <add>, %convert_element_type3A_654, %reduce_sum3A_655 [1, 2] : vector<3x8x1280xi32> to vector<3xi32>
    %broadcast_in_dim3A_657 = vector.shape_cast %reduce_sum3A_656 : vector<3xi32> to vector<3x1x1xi32>
    %ge3A_658 = arith.cmpi sge, %broadcast_in_dim3A_657, %shift_right_arithmetic3A_41 : vector<3x1x1xi32>
    %convert_element_type3A_659 = arith.extui %ge3A_658 : vector<3x1x1xi1> to vector<3x1x1xi32>
    %add3A_660 = arith.addi %add3A_648, %convert_element_type3A_659 : vector<3x1x1xi32>
    %add3A_661 = arith.constant 393216 : i32
    %add3A_662 = vector.broadcast %add3A_661 : i32 to vector<3x1x1xi32>
    %add3A_663 = arith.addi %add3A_598, %add3A_662 : vector<3x1x1xi32>
    %ge3A_664 = vector.broadcast %add3A_663 : vector<3x1x1xi32> to vector<3x8x1280xi32>
    %ge3A_665 = arith.cmpi sge, %select_n3A_35, %ge3A_664 : vector<3x8x1280xi32>
    %convert_element_type3A_666 = arith.extui %ge3A_665 : vector<3x8x1280xi1> to vector<3x8x1280xi32>
    %reduce_sum3A_667 = arith.constant dense<0> : vector<3xi32>
    %reduce_sum3A_668 = vector.multi_reduction <add>, %convert_element_type3A_666, %reduce_sum3A_667 [1, 2] : vector<3x8x1280xi32> to vector<3xi32>
    %broadcast_in_dim3A_669 = vector.shape_cast %reduce_sum3A_668 : vector<3xi32> to vector<3x1x1xi32>
    %ge3A_670 = arith.cmpi sge, %broadcast_in_dim3A_669, %shift_right_arithmetic3A_41 : vector<3x1x1xi32>
    %convert_element_type3A_671 = arith.extui %ge3A_670 : vector<3x1x1xi1> to vector<3x1x1xi32>
    %add3A_672 = arith.addi %add3A_660, %convert_element_type3A_671 : vector<3x1x1xi32>
    %add3A_673 = arith.constant 458752 : i32
    %add3A_674 = vector.broadcast %add3A_673 : i32 to vector<3x1x1xi32>
    %add3A_675 = arith.addi %add3A_598, %add3A_674 : vector<3x1x1xi32>
    %ge3A_676 = vector.broadcast %add3A_675 : vector<3x1x1xi32> to vector<3x8x1280xi32>
    %ge3A_677 = arith.cmpi sge, %select_n3A_35, %ge3A_676 : vector<3x8x1280xi32>
    %convert_element_type3A_678 = arith.extui %ge3A_677 : vector<3x8x1280xi1> to vector<3x8x1280xi32>
    %reduce_sum3A_679 = arith.constant dense<0> : vector<3xi32>
    %reduce_sum3A_680 = vector.multi_reduction <add>, %convert_element_type3A_678, %reduce_sum3A_679 [1, 2] : vector<3x8x1280xi32> to vector<3xi32>
    %broadcast_in_dim3A_681 = vector.shape_cast %reduce_sum3A_680 : vector<3xi32> to vector<3x1x1xi32>
    %ge3A_682 = arith.cmpi sge, %broadcast_in_dim3A_681, %shift_right_arithmetic3A_41 : vector<3x1x1xi32>
    %convert_element_type3A_683 = arith.extui %ge3A_682 : vector<3x1x1xi1> to vector<3x1x1xi32>
    %add3A_684 = arith.addi %add3A_672, %convert_element_type3A_683 : vector<3x1x1xi32>
    %add3A_685 = arith.constant 524288 : i32
    %add3A_686 = vector.broadcast %add3A_685 : i32 to vector<3x1x1xi32>
    %add3A_687 = arith.addi %add3A_598, %add3A_686 : vector<3x1x1xi32>
    %ge3A_688 = vector.broadcast %add3A_687 : vector<3x1x1xi32> to vector<3x8x1280xi32>
    %ge3A_689 = arith.cmpi sge, %select_n3A_35, %ge3A_688 : vector<3x8x1280xi32>
    %convert_element_type3A_690 = arith.extui %ge3A_689 : vector<3x8x1280xi1> to vector<3x8x1280xi32>
    %reduce_sum3A_691 = arith.constant dense<0> : vector<3xi32>
    %reduce_sum3A_692 = vector.multi_reduction <add>, %convert_element_type3A_690, %reduce_sum3A_691 [1, 2] : vector<3x8x1280xi32> to vector<3xi32>
    %broadcast_in_dim3A_693 = vector.shape_cast %reduce_sum3A_692 : vector<3xi32> to vector<3x1x1xi32>
    %ge3A_694 = arith.cmpi sge, %broadcast_in_dim3A_693, %shift_right_arithmetic3A_41 : vector<3x1x1xi32>
    %convert_element_type3A_695 = arith.extui %ge3A_694 : vector<3x1x1xi1> to vector<3x1x1xi32>
    %add3A_696 = arith.addi %add3A_684, %convert_element_type3A_695 : vector<3x1x1xi32>
    %add3A_697 = arith.constant 589824 : i32
    %add3A_698 = vector.broadcast %add3A_697 : i32 to vector<3x1x1xi32>
    %add3A_699 = arith.addi %add3A_598, %add3A_698 : vector<3x1x1xi32>
    %ge3A_700 = vector.broadcast %add3A_699 : vector<3x1x1xi32> to vector<3x8x1280xi32>
    %ge3A_701 = arith.cmpi sge, %select_n3A_35, %ge3A_700 : vector<3x8x1280xi32>
    %convert_element_type3A_702 = arith.extui %ge3A_701 : vector<3x8x1280xi1> to vector<3x8x1280xi32>
    %reduce_sum3A_703 = arith.constant dense<0> : vector<3xi32>
    %reduce_sum3A_704 = vector.multi_reduction <add>, %convert_element_type3A_702, %reduce_sum3A_703 [1, 2] : vector<3x8x1280xi32> to vector<3xi32>
    %broadcast_in_dim3A_705 = vector.shape_cast %reduce_sum3A_704 : vector<3xi32> to vector<3x1x1xi32>
    %ge3A_706 = arith.cmpi sge, %broadcast_in_dim3A_705, %shift_right_arithmetic3A_41 : vector<3x1x1xi32>
    %convert_element_type3A_707 = arith.extui %ge3A_706 : vector<3x1x1xi1> to vector<3x1x1xi32>
    %add3A_708 = arith.addi %add3A_696, %convert_element_type3A_707 : vector<3x1x1xi32>
    %add3A_709 = arith.constant 655360 : i32
    %add3A_710 = vector.broadcast %add3A_709 : i32 to vector<3x1x1xi32>
    %add3A_711 = arith.addi %add3A_598, %add3A_710 : vector<3x1x1xi32>
    %ge3A_712 = vector.broadcast %add3A_711 : vector<3x1x1xi32> to vector<3x8x1280xi32>
    %ge3A_713 = arith.cmpi sge, %select_n3A_35, %ge3A_712 : vector<3x8x1280xi32>
    %convert_element_type3A_714 = arith.extui %ge3A_713 : vector<3x8x1280xi1> to vector<3x8x1280xi32>
    %reduce_sum3A_715 = arith.constant dense<0> : vector<3xi32>
    %reduce_sum3A_716 = vector.multi_reduction <add>, %convert_element_type3A_714, %reduce_sum3A_715 [1, 2] : vector<3x8x1280xi32> to vector<3xi32>
    %broadcast_in_dim3A_717 = vector.shape_cast %reduce_sum3A_716 : vector<3xi32> to vector<3x1x1xi32>
    %ge3A_718 = arith.cmpi sge, %broadcast_in_dim3A_717, %shift_right_arithmetic3A_41 : vector<3x1x1xi32>
    %convert_element_type3A_719 = arith.extui %ge3A_718 : vector<3x1x1xi1> to vector<3x1x1xi32>
    %add3A_720 = arith.addi %add3A_708, %convert_element_type3A_719 : vector<3x1x1xi32>
    %add3A_721 = arith.constant 720896 : i32
    %add3A_722 = vector.broadcast %add3A_721 : i32 to vector<3x1x1xi32>
    %add3A_723 = arith.addi %add3A_598, %add3A_722 : vector<3x1x1xi32>
    %ge3A_724 = vector.broadcast %add3A_723 : vector<3x1x1xi32> to vector<3x8x1280xi32>
    %ge3A_725 = arith.cmpi sge, %select_n3A_35, %ge3A_724 : vector<3x8x1280xi32>
    %convert_element_type3A_726 = arith.extui %ge3A_725 : vector<3x8x1280xi1> to vector<3x8x1280xi32>
    %reduce_sum3A_727 = arith.constant dense<0> : vector<3xi32>
    %reduce_sum3A_728 = vector.multi_reduction <add>, %convert_element_type3A_726, %reduce_sum3A_727 [1, 2] : vector<3x8x1280xi32> to vector<3xi32>
    %broadcast_in_dim3A_729 = vector.shape_cast %reduce_sum3A_728 : vector<3xi32> to vector<3x1x1xi32>
    %ge3A_730 = arith.cmpi sge, %broadcast_in_dim3A_729, %shift_right_arithmetic3A_41 : vector<3x1x1xi32>
    %convert_element_type3A_731 = arith.extui %ge3A_730 : vector<3x1x1xi1> to vector<3x1x1xi32>
    %add3A_732 = arith.addi %add3A_720, %convert_element_type3A_731 : vector<3x1x1xi32>
    %add3A_733 = arith.constant 786432 : i32
    %add3A_734 = vector.broadcast %add3A_733 : i32 to vector<3x1x1xi32>
    %add3A_735 = arith.addi %add3A_598, %add3A_734 : vector<3x1x1xi32>
    %ge3A_736 = vector.broadcast %add3A_735 : vector<3x1x1xi32> to vector<3x8x1280xi32>
    %ge3A_737 = arith.cmpi sge, %select_n3A_35, %ge3A_736 : vector<3x8x1280xi32>
    %convert_element_type3A_738 = arith.extui %ge3A_737 : vector<3x8x1280xi1> to vector<3x8x1280xi32>
    %reduce_sum3A_739 = arith.constant dense<0> : vector<3xi32>
    %reduce_sum3A_740 = vector.multi_reduction <add>, %convert_element_type3A_738, %reduce_sum3A_739 [1, 2] : vector<3x8x1280xi32> to vector<3xi32>
    %broadcast_in_dim3A_741 = vector.shape_cast %reduce_sum3A_740 : vector<3xi32> to vector<3x1x1xi32>
    %ge3A_742 = arith.cmpi sge, %broadcast_in_dim3A_741, %shift_right_arithmetic3A_41 : vector<3x1x1xi32>
    %convert_element_type3A_743 = arith.extui %ge3A_742 : vector<3x1x1xi1> to vector<3x1x1xi32>
    %add3A_744 = arith.addi %add3A_732, %convert_element_type3A_743 : vector<3x1x1xi32>
    %add3A_745 = arith.constant 851968 : i32
    %add3A_746 = vector.broadcast %add3A_745 : i32 to vector<3x1x1xi32>
    %add3A_747 = arith.addi %add3A_598, %add3A_746 : vector<3x1x1xi32>
    %ge3A_748 = vector.broadcast %add3A_747 : vector<3x1x1xi32> to vector<3x8x1280xi32>
    %ge3A_749 = arith.cmpi sge, %select_n3A_35, %ge3A_748 : vector<3x8x1280xi32>
    %convert_element_type3A_750 = arith.extui %ge3A_749 : vector<3x8x1280xi1> to vector<3x8x1280xi32>
    %reduce_sum3A_751 = arith.constant dense<0> : vector<3xi32>
    %reduce_sum3A_752 = vector.multi_reduction <add>, %convert_element_type3A_750, %reduce_sum3A_751 [1, 2] : vector<3x8x1280xi32> to vector<3xi32>
    %broadcast_in_dim3A_753 = vector.shape_cast %reduce_sum3A_752 : vector<3xi32> to vector<3x1x1xi32>
    %ge3A_754 = arith.cmpi sge, %broadcast_in_dim3A_753, %shift_right_arithmetic3A_41 : vector<3x1x1xi32>
    %convert_element_type3A_755 = arith.extui %ge3A_754 : vector<3x1x1xi1> to vector<3x1x1xi32>
    %add3A_756 = arith.addi %add3A_744, %convert_element_type3A_755 : vector<3x1x1xi32>
    %add3A_757 = arith.constant 917504 : i32
    %add3A_758 = vector.broadcast %add3A_757 : i32 to vector<3x1x1xi32>
    %add3A_759 = arith.addi %add3A_598, %add3A_758 : vector<3x1x1xi32>
    %ge3A_760 = vector.broadcast %add3A_759 : vector<3x1x1xi32> to vector<3x8x1280xi32>
    %ge3A_761 = arith.cmpi sge, %select_n3A_35, %ge3A_760 : vector<3x8x1280xi32>
    %convert_element_type3A_762 = arith.extui %ge3A_761 : vector<3x8x1280xi1> to vector<3x8x1280xi32>
    %reduce_sum3A_763 = arith.constant dense<0> : vector<3xi32>
    %reduce_sum3A_764 = vector.multi_reduction <add>, %convert_element_type3A_762, %reduce_sum3A_763 [1, 2] : vector<3x8x1280xi32> to vector<3xi32>
    %broadcast_in_dim3A_765 = vector.shape_cast %reduce_sum3A_764 : vector<3xi32> to vector<3x1x1xi32>
    %ge3A_766 = arith.cmpi sge, %broadcast_in_dim3A_765, %shift_right_arithmetic3A_41 : vector<3x1x1xi32>
    %convert_element_type3A_767 = arith.extui %ge3A_766 : vector<3x1x1xi1> to vector<3x1x1xi32>
    %add3A_768 = arith.addi %add3A_756, %convert_element_type3A_767 : vector<3x1x1xi32>
    %add3A_769 = arith.constant 983040 : i32
    %add3A_770 = vector.broadcast %add3A_769 : i32 to vector<3x1x1xi32>
    %add3A_771 = arith.addi %add3A_598, %add3A_770 : vector<3x1x1xi32>
    %ge3A_772 = vector.broadcast %add3A_771 : vector<3x1x1xi32> to vector<3x8x1280xi32>
    %ge3A_773 = arith.cmpi sge, %select_n3A_35, %ge3A_772 : vector<3x8x1280xi32>
    %convert_element_type3A_774 = arith.extui %ge3A_773 : vector<3x8x1280xi1> to vector<3x8x1280xi32>
    %reduce_sum3A_775 = arith.constant dense<0> : vector<3xi32>
    %reduce_sum3A_776 = vector.multi_reduction <add>, %convert_element_type3A_774, %reduce_sum3A_775 [1, 2] : vector<3x8x1280xi32> to vector<3xi32>
    %broadcast_in_dim3A_777 = vector.shape_cast %reduce_sum3A_776 : vector<3xi32> to vector<3x1x1xi32>
    %ge3A_778 = arith.cmpi sge, %broadcast_in_dim3A_777, %shift_right_arithmetic3A_41 : vector<3x1x1xi32>
    %convert_element_type3A_779 = arith.extui %ge3A_778 : vector<3x1x1xi1> to vector<3x1x1xi32>
    %add3A_780 = arith.addi %add3A_768, %convert_element_type3A_779 : vector<3x1x1xi32>
    %shift_left3A_781 = arith.constant 16 : i32
    %shift_left3A_782 = vector.broadcast %shift_left3A_781 : i32 to vector<3x1x1xi32>
    %shift_left3A_783 = arith.shli %add3A_780, %shift_left3A_782 : vector<3x1x1xi32>
    %add3A_784 = arith.addi %add3A_598, %shift_left3A_783 : vector<3x1x1xi32>
    %broadcast_in_dim3A_785 = arith.constant 0 : i32
    %broadcast_in_dim3A_786 = vector.broadcast %broadcast_in_dim3A_785 : i32 to vector<3x1x1xi32>
    %add3A_787 = arith.constant 4096 : i32
    %add3A_788 = vector.broadcast %add3A_787 : i32 to vector<3x1x1xi32>
    %add3A_789 = arith.addi %add3A_784, %add3A_788 : vector<3x1x1xi32>
    %ge3A_790 = vector.broadcast %add3A_789 : vector<3x1x1xi32> to vector<3x8x1280xi32>
    %ge3A_791 = arith.cmpi sge, %select_n3A_35, %ge3A_790 : vector<3x8x1280xi32>
    %convert_element_type3A_792 = arith.extui %ge3A_791 : vector<3x8x1280xi1> to vector<3x8x1280xi32>
    %reduce_sum3A_793 = arith.constant dense<0> : vector<3xi32>
    %reduce_sum3A_794 = vector.multi_reduction <add>, %convert_element_type3A_792, %reduce_sum3A_793 [1, 2] : vector<3x8x1280xi32> to vector<3xi32>
    %broadcast_in_dim3A_795 = vector.shape_cast %reduce_sum3A_794 : vector<3xi32> to vector<3x1x1xi32>
    %ge3A_796 = arith.cmpi sge, %broadcast_in_dim3A_795, %shift_right_arithmetic3A_41 : vector<3x1x1xi32>
    %convert_element_type3A_797 = arith.extui %ge3A_796 : vector<3x1x1xi1> to vector<3x1x1xi32>
    %add3A_798 = arith.addi %broadcast_in_dim3A_786, %convert_element_type3A_797 : vector<3x1x1xi32>
    %add3A_799 = arith.constant 8192 : i32
    %add3A_800 = vector.broadcast %add3A_799 : i32 to vector<3x1x1xi32>
    %add3A_801 = arith.addi %add3A_784, %add3A_800 : vector<3x1x1xi32>
    %ge3A_802 = vector.broadcast %add3A_801 : vector<3x1x1xi32> to vector<3x8x1280xi32>
    %ge3A_803 = arith.cmpi sge, %select_n3A_35, %ge3A_802 : vector<3x8x1280xi32>
    %convert_element_type3A_804 = arith.extui %ge3A_803 : vector<3x8x1280xi1> to vector<3x8x1280xi32>
    %reduce_sum3A_805 = arith.constant dense<0> : vector<3xi32>
    %reduce_sum3A_806 = vector.multi_reduction <add>, %convert_element_type3A_804, %reduce_sum3A_805 [1, 2] : vector<3x8x1280xi32> to vector<3xi32>
    %broadcast_in_dim3A_807 = vector.shape_cast %reduce_sum3A_806 : vector<3xi32> to vector<3x1x1xi32>
    %ge3A_808 = arith.cmpi sge, %broadcast_in_dim3A_807, %shift_right_arithmetic3A_41 : vector<3x1x1xi32>
    %convert_element_type3A_809 = arith.extui %ge3A_808 : vector<3x1x1xi1> to vector<3x1x1xi32>
    %add3A_810 = arith.addi %add3A_798, %convert_element_type3A_809 : vector<3x1x1xi32>
    %add3A_811 = arith.constant 12288 : i32
    %add3A_812 = vector.broadcast %add3A_811 : i32 to vector<3x1x1xi32>
    %add3A_813 = arith.addi %add3A_784, %add3A_812 : vector<3x1x1xi32>
    %ge3A_814 = vector.broadcast %add3A_813 : vector<3x1x1xi32> to vector<3x8x1280xi32>
    %ge3A_815 = arith.cmpi sge, %select_n3A_35, %ge3A_814 : vector<3x8x1280xi32>
    %convert_element_type3A_816 = arith.extui %ge3A_815 : vector<3x8x1280xi1> to vector<3x8x1280xi32>
    %reduce_sum3A_817 = arith.constant dense<0> : vector<3xi32>
    %reduce_sum3A_818 = vector.multi_reduction <add>, %convert_element_type3A_816, %reduce_sum3A_817 [1, 2] : vector<3x8x1280xi32> to vector<3xi32>
    %broadcast_in_dim3A_819 = vector.shape_cast %reduce_sum3A_818 : vector<3xi32> to vector<3x1x1xi32>
    %ge3A_820 = arith.cmpi sge, %broadcast_in_dim3A_819, %shift_right_arithmetic3A_41 : vector<3x1x1xi32>
    %convert_element_type3A_821 = arith.extui %ge3A_820 : vector<3x1x1xi1> to vector<3x1x1xi32>
    %add3A_822 = arith.addi %add3A_810, %convert_element_type3A_821 : vector<3x1x1xi32>
    %add3A_823 = arith.constant 16384 : i32
    %add3A_824 = vector.broadcast %add3A_823 : i32 to vector<3x1x1xi32>
    %add3A_825 = arith.addi %add3A_784, %add3A_824 : vector<3x1x1xi32>
    %ge3A_826 = vector.broadcast %add3A_825 : vector<3x1x1xi32> to vector<3x8x1280xi32>
    %ge3A_827 = arith.cmpi sge, %select_n3A_35, %ge3A_826 : vector<3x8x1280xi32>
    %convert_element_type3A_828 = arith.extui %ge3A_827 : vector<3x8x1280xi1> to vector<3x8x1280xi32>
    %reduce_sum3A_829 = arith.constant dense<0> : vector<3xi32>
    %reduce_sum3A_830 = vector.multi_reduction <add>, %convert_element_type3A_828, %reduce_sum3A_829 [1, 2] : vector<3x8x1280xi32> to vector<3xi32>
    %broadcast_in_dim3A_831 = vector.shape_cast %reduce_sum3A_830 : vector<3xi32> to vector<3x1x1xi32>
    %ge3A_832 = arith.cmpi sge, %broadcast_in_dim3A_831, %shift_right_arithmetic3A_41 : vector<3x1x1xi32>
    %convert_element_type3A_833 = arith.extui %ge3A_832 : vector<3x1x1xi1> to vector<3x1x1xi32>
    %add3A_834 = arith.addi %add3A_822, %convert_element_type3A_833 : vector<3x1x1xi32>
    %add3A_835 = arith.constant 20480 : i32
    %add3A_836 = vector.broadcast %add3A_835 : i32 to vector<3x1x1xi32>
    %add3A_837 = arith.addi %add3A_784, %add3A_836 : vector<3x1x1xi32>
    %ge3A_838 = vector.broadcast %add3A_837 : vector<3x1x1xi32> to vector<3x8x1280xi32>
    %ge3A_839 = arith.cmpi sge, %select_n3A_35, %ge3A_838 : vector<3x8x1280xi32>
    %convert_element_type3A_840 = arith.extui %ge3A_839 : vector<3x8x1280xi1> to vector<3x8x1280xi32>
    %reduce_sum3A_841 = arith.constant dense<0> : vector<3xi32>
    %reduce_sum3A_842 = vector.multi_reduction <add>, %convert_element_type3A_840, %reduce_sum3A_841 [1, 2] : vector<3x8x1280xi32> to vector<3xi32>
    %broadcast_in_dim3A_843 = vector.shape_cast %reduce_sum3A_842 : vector<3xi32> to vector<3x1x1xi32>
    %ge3A_844 = arith.cmpi sge, %broadcast_in_dim3A_843, %shift_right_arithmetic3A_41 : vector<3x1x1xi32>
    %convert_element_type3A_845 = arith.extui %ge3A_844 : vector<3x1x1xi1> to vector<3x1x1xi32>
    %add3A_846 = arith.addi %add3A_834, %convert_element_type3A_845 : vector<3x1x1xi32>
    %add3A_847 = arith.constant 24576 : i32
    %add3A_848 = vector.broadcast %add3A_847 : i32 to vector<3x1x1xi32>
    %add3A_849 = arith.addi %add3A_784, %add3A_848 : vector<3x1x1xi32>
    %ge3A_850 = vector.broadcast %add3A_849 : vector<3x1x1xi32> to vector<3x8x1280xi32>
    %ge3A_851 = arith.cmpi sge, %select_n3A_35, %ge3A_850 : vector<3x8x1280xi32>
    %convert_element_type3A_852 = arith.extui %ge3A_851 : vector<3x8x1280xi1> to vector<3x8x1280xi32>
    %reduce_sum3A_853 = arith.constant dense<0> : vector<3xi32>
    %reduce_sum3A_854 = vector.multi_reduction <add>, %convert_element_type3A_852, %reduce_sum3A_853 [1, 2] : vector<3x8x1280xi32> to vector<3xi32>
    %broadcast_in_dim3A_855 = vector.shape_cast %reduce_sum3A_854 : vector<3xi32> to vector<3x1x1xi32>
    %ge3A_856 = arith.cmpi sge, %broadcast_in_dim3A_855, %shift_right_arithmetic3A_41 : vector<3x1x1xi32>
    %convert_element_type3A_857 = arith.extui %ge3A_856 : vector<3x1x1xi1> to vector<3x1x1xi32>
    %add3A_858 = arith.addi %add3A_846, %convert_element_type3A_857 : vector<3x1x1xi32>
    %add3A_859 = arith.constant 28672 : i32
    %add3A_860 = vector.broadcast %add3A_859 : i32 to vector<3x1x1xi32>
    %add3A_861 = arith.addi %add3A_784, %add3A_860 : vector<3x1x1xi32>
    %ge3A_862 = vector.broadcast %add3A_861 : vector<3x1x1xi32> to vector<3x8x1280xi32>
    %ge3A_863 = arith.cmpi sge, %select_n3A_35, %ge3A_862 : vector<3x8x1280xi32>
    %convert_element_type3A_864 = arith.extui %ge3A_863 : vector<3x8x1280xi1> to vector<3x8x1280xi32>
    %reduce_sum3A_865 = arith.constant dense<0> : vector<3xi32>
    %reduce_sum3A_866 = vector.multi_reduction <add>, %convert_element_type3A_864, %reduce_sum3A_865 [1, 2] : vector<3x8x1280xi32> to vector<3xi32>
    %broadcast_in_dim3A_867 = vector.shape_cast %reduce_sum3A_866 : vector<3xi32> to vector<3x1x1xi32>
    %ge3A_868 = arith.cmpi sge, %broadcast_in_dim3A_867, %shift_right_arithmetic3A_41 : vector<3x1x1xi32>
    %convert_element_type3A_869 = arith.extui %ge3A_868 : vector<3x1x1xi1> to vector<3x1x1xi32>
    %add3A_870 = arith.addi %add3A_858, %convert_element_type3A_869 : vector<3x1x1xi32>
    %add3A_871 = arith.constant 32768 : i32
    %add3A_872 = vector.broadcast %add3A_871 : i32 to vector<3x1x1xi32>
    %add3A_873 = arith.addi %add3A_784, %add3A_872 : vector<3x1x1xi32>
    %ge3A_874 = vector.broadcast %add3A_873 : vector<3x1x1xi32> to vector<3x8x1280xi32>
    %ge3A_875 = arith.cmpi sge, %select_n3A_35, %ge3A_874 : vector<3x8x1280xi32>
    %convert_element_type3A_876 = arith.extui %ge3A_875 : vector<3x8x1280xi1> to vector<3x8x1280xi32>
    %reduce_sum3A_877 = arith.constant dense<0> : vector<3xi32>
    %reduce_sum3A_878 = vector.multi_reduction <add>, %convert_element_type3A_876, %reduce_sum3A_877 [1, 2] : vector<3x8x1280xi32> to vector<3xi32>
    %broadcast_in_dim3A_879 = vector.shape_cast %reduce_sum3A_878 : vector<3xi32> to vector<3x1x1xi32>
    %ge3A_880 = arith.cmpi sge, %broadcast_in_dim3A_879, %shift_right_arithmetic3A_41 : vector<3x1x1xi32>
    %convert_element_type3A_881 = arith.extui %ge3A_880 : vector<3x1x1xi1> to vector<3x1x1xi32>
    %add3A_882 = arith.addi %add3A_870, %convert_element_type3A_881 : vector<3x1x1xi32>
    %add3A_883 = arith.constant 36864 : i32
    %add3A_884 = vector.broadcast %add3A_883 : i32 to vector<3x1x1xi32>
    %add3A_885 = arith.addi %add3A_784, %add3A_884 : vector<3x1x1xi32>
    %ge3A_886 = vector.broadcast %add3A_885 : vector<3x1x1xi32> to vector<3x8x1280xi32>
    %ge3A_887 = arith.cmpi sge, %select_n3A_35, %ge3A_886 : vector<3x8x1280xi32>
    %convert_element_type3A_888 = arith.extui %ge3A_887 : vector<3x8x1280xi1> to vector<3x8x1280xi32>
    %reduce_sum3A_889 = arith.constant dense<0> : vector<3xi32>
    %reduce_sum3A_890 = vector.multi_reduction <add>, %convert_element_type3A_888, %reduce_sum3A_889 [1, 2] : vector<3x8x1280xi32> to vector<3xi32>
    %broadcast_in_dim3A_891 = vector.shape_cast %reduce_sum3A_890 : vector<3xi32> to vector<3x1x1xi32>
    %ge3A_892 = arith.cmpi sge, %broadcast_in_dim3A_891, %shift_right_arithmetic3A_41 : vector<3x1x1xi32>
    %convert_element_type3A_893 = arith.extui %ge3A_892 : vector<3x1x1xi1> to vector<3x1x1xi32>
    %add3A_894 = arith.addi %add3A_882, %convert_element_type3A_893 : vector<3x1x1xi32>
    %add3A_895 = arith.constant 40960 : i32
    %add3A_896 = vector.broadcast %add3A_895 : i32 to vector<3x1x1xi32>
    %add3A_897 = arith.addi %add3A_784, %add3A_896 : vector<3x1x1xi32>
    %ge3A_898 = vector.broadcast %add3A_897 : vector<3x1x1xi32> to vector<3x8x1280xi32>
    %ge3A_899 = arith.cmpi sge, %select_n3A_35, %ge3A_898 : vector<3x8x1280xi32>
    %convert_element_type3A_900 = arith.extui %ge3A_899 : vector<3x8x1280xi1> to vector<3x8x1280xi32>
    %reduce_sum3A_901 = arith.constant dense<0> : vector<3xi32>
    %reduce_sum3A_902 = vector.multi_reduction <add>, %convert_element_type3A_900, %reduce_sum3A_901 [1, 2] : vector<3x8x1280xi32> to vector<3xi32>
    %broadcast_in_dim3A_903 = vector.shape_cast %reduce_sum3A_902 : vector<3xi32> to vector<3x1x1xi32>
    %ge3A_904 = arith.cmpi sge, %broadcast_in_dim3A_903, %shift_right_arithmetic3A_41 : vector<3x1x1xi32>
    %convert_element_type3A_905 = arith.extui %ge3A_904 : vector<3x1x1xi1> to vector<3x1x1xi32>
    %add3A_906 = arith.addi %add3A_894, %convert_element_type3A_905 : vector<3x1x1xi32>
    %add3A_907 = arith.constant 45056 : i32
    %add3A_908 = vector.broadcast %add3A_907 : i32 to vector<3x1x1xi32>
    %add3A_909 = arith.addi %add3A_784, %add3A_908 : vector<3x1x1xi32>
    %ge3A_910 = vector.broadcast %add3A_909 : vector<3x1x1xi32> to vector<3x8x1280xi32>
    %ge3A_911 = arith.cmpi sge, %select_n3A_35, %ge3A_910 : vector<3x8x1280xi32>
    %convert_element_type3A_912 = arith.extui %ge3A_911 : vector<3x8x1280xi1> to vector<3x8x1280xi32>
    %reduce_sum3A_913 = arith.constant dense<0> : vector<3xi32>
    %reduce_sum3A_914 = vector.multi_reduction <add>, %convert_element_type3A_912, %reduce_sum3A_913 [1, 2] : vector<3x8x1280xi32> to vector<3xi32>
    %broadcast_in_dim3A_915 = vector.shape_cast %reduce_sum3A_914 : vector<3xi32> to vector<3x1x1xi32>
    %ge3A_916 = arith.cmpi sge, %broadcast_in_dim3A_915, %shift_right_arithmetic3A_41 : vector<3x1x1xi32>
    %convert_element_type3A_917 = arith.extui %ge3A_916 : vector<3x1x1xi1> to vector<3x1x1xi32>
    %add3A_918 = arith.addi %add3A_906, %convert_element_type3A_917 : vector<3x1x1xi32>
    %add3A_919 = arith.constant 49152 : i32
    %add3A_920 = vector.broadcast %add3A_919 : i32 to vector<3x1x1xi32>
    %add3A_921 = arith.addi %add3A_784, %add3A_920 : vector<3x1x1xi32>
    %ge3A_922 = vector.broadcast %add3A_921 : vector<3x1x1xi32> to vector<3x8x1280xi32>
    %ge3A_923 = arith.cmpi sge, %select_n3A_35, %ge3A_922 : vector<3x8x1280xi32>
    %convert_element_type3A_924 = arith.extui %ge3A_923 : vector<3x8x1280xi1> to vector<3x8x1280xi32>
    %reduce_sum3A_925 = arith.constant dense<0> : vector<3xi32>
    %reduce_sum3A_926 = vector.multi_reduction <add>, %convert_element_type3A_924, %reduce_sum3A_925 [1, 2] : vector<3x8x1280xi32> to vector<3xi32>
    %broadcast_in_dim3A_927 = vector.shape_cast %reduce_sum3A_926 : vector<3xi32> to vector<3x1x1xi32>
    %ge3A_928 = arith.cmpi sge, %broadcast_in_dim3A_927, %shift_right_arithmetic3A_41 : vector<3x1x1xi32>
    %convert_element_type3A_929 = arith.extui %ge3A_928 : vector<3x1x1xi1> to vector<3x1x1xi32>
    %add3A_930 = arith.addi %add3A_918, %convert_element_type3A_929 : vector<3x1x1xi32>
    %add3A_931 = arith.constant 53248 : i32
    %add3A_932 = vector.broadcast %add3A_931 : i32 to vector<3x1x1xi32>
    %add3A_933 = arith.addi %add3A_784, %add3A_932 : vector<3x1x1xi32>
    %ge3A_934 = vector.broadcast %add3A_933 : vector<3x1x1xi32> to vector<3x8x1280xi32>
    %ge3A_935 = arith.cmpi sge, %select_n3A_35, %ge3A_934 : vector<3x8x1280xi32>
    %convert_element_type3A_936 = arith.extui %ge3A_935 : vector<3x8x1280xi1> to vector<3x8x1280xi32>
    %reduce_sum3A_937 = arith.constant dense<0> : vector<3xi32>
    %reduce_sum3A_938 = vector.multi_reduction <add>, %convert_element_type3A_936, %reduce_sum3A_937 [1, 2] : vector<3x8x1280xi32> to vector<3xi32>
    %broadcast_in_dim3A_939 = vector.shape_cast %reduce_sum3A_938 : vector<3xi32> to vector<3x1x1xi32>
    %ge3A_940 = arith.cmpi sge, %broadcast_in_dim3A_939, %shift_right_arithmetic3A_41 : vector<3x1x1xi32>
    %convert_element_type3A_941 = arith.extui %ge3A_940 : vector<3x1x1xi1> to vector<3x1x1xi32>
    %add3A_942 = arith.addi %add3A_930, %convert_element_type3A_941 : vector<3x1x1xi32>
    %add3A_943 = arith.constant 57344 : i32
    %add3A_944 = vector.broadcast %add3A_943 : i32 to vector<3x1x1xi32>
    %add3A_945 = arith.addi %add3A_784, %add3A_944 : vector<3x1x1xi32>
    %ge3A_946 = vector.broadcast %add3A_945 : vector<3x1x1xi32> to vector<3x8x1280xi32>
    %ge3A_947 = arith.cmpi sge, %select_n3A_35, %ge3A_946 : vector<3x8x1280xi32>
    %convert_element_type3A_948 = arith.extui %ge3A_947 : vector<3x8x1280xi1> to vector<3x8x1280xi32>
    %reduce_sum3A_949 = arith.constant dense<0> : vector<3xi32>
    %reduce_sum3A_950 = vector.multi_reduction <add>, %convert_element_type3A_948, %reduce_sum3A_949 [1, 2] : vector<3x8x1280xi32> to vector<3xi32>
    %broadcast_in_dim3A_951 = vector.shape_cast %reduce_sum3A_950 : vector<3xi32> to vector<3x1x1xi32>
    %ge3A_952 = arith.cmpi sge, %broadcast_in_dim3A_951, %shift_right_arithmetic3A_41 : vector<3x1x1xi32>
    %convert_element_type3A_953 = arith.extui %ge3A_952 : vector<3x1x1xi1> to vector<3x1x1xi32>
    %add3A_954 = arith.addi %add3A_942, %convert_element_type3A_953 : vector<3x1x1xi32>
    %add3A_955 = arith.constant 61440 : i32
    %add3A_956 = vector.broadcast %add3A_955 : i32 to vector<3x1x1xi32>
    %add3A_957 = arith.addi %add3A_784, %add3A_956 : vector<3x1x1xi32>
    %ge3A_958 = vector.broadcast %add3A_957 : vector<3x1x1xi32> to vector<3x8x1280xi32>
    %ge3A_959 = arith.cmpi sge, %select_n3A_35, %ge3A_958 : vector<3x8x1280xi32>
    %convert_element_type3A_960 = arith.extui %ge3A_959 : vector<3x8x1280xi1> to vector<3x8x1280xi32>
    %reduce_sum3A_961 = arith.constant dense<0> : vector<3xi32>
    %reduce_sum3A_962 = vector.multi_reduction <add>, %convert_element_type3A_960, %reduce_sum3A_961 [1, 2] : vector<3x8x1280xi32> to vector<3xi32>
    %broadcast_in_dim3A_963 = vector.shape_cast %reduce_sum3A_962 : vector<3xi32> to vector<3x1x1xi32>
    %ge3A_964 = arith.cmpi sge, %broadcast_in_dim3A_963, %shift_right_arithmetic3A_41 : vector<3x1x1xi32>
    %convert_element_type3A_965 = arith.extui %ge3A_964 : vector<3x1x1xi1> to vector<3x1x1xi32>
    %add3A_966 = arith.addi %add3A_954, %convert_element_type3A_965 : vector<3x1x1xi32>
    %shift_left3A_967 = arith.constant 12 : i32
    %shift_left3A_968 = vector.broadcast %shift_left3A_967 : i32 to vector<3x1x1xi32>
    %shift_left3A_969 = arith.shli %add3A_966, %shift_left3A_968 : vector<3x1x1xi32>
    %add3A_970 = arith.addi %add3A_784, %shift_left3A_969 : vector<3x1x1xi32>
    %broadcast_in_dim3A_971 = arith.constant 0 : i32
    %broadcast_in_dim3A_972 = vector.broadcast %broadcast_in_dim3A_971 : i32 to vector<3x1x1xi32>
    %add3A_973 = arith.constant 256 : i32
    %add3A_974 = vector.broadcast %add3A_973 : i32 to vector<3x1x1xi32>
    %add3A_975 = arith.addi %add3A_970, %add3A_974 : vector<3x1x1xi32>
    %ge3A_976 = vector.broadcast %add3A_975 : vector<3x1x1xi32> to vector<3x8x1280xi32>
    %ge3A_977 = arith.cmpi sge, %select_n3A_35, %ge3A_976 : vector<3x8x1280xi32>
    %convert_element_type3A_978 = arith.extui %ge3A_977 : vector<3x8x1280xi1> to vector<3x8x1280xi32>
    %reduce_sum3A_979 = arith.constant dense<0> : vector<3xi32>
    %reduce_sum3A_980 = vector.multi_reduction <add>, %convert_element_type3A_978, %reduce_sum3A_979 [1, 2] : vector<3x8x1280xi32> to vector<3xi32>
    %broadcast_in_dim3A_981 = vector.shape_cast %reduce_sum3A_980 : vector<3xi32> to vector<3x1x1xi32>
    %ge3A_982 = arith.cmpi sge, %broadcast_in_dim3A_981, %shift_right_arithmetic3A_41 : vector<3x1x1xi32>
    %convert_element_type3A_983 = arith.extui %ge3A_982 : vector<3x1x1xi1> to vector<3x1x1xi32>
    %add3A_984 = arith.addi %broadcast_in_dim3A_972, %convert_element_type3A_983 : vector<3x1x1xi32>
    %add3A_985 = arith.constant 512 : i32
    %add3A_986 = vector.broadcast %add3A_985 : i32 to vector<3x1x1xi32>
    %add3A_987 = arith.addi %add3A_970, %add3A_986 : vector<3x1x1xi32>
    %ge3A_988 = vector.broadcast %add3A_987 : vector<3x1x1xi32> to vector<3x8x1280xi32>
    %ge3A_989 = arith.cmpi sge, %select_n3A_35, %ge3A_988 : vector<3x8x1280xi32>
    %convert_element_type3A_990 = arith.extui %ge3A_989 : vector<3x8x1280xi1> to vector<3x8x1280xi32>
    %reduce_sum3A_991 = arith.constant dense<0> : vector<3xi32>
    %reduce_sum3A_992 = vector.multi_reduction <add>, %convert_element_type3A_990, %reduce_sum3A_991 [1, 2] : vector<3x8x1280xi32> to vector<3xi32>
    %broadcast_in_dim3A_993 = vector.shape_cast %reduce_sum3A_992 : vector<3xi32> to vector<3x1x1xi32>
    %ge3A_994 = arith.cmpi sge, %broadcast_in_dim3A_993, %shift_right_arithmetic3A_41 : vector<3x1x1xi32>
    %convert_element_type3A_995 = arith.extui %ge3A_994 : vector<3x1x1xi1> to vector<3x1x1xi32>
    %add3A_996 = arith.addi %add3A_984, %convert_element_type3A_995 : vector<3x1x1xi32>
    %add3A_997 = arith.constant 768 : i32
    %add3A_998 = vector.broadcast %add3A_997 : i32 to vector<3x1x1xi32>
    %add3A_999 = arith.addi %add3A_970, %add3A_998 : vector<3x1x1xi32>
    %ge3A_1000 = vector.broadcast %add3A_999 : vector<3x1x1xi32> to vector<3x8x1280xi32>
    %ge3A_1001 = arith.cmpi sge, %select_n3A_35, %ge3A_1000 : vector<3x8x1280xi32>
    %convert_element_type3A_1002 = arith.extui %ge3A_1001 : vector<3x8x1280xi1> to vector<3x8x1280xi32>
    %reduce_sum3A_1003 = arith.constant dense<0> : vector<3xi32>
    %reduce_sum3A_1004 = vector.multi_reduction <add>, %convert_element_type3A_1002, %reduce_sum3A_1003 [1, 2] : vector<3x8x1280xi32> to vector<3xi32>
    %broadcast_in_dim3A_1005 = vector.shape_cast %reduce_sum3A_1004 : vector<3xi32> to vector<3x1x1xi32>
    %ge3A_1006 = arith.cmpi sge, %broadcast_in_dim3A_1005, %shift_right_arithmetic3A_41 : vector<3x1x1xi32>
    %convert_element_type3A_1007 = arith.extui %ge3A_1006 : vector<3x1x1xi1> to vector<3x1x1xi32>
    %add3A_1008 = arith.addi %add3A_996, %convert_element_type3A_1007 : vector<3x1x1xi32>
    %add3A_1009 = arith.constant 1024 : i32
    %add3A_1010 = vector.broadcast %add3A_1009 : i32 to vector<3x1x1xi32>
    %add3A_1011 = arith.addi %add3A_970, %add3A_1010 : vector<3x1x1xi32>
    %ge3A_1012 = vector.broadcast %add3A_1011 : vector<3x1x1xi32> to vector<3x8x1280xi32>
    %ge3A_1013 = arith.cmpi sge, %select_n3A_35, %ge3A_1012 : vector<3x8x1280xi32>
    %convert_element_type3A_1014 = arith.extui %ge3A_1013 : vector<3x8x1280xi1> to vector<3x8x1280xi32>
    %reduce_sum3A_1015 = arith.constant dense<0> : vector<3xi32>
    %reduce_sum3A_1016 = vector.multi_reduction <add>, %convert_element_type3A_1014, %reduce_sum3A_1015 [1, 2] : vector<3x8x1280xi32> to vector<3xi32>
    %broadcast_in_dim3A_1017 = vector.shape_cast %reduce_sum3A_1016 : vector<3xi32> to vector<3x1x1xi32>
    %ge3A_1018 = arith.cmpi sge, %broadcast_in_dim3A_1017, %shift_right_arithmetic3A_41 : vector<3x1x1xi32>
    %convert_element_type3A_1019 = arith.extui %ge3A_1018 : vector<3x1x1xi1> to vector<3x1x1xi32>
    %add3A_1020 = arith.addi %add3A_1008, %convert_element_type3A_1019 : vector<3x1x1xi32>
    %add3A_1021 = arith.constant 1280 : i32
    %add3A_1022 = vector.broadcast %add3A_1021 : i32 to vector<3x1x1xi32>
    %add3A_1023 = arith.addi %add3A_970, %add3A_1022 : vector<3x1x1xi32>
    %ge3A_1024 = vector.broadcast %add3A_1023 : vector<3x1x1xi32> to vector<3x8x1280xi32>
    %ge3A_1025 = arith.cmpi sge, %select_n3A_35, %ge3A_1024 : vector<3x8x1280xi32>
    %convert_element_type3A_1026 = arith.extui %ge3A_1025 : vector<3x8x1280xi1> to vector<3x8x1280xi32>
    %reduce_sum3A_1027 = arith.constant dense<0> : vector<3xi32>
    %reduce_sum3A_1028 = vector.multi_reduction <add>, %convert_element_type3A_1026, %reduce_sum3A_1027 [1, 2] : vector<3x8x1280xi32> to vector<3xi32>
    %broadcast_in_dim3A_1029 = vector.shape_cast %reduce_sum3A_1028 : vector<3xi32> to vector<3x1x1xi32>
    %ge3A_1030 = arith.cmpi sge, %broadcast_in_dim3A_1029, %shift_right_arithmetic3A_41 : vector<3x1x1xi32>
    %convert_element_type3A_1031 = arith.extui %ge3A_1030 : vector<3x1x1xi1> to vector<3x1x1xi32>
    %add3A_1032 = arith.addi %add3A_1020, %convert_element_type3A_1031 : vector<3x1x1xi32>
    %add3A_1033 = arith.constant 1536 : i32
    %add3A_1034 = vector.broadcast %add3A_1033 : i32 to vector<3x1x1xi32>
    %add3A_1035 = arith.addi %add3A_970, %add3A_1034 : vector<3x1x1xi32>
    %ge3A_1036 = vector.broadcast %add3A_1035 : vector<3x1x1xi32> to vector<3x8x1280xi32>
    %ge3A_1037 = arith.cmpi sge, %select_n3A_35, %ge3A_1036 : vector<3x8x1280xi32>
    %convert_element_type3A_1038 = arith.extui %ge3A_1037 : vector<3x8x1280xi1> to vector<3x8x1280xi32>
    %reduce_sum3A_1039 = arith.constant dense<0> : vector<3xi32>
    %reduce_sum3A_1040 = vector.multi_reduction <add>, %convert_element_type3A_1038, %reduce_sum3A_1039 [1, 2] : vector<3x8x1280xi32> to vector<3xi32>
    %broadcast_in_dim3A_1041 = vector.shape_cast %reduce_sum3A_1040 : vector<3xi32> to vector<3x1x1xi32>
    %ge3A_1042 = arith.cmpi sge, %broadcast_in_dim3A_1041, %shift_right_arithmetic3A_41 : vector<3x1x1xi32>
    %convert_element_type3A_1043 = arith.extui %ge3A_1042 : vector<3x1x1xi1> to vector<3x1x1xi32>
    %add3A_1044 = arith.addi %add3A_1032, %convert_element_type3A_1043 : vector<3x1x1xi32>
    %add3A_1045 = arith.constant 1792 : i32
    %add3A_1046 = vector.broadcast %add3A_1045 : i32 to vector<3x1x1xi32>
    %add3A_1047 = arith.addi %add3A_970, %add3A_1046 : vector<3x1x1xi32>
    %ge3A_1048 = vector.broadcast %add3A_1047 : vector<3x1x1xi32> to vector<3x8x1280xi32>
    %ge3A_1049 = arith.cmpi sge, %select_n3A_35, %ge3A_1048 : vector<3x8x1280xi32>
    %convert_element_type3A_1050 = arith.extui %ge3A_1049 : vector<3x8x1280xi1> to vector<3x8x1280xi32>
    %reduce_sum3A_1051 = arith.constant dense<0> : vector<3xi32>
    %reduce_sum3A_1052 = vector.multi_reduction <add>, %convert_element_type3A_1050, %reduce_sum3A_1051 [1, 2] : vector<3x8x1280xi32> to vector<3xi32>
    %broadcast_in_dim3A_1053 = vector.shape_cast %reduce_sum3A_1052 : vector<3xi32> to vector<3x1x1xi32>
    %ge3A_1054 = arith.cmpi sge, %broadcast_in_dim3A_1053, %shift_right_arithmetic3A_41 : vector<3x1x1xi32>
    %convert_element_type3A_1055 = arith.extui %ge3A_1054 : vector<3x1x1xi1> to vector<3x1x1xi32>
    %add3A_1056 = arith.addi %add3A_1044, %convert_element_type3A_1055 : vector<3x1x1xi32>
    %add3A_1057 = arith.constant 2048 : i32
    %add3A_1058 = vector.broadcast %add3A_1057 : i32 to vector<3x1x1xi32>
    %add3A_1059 = arith.addi %add3A_970, %add3A_1058 : vector<3x1x1xi32>
    %ge3A_1060 = vector.broadcast %add3A_1059 : vector<3x1x1xi32> to vector<3x8x1280xi32>
    %ge3A_1061 = arith.cmpi sge, %select_n3A_35, %ge3A_1060 : vector<3x8x1280xi32>
    %convert_element_type3A_1062 = arith.extui %ge3A_1061 : vector<3x8x1280xi1> to vector<3x8x1280xi32>
    %reduce_sum3A_1063 = arith.constant dense<0> : vector<3xi32>
    %reduce_sum3A_1064 = vector.multi_reduction <add>, %convert_element_type3A_1062, %reduce_sum3A_1063 [1, 2] : vector<3x8x1280xi32> to vector<3xi32>
    %broadcast_in_dim3A_1065 = vector.shape_cast %reduce_sum3A_1064 : vector<3xi32> to vector<3x1x1xi32>
    %ge3A_1066 = arith.cmpi sge, %broadcast_in_dim3A_1065, %shift_right_arithmetic3A_41 : vector<3x1x1xi32>
    %convert_element_type3A_1067 = arith.extui %ge3A_1066 : vector<3x1x1xi1> to vector<3x1x1xi32>
    %add3A_1068 = arith.addi %add3A_1056, %convert_element_type3A_1067 : vector<3x1x1xi32>
    %add3A_1069 = arith.constant 2304 : i32
    %add3A_1070 = vector.broadcast %add3A_1069 : i32 to vector<3x1x1xi32>
    %add3A_1071 = arith.addi %add3A_970, %add3A_1070 : vector<3x1x1xi32>
    %ge3A_1072 = vector.broadcast %add3A_1071 : vector<3x1x1xi32> to vector<3x8x1280xi32>
    %ge3A_1073 = arith.cmpi sge, %select_n3A_35, %ge3A_1072 : vector<3x8x1280xi32>
    %convert_element_type3A_1074 = arith.extui %ge3A_1073 : vector<3x8x1280xi1> to vector<3x8x1280xi32>
    %reduce_sum3A_1075 = arith.constant dense<0> : vector<3xi32>
    %reduce_sum3A_1076 = vector.multi_reduction <add>, %convert_element_type3A_1074, %reduce_sum3A_1075 [1, 2] : vector<3x8x1280xi32> to vector<3xi32>
    %broadcast_in_dim3A_1077 = vector.shape_cast %reduce_sum3A_1076 : vector<3xi32> to vector<3x1x1xi32>
    %ge3A_1078 = arith.cmpi sge, %broadcast_in_dim3A_1077, %shift_right_arithmetic3A_41 : vector<3x1x1xi32>
    %convert_element_type3A_1079 = arith.extui %ge3A_1078 : vector<3x1x1xi1> to vector<3x1x1xi32>
    %add3A_1080 = arith.addi %add3A_1068, %convert_element_type3A_1079 : vector<3x1x1xi32>
    %add3A_1081 = arith.constant 2560 : i32
    %add3A_1082 = vector.broadcast %add3A_1081 : i32 to vector<3x1x1xi32>
    %add3A_1083 = arith.addi %add3A_970, %add3A_1082 : vector<3x1x1xi32>
    %ge3A_1084 = vector.broadcast %add3A_1083 : vector<3x1x1xi32> to vector<3x8x1280xi32>
    %ge3A_1085 = arith.cmpi sge, %select_n3A_35, %ge3A_1084 : vector<3x8x1280xi32>
    %convert_element_type3A_1086 = arith.extui %ge3A_1085 : vector<3x8x1280xi1> to vector<3x8x1280xi32>
    %reduce_sum3A_1087 = arith.constant dense<0> : vector<3xi32>
    %reduce_sum3A_1088 = vector.multi_reduction <add>, %convert_element_type3A_1086, %reduce_sum3A_1087 [1, 2] : vector<3x8x1280xi32> to vector<3xi32>
    %broadcast_in_dim3A_1089 = vector.shape_cast %reduce_sum3A_1088 : vector<3xi32> to vector<3x1x1xi32>
    %ge3A_1090 = arith.cmpi sge, %broadcast_in_dim3A_1089, %shift_right_arithmetic3A_41 : vector<3x1x1xi32>
    %convert_element_type3A_1091 = arith.extui %ge3A_1090 : vector<3x1x1xi1> to vector<3x1x1xi32>
    %add3A_1092 = arith.addi %add3A_1080, %convert_element_type3A_1091 : vector<3x1x1xi32>
    %add3A_1093 = arith.constant 2816 : i32
    %add3A_1094 = vector.broadcast %add3A_1093 : i32 to vector<3x1x1xi32>
    %add3A_1095 = arith.addi %add3A_970, %add3A_1094 : vector<3x1x1xi32>
    %ge3A_1096 = vector.broadcast %add3A_1095 : vector<3x1x1xi32> to vector<3x8x1280xi32>
    %ge3A_1097 = arith.cmpi sge, %select_n3A_35, %ge3A_1096 : vector<3x8x1280xi32>
    %convert_element_type3A_1098 = arith.extui %ge3A_1097 : vector<3x8x1280xi1> to vector<3x8x1280xi32>
    %reduce_sum3A_1099 = arith.constant dense<0> : vector<3xi32>
    %reduce_sum3A_1100 = vector.multi_reduction <add>, %convert_element_type3A_1098, %reduce_sum3A_1099 [1, 2] : vector<3x8x1280xi32> to vector<3xi32>
    %broadcast_in_dim3A_1101 = vector.shape_cast %reduce_sum3A_1100 : vector<3xi32> to vector<3x1x1xi32>
    %ge3A_1102 = arith.cmpi sge, %broadcast_in_dim3A_1101, %shift_right_arithmetic3A_41 : vector<3x1x1xi32>
    %convert_element_type3A_1103 = arith.extui %ge3A_1102 : vector<3x1x1xi1> to vector<3x1x1xi32>
    %add3A_1104 = arith.addi %add3A_1092, %convert_element_type3A_1103 : vector<3x1x1xi32>
    %add3A_1105 = arith.constant 3072 : i32
    %add3A_1106 = vector.broadcast %add3A_1105 : i32 to vector<3x1x1xi32>
    %add3A_1107 = arith.addi %add3A_970, %add3A_1106 : vector<3x1x1xi32>
    %ge3A_1108 = vector.broadcast %add3A_1107 : vector<3x1x1xi32> to vector<3x8x1280xi32>
    %ge3A_1109 = arith.cmpi sge, %select_n3A_35, %ge3A_1108 : vector<3x8x1280xi32>
    %convert_element_type3A_1110 = arith.extui %ge3A_1109 : vector<3x8x1280xi1> to vector<3x8x1280xi32>
    %reduce_sum3A_1111 = arith.constant dense<0> : vector<3xi32>
    %reduce_sum3A_1112 = vector.multi_reduction <add>, %convert_element_type3A_1110, %reduce_sum3A_1111 [1, 2] : vector<3x8x1280xi32> to vector<3xi32>
    %broadcast_in_dim3A_1113 = vector.shape_cast %reduce_sum3A_1112 : vector<3xi32> to vector<3x1x1xi32>
    %ge3A_1114 = arith.cmpi sge, %broadcast_in_dim3A_1113, %shift_right_arithmetic3A_41 : vector<3x1x1xi32>
    %convert_element_type3A_1115 = arith.extui %ge3A_1114 : vector<3x1x1xi1> to vector<3x1x1xi32>
    %add3A_1116 = arith.addi %add3A_1104, %convert_element_type3A_1115 : vector<3x1x1xi32>
    %add3A_1117 = arith.constant 3328 : i32
    %add3A_1118 = vector.broadcast %add3A_1117 : i32 to vector<3x1x1xi32>
    %add3A_1119 = arith.addi %add3A_970, %add3A_1118 : vector<3x1x1xi32>
    %ge3A_1120 = vector.broadcast %add3A_1119 : vector<3x1x1xi32> to vector<3x8x1280xi32>
    %ge3A_1121 = arith.cmpi sge, %select_n3A_35, %ge3A_1120 : vector<3x8x1280xi32>
    %convert_element_type3A_1122 = arith.extui %ge3A_1121 : vector<3x8x1280xi1> to vector<3x8x1280xi32>
    %reduce_sum3A_1123 = arith.constant dense<0> : vector<3xi32>
    %reduce_sum3A_1124 = vector.multi_reduction <add>, %convert_element_type3A_1122, %reduce_sum3A_1123 [1, 2] : vector<3x8x1280xi32> to vector<3xi32>
    %broadcast_in_dim3A_1125 = vector.shape_cast %reduce_sum3A_1124 : vector<3xi32> to vector<3x1x1xi32>
    %ge3A_1126 = arith.cmpi sge, %broadcast_in_dim3A_1125, %shift_right_arithmetic3A_41 : vector<3x1x1xi32>
    %convert_element_type3A_1127 = arith.extui %ge3A_1126 : vector<3x1x1xi1> to vector<3x1x1xi32>
    %add3A_1128 = arith.addi %add3A_1116, %convert_element_type3A_1127 : vector<3x1x1xi32>
    %add3A_1129 = arith.constant 3584 : i32
    %add3A_1130 = vector.broadcast %add3A_1129 : i32 to vector<3x1x1xi32>
    %add3A_1131 = arith.addi %add3A_970, %add3A_1130 : vector<3x1x1xi32>
    %ge3A_1132 = vector.broadcast %add3A_1131 : vector<3x1x1xi32> to vector<3x8x1280xi32>
    %ge3A_1133 = arith.cmpi sge, %select_n3A_35, %ge3A_1132 : vector<3x8x1280xi32>
    %convert_element_type3A_1134 = arith.extui %ge3A_1133 : vector<3x8x1280xi1> to vector<3x8x1280xi32>
    %reduce_sum3A_1135 = arith.constant dense<0> : vector<3xi32>
    %reduce_sum3A_1136 = vector.multi_reduction <add>, %convert_element_type3A_1134, %reduce_sum3A_1135 [1, 2] : vector<3x8x1280xi32> to vector<3xi32>
    %broadcast_in_dim3A_1137 = vector.shape_cast %reduce_sum3A_1136 : vector<3xi32> to vector<3x1x1xi32>
    %ge3A_1138 = arith.cmpi sge, %broadcast_in_dim3A_1137, %shift_right_arithmetic3A_41 : vector<3x1x1xi32>
    %convert_element_type3A_1139 = arith.extui %ge3A_1138 : vector<3x1x1xi1> to vector<3x1x1xi32>
    %add3A_1140 = arith.addi %add3A_1128, %convert_element_type3A_1139 : vector<3x1x1xi32>
    %add3A_1141 = arith.constant 3840 : i32
    %add3A_1142 = vector.broadcast %add3A_1141 : i32 to vector<3x1x1xi32>
    %add3A_1143 = arith.addi %add3A_970, %add3A_1142 : vector<3x1x1xi32>
    %ge3A_1144 = vector.broadcast %add3A_1143 : vector<3x1x1xi32> to vector<3x8x1280xi32>
    %ge3A_1145 = arith.cmpi sge, %select_n3A_35, %ge3A_1144 : vector<3x8x1280xi32>
    %convert_element_type3A_1146 = arith.extui %ge3A_1145 : vector<3x8x1280xi1> to vector<3x8x1280xi32>
    %reduce_sum3A_1147 = arith.constant dense<0> : vector<3xi32>
    %reduce_sum3A_1148 = vector.multi_reduction <add>, %convert_element_type3A_1146, %reduce_sum3A_1147 [1, 2] : vector<3x8x1280xi32> to vector<3xi32>
    %broadcast_in_dim3A_1149 = vector.shape_cast %reduce_sum3A_1148 : vector<3xi32> to vector<3x1x1xi32>
    %ge3A_1150 = arith.cmpi sge, %broadcast_in_dim3A_1149, %shift_right_arithmetic3A_41 : vector<3x1x1xi32>
    %convert_element_type3A_1151 = arith.extui %ge3A_1150 : vector<3x1x1xi1> to vector<3x1x1xi32>
    %add3A_1152 = arith.addi %add3A_1140, %convert_element_type3A_1151 : vector<3x1x1xi32>
    %shift_left3A_1153 = arith.constant 8 : i32
    %shift_left3A_1154 = vector.broadcast %shift_left3A_1153 : i32 to vector<3x1x1xi32>
    %shift_left3A_1155 = arith.shli %add3A_1152, %shift_left3A_1154 : vector<3x1x1xi32>
    %add3A_1156 = arith.addi %add3A_970, %shift_left3A_1155 : vector<3x1x1xi32>
    %broadcast_in_dim3A_1157 = arith.constant 0 : i32
    %broadcast_in_dim3A_1158 = vector.broadcast %broadcast_in_dim3A_1157 : i32 to vector<3x1x1xi32>
    %add3A_1159 = arith.constant 16 : i32
    %add3A_1160 = vector.broadcast %add3A_1159 : i32 to vector<3x1x1xi32>
    %add3A_1161 = arith.addi %add3A_1156, %add3A_1160 : vector<3x1x1xi32>
    %ge3A_1162 = vector.broadcast %add3A_1161 : vector<3x1x1xi32> to vector<3x8x1280xi32>
    %ge3A_1163 = arith.cmpi sge, %select_n3A_35, %ge3A_1162 : vector<3x8x1280xi32>
    %convert_element_type3A_1164 = arith.extui %ge3A_1163 : vector<3x8x1280xi1> to vector<3x8x1280xi32>
    %reduce_sum3A_1165 = arith.constant dense<0> : vector<3xi32>
    %reduce_sum3A_1166 = vector.multi_reduction <add>, %convert_element_type3A_1164, %reduce_sum3A_1165 [1, 2] : vector<3x8x1280xi32> to vector<3xi32>
    %broadcast_in_dim3A_1167 = vector.shape_cast %reduce_sum3A_1166 : vector<3xi32> to vector<3x1x1xi32>
    %ge3A_1168 = arith.cmpi sge, %broadcast_in_dim3A_1167, %shift_right_arithmetic3A_41 : vector<3x1x1xi32>
    %convert_element_type3A_1169 = arith.extui %ge3A_1168 : vector<3x1x1xi1> to vector<3x1x1xi32>
    %add3A_1170 = arith.addi %broadcast_in_dim3A_1158, %convert_element_type3A_1169 : vector<3x1x1xi32>
    %add3A_1171 = arith.constant 32 : i32
    %add3A_1172 = vector.broadcast %add3A_1171 : i32 to vector<3x1x1xi32>
    %add3A_1173 = arith.addi %add3A_1156, %add3A_1172 : vector<3x1x1xi32>
    %ge3A_1174 = vector.broadcast %add3A_1173 : vector<3x1x1xi32> to vector<3x8x1280xi32>
    %ge3A_1175 = arith.cmpi sge, %select_n3A_35, %ge3A_1174 : vector<3x8x1280xi32>
    %convert_element_type3A_1176 = arith.extui %ge3A_1175 : vector<3x8x1280xi1> to vector<3x8x1280xi32>
    %reduce_sum3A_1177 = arith.constant dense<0> : vector<3xi32>
    %reduce_sum3A_1178 = vector.multi_reduction <add>, %convert_element_type3A_1176, %reduce_sum3A_1177 [1, 2] : vector<3x8x1280xi32> to vector<3xi32>
    %broadcast_in_dim3A_1179 = vector.shape_cast %reduce_sum3A_1178 : vector<3xi32> to vector<3x1x1xi32>
    %ge3A_1180 = arith.cmpi sge, %broadcast_in_dim3A_1179, %shift_right_arithmetic3A_41 : vector<3x1x1xi32>
    %convert_element_type3A_1181 = arith.extui %ge3A_1180 : vector<3x1x1xi1> to vector<3x1x1xi32>
    %add3A_1182 = arith.addi %add3A_1170, %convert_element_type3A_1181 : vector<3x1x1xi32>
    %add3A_1183 = arith.constant 48 : i32
    %add3A_1184 = vector.broadcast %add3A_1183 : i32 to vector<3x1x1xi32>
    %add3A_1185 = arith.addi %add3A_1156, %add3A_1184 : vector<3x1x1xi32>
    %ge3A_1186 = vector.broadcast %add3A_1185 : vector<3x1x1xi32> to vector<3x8x1280xi32>
    %ge3A_1187 = arith.cmpi sge, %select_n3A_35, %ge3A_1186 : vector<3x8x1280xi32>
    %convert_element_type3A_1188 = arith.extui %ge3A_1187 : vector<3x8x1280xi1> to vector<3x8x1280xi32>
    %reduce_sum3A_1189 = arith.constant dense<0> : vector<3xi32>
    %reduce_sum3A_1190 = vector.multi_reduction <add>, %convert_element_type3A_1188, %reduce_sum3A_1189 [1, 2] : vector<3x8x1280xi32> to vector<3xi32>
    %broadcast_in_dim3A_1191 = vector.shape_cast %reduce_sum3A_1190 : vector<3xi32> to vector<3x1x1xi32>
    %ge3A_1192 = arith.cmpi sge, %broadcast_in_dim3A_1191, %shift_right_arithmetic3A_41 : vector<3x1x1xi32>
    %convert_element_type3A_1193 = arith.extui %ge3A_1192 : vector<3x1x1xi1> to vector<3x1x1xi32>
    %add3A_1194 = arith.addi %add3A_1182, %convert_element_type3A_1193 : vector<3x1x1xi32>
    %add3A_1195 = arith.constant 64 : i32
    %add3A_1196 = vector.broadcast %add3A_1195 : i32 to vector<3x1x1xi32>
    %add3A_1197 = arith.addi %add3A_1156, %add3A_1196 : vector<3x1x1xi32>
    %ge3A_1198 = vector.broadcast %add3A_1197 : vector<3x1x1xi32> to vector<3x8x1280xi32>
    %ge3A_1199 = arith.cmpi sge, %select_n3A_35, %ge3A_1198 : vector<3x8x1280xi32>
    %convert_element_type3A_1200 = arith.extui %ge3A_1199 : vector<3x8x1280xi1> to vector<3x8x1280xi32>
    %reduce_sum3A_1201 = arith.constant dense<0> : vector<3xi32>
    %reduce_sum3A_1202 = vector.multi_reduction <add>, %convert_element_type3A_1200, %reduce_sum3A_1201 [1, 2] : vector<3x8x1280xi32> to vector<3xi32>
    %broadcast_in_dim3A_1203 = vector.shape_cast %reduce_sum3A_1202 : vector<3xi32> to vector<3x1x1xi32>
    %ge3A_1204 = arith.cmpi sge, %broadcast_in_dim3A_1203, %shift_right_arithmetic3A_41 : vector<3x1x1xi32>
    %convert_element_type3A_1205 = arith.extui %ge3A_1204 : vector<3x1x1xi1> to vector<3x1x1xi32>
    %add3A_1206 = arith.addi %add3A_1194, %convert_element_type3A_1205 : vector<3x1x1xi32>
    %add3A_1207 = arith.constant 80 : i32
    %add3A_1208 = vector.broadcast %add3A_1207 : i32 to vector<3x1x1xi32>
    %add3A_1209 = arith.addi %add3A_1156, %add3A_1208 : vector<3x1x1xi32>
    %ge3A_1210 = vector.broadcast %add3A_1209 : vector<3x1x1xi32> to vector<3x8x1280xi32>
    %ge3A_1211 = arith.cmpi sge, %select_n3A_35, %ge3A_1210 : vector<3x8x1280xi32>
    %convert_element_type3A_1212 = arith.extui %ge3A_1211 : vector<3x8x1280xi1> to vector<3x8x1280xi32>
    %reduce_sum3A_1213 = arith.constant dense<0> : vector<3xi32>
    %reduce_sum3A_1214 = vector.multi_reduction <add>, %convert_element_type3A_1212, %reduce_sum3A_1213 [1, 2] : vector<3x8x1280xi32> to vector<3xi32>
    %broadcast_in_dim3A_1215 = vector.shape_cast %reduce_sum3A_1214 : vector<3xi32> to vector<3x1x1xi32>
    %ge3A_1216 = arith.cmpi sge, %broadcast_in_dim3A_1215, %shift_right_arithmetic3A_41 : vector<3x1x1xi32>
    %convert_element_type3A_1217 = arith.extui %ge3A_1216 : vector<3x1x1xi1> to vector<3x1x1xi32>
    %add3A_1218 = arith.addi %add3A_1206, %convert_element_type3A_1217 : vector<3x1x1xi32>
    %add3A_1219 = arith.constant 96 : i32
    %add3A_1220 = vector.broadcast %add3A_1219 : i32 to vector<3x1x1xi32>
    %add3A_1221 = arith.addi %add3A_1156, %add3A_1220 : vector<3x1x1xi32>
    %ge3A_1222 = vector.broadcast %add3A_1221 : vector<3x1x1xi32> to vector<3x8x1280xi32>
    %ge3A_1223 = arith.cmpi sge, %select_n3A_35, %ge3A_1222 : vector<3x8x1280xi32>
    %convert_element_type3A_1224 = arith.extui %ge3A_1223 : vector<3x8x1280xi1> to vector<3x8x1280xi32>
    %reduce_sum3A_1225 = arith.constant dense<0> : vector<3xi32>
    %reduce_sum3A_1226 = vector.multi_reduction <add>, %convert_element_type3A_1224, %reduce_sum3A_1225 [1, 2] : vector<3x8x1280xi32> to vector<3xi32>
    %broadcast_in_dim3A_1227 = vector.shape_cast %reduce_sum3A_1226 : vector<3xi32> to vector<3x1x1xi32>
    %ge3A_1228 = arith.cmpi sge, %broadcast_in_dim3A_1227, %shift_right_arithmetic3A_41 : vector<3x1x1xi32>
    %convert_element_type3A_1229 = arith.extui %ge3A_1228 : vector<3x1x1xi1> to vector<3x1x1xi32>
    %add3A_1230 = arith.addi %add3A_1218, %convert_element_type3A_1229 : vector<3x1x1xi32>
    %add3A_1231 = arith.constant 112 : i32
    %add3A_1232 = vector.broadcast %add3A_1231 : i32 to vector<3x1x1xi32>
    %add3A_1233 = arith.addi %add3A_1156, %add3A_1232 : vector<3x1x1xi32>
    %ge3A_1234 = vector.broadcast %add3A_1233 : vector<3x1x1xi32> to vector<3x8x1280xi32>
    %ge3A_1235 = arith.cmpi sge, %select_n3A_35, %ge3A_1234 : vector<3x8x1280xi32>
    %convert_element_type3A_1236 = arith.extui %ge3A_1235 : vector<3x8x1280xi1> to vector<3x8x1280xi32>
    %reduce_sum3A_1237 = arith.constant dense<0> : vector<3xi32>
    %reduce_sum3A_1238 = vector.multi_reduction <add>, %convert_element_type3A_1236, %reduce_sum3A_1237 [1, 2] : vector<3x8x1280xi32> to vector<3xi32>
    %broadcast_in_dim3A_1239 = vector.shape_cast %reduce_sum3A_1238 : vector<3xi32> to vector<3x1x1xi32>
    %ge3A_1240 = arith.cmpi sge, %broadcast_in_dim3A_1239, %shift_right_arithmetic3A_41 : vector<3x1x1xi32>
    %convert_element_type3A_1241 = arith.extui %ge3A_1240 : vector<3x1x1xi1> to vector<3x1x1xi32>
    %add3A_1242 = arith.addi %add3A_1230, %convert_element_type3A_1241 : vector<3x1x1xi32>
    %add3A_1243 = arith.constant 128 : i32
    %add3A_1244 = vector.broadcast %add3A_1243 : i32 to vector<3x1x1xi32>
    %add3A_1245 = arith.addi %add3A_1156, %add3A_1244 : vector<3x1x1xi32>
    %ge3A_1246 = vector.broadcast %add3A_1245 : vector<3x1x1xi32> to vector<3x8x1280xi32>
    %ge3A_1247 = arith.cmpi sge, %select_n3A_35, %ge3A_1246 : vector<3x8x1280xi32>
    %convert_element_type3A_1248 = arith.extui %ge3A_1247 : vector<3x8x1280xi1> to vector<3x8x1280xi32>
    %reduce_sum3A_1249 = arith.constant dense<0> : vector<3xi32>
    %reduce_sum3A_1250 = vector.multi_reduction <add>, %convert_element_type3A_1248, %reduce_sum3A_1249 [1, 2] : vector<3x8x1280xi32> to vector<3xi32>
    %broadcast_in_dim3A_1251 = vector.shape_cast %reduce_sum3A_1250 : vector<3xi32> to vector<3x1x1xi32>
    %ge3A_1252 = arith.cmpi sge, %broadcast_in_dim3A_1251, %shift_right_arithmetic3A_41 : vector<3x1x1xi32>
    %convert_element_type3A_1253 = arith.extui %ge3A_1252 : vector<3x1x1xi1> to vector<3x1x1xi32>
    %add3A_1254 = arith.addi %add3A_1242, %convert_element_type3A_1253 : vector<3x1x1xi32>
    %add3A_1255 = arith.constant 144 : i32
    %add3A_1256 = vector.broadcast %add3A_1255 : i32 to vector<3x1x1xi32>
    %add3A_1257 = arith.addi %add3A_1156, %add3A_1256 : vector<3x1x1xi32>
    %ge3A_1258 = vector.broadcast %add3A_1257 : vector<3x1x1xi32> to vector<3x8x1280xi32>
    %ge3A_1259 = arith.cmpi sge, %select_n3A_35, %ge3A_1258 : vector<3x8x1280xi32>
    %convert_element_type3A_1260 = arith.extui %ge3A_1259 : vector<3x8x1280xi1> to vector<3x8x1280xi32>
    %reduce_sum3A_1261 = arith.constant dense<0> : vector<3xi32>
    %reduce_sum3A_1262 = vector.multi_reduction <add>, %convert_element_type3A_1260, %reduce_sum3A_1261 [1, 2] : vector<3x8x1280xi32> to vector<3xi32>
    %broadcast_in_dim3A_1263 = vector.shape_cast %reduce_sum3A_1262 : vector<3xi32> to vector<3x1x1xi32>
    %ge3A_1264 = arith.cmpi sge, %broadcast_in_dim3A_1263, %shift_right_arithmetic3A_41 : vector<3x1x1xi32>
    %convert_element_type3A_1265 = arith.extui %ge3A_1264 : vector<3x1x1xi1> to vector<3x1x1xi32>
    %add3A_1266 = arith.addi %add3A_1254, %convert_element_type3A_1265 : vector<3x1x1xi32>
    %add3A_1267 = arith.constant 160 : i32
    %add3A_1268 = vector.broadcast %add3A_1267 : i32 to vector<3x1x1xi32>
    %add3A_1269 = arith.addi %add3A_1156, %add3A_1268 : vector<3x1x1xi32>
    %ge3A_1270 = vector.broadcast %add3A_1269 : vector<3x1x1xi32> to vector<3x8x1280xi32>
    %ge3A_1271 = arith.cmpi sge, %select_n3A_35, %ge3A_1270 : vector<3x8x1280xi32>
    %convert_element_type3A_1272 = arith.extui %ge3A_1271 : vector<3x8x1280xi1> to vector<3x8x1280xi32>
    %reduce_sum3A_1273 = arith.constant dense<0> : vector<3xi32>
    %reduce_sum3A_1274 = vector.multi_reduction <add>, %convert_element_type3A_1272, %reduce_sum3A_1273 [1, 2] : vector<3x8x1280xi32> to vector<3xi32>
    %broadcast_in_dim3A_1275 = vector.shape_cast %reduce_sum3A_1274 : vector<3xi32> to vector<3x1x1xi32>
    %ge3A_1276 = arith.cmpi sge, %broadcast_in_dim3A_1275, %shift_right_arithmetic3A_41 : vector<3x1x1xi32>
    %convert_element_type3A_1277 = arith.extui %ge3A_1276 : vector<3x1x1xi1> to vector<3x1x1xi32>
    %add3A_1278 = arith.addi %add3A_1266, %convert_element_type3A_1277 : vector<3x1x1xi32>
    %add3A_1279 = arith.constant 176 : i32
    %add3A_1280 = vector.broadcast %add3A_1279 : i32 to vector<3x1x1xi32>
    %add3A_1281 = arith.addi %add3A_1156, %add3A_1280 : vector<3x1x1xi32>
    %ge3A_1282 = vector.broadcast %add3A_1281 : vector<3x1x1xi32> to vector<3x8x1280xi32>
    %ge3A_1283 = arith.cmpi sge, %select_n3A_35, %ge3A_1282 : vector<3x8x1280xi32>
    %convert_element_type3A_1284 = arith.extui %ge3A_1283 : vector<3x8x1280xi1> to vector<3x8x1280xi32>
    %reduce_sum3A_1285 = arith.constant dense<0> : vector<3xi32>
    %reduce_sum3A_1286 = vector.multi_reduction <add>, %convert_element_type3A_1284, %reduce_sum3A_1285 [1, 2] : vector<3x8x1280xi32> to vector<3xi32>
    %broadcast_in_dim3A_1287 = vector.shape_cast %reduce_sum3A_1286 : vector<3xi32> to vector<3x1x1xi32>
    %ge3A_1288 = arith.cmpi sge, %broadcast_in_dim3A_1287, %shift_right_arithmetic3A_41 : vector<3x1x1xi32>
    %convert_element_type3A_1289 = arith.extui %ge3A_1288 : vector<3x1x1xi1> to vector<3x1x1xi32>
    %add3A_1290 = arith.addi %add3A_1278, %convert_element_type3A_1289 : vector<3x1x1xi32>
    %add3A_1291 = arith.constant 192 : i32
    %add3A_1292 = vector.broadcast %add3A_1291 : i32 to vector<3x1x1xi32>
    %add3A_1293 = arith.addi %add3A_1156, %add3A_1292 : vector<3x1x1xi32>
    %ge3A_1294 = vector.broadcast %add3A_1293 : vector<3x1x1xi32> to vector<3x8x1280xi32>
    %ge3A_1295 = arith.cmpi sge, %select_n3A_35, %ge3A_1294 : vector<3x8x1280xi32>
    %convert_element_type3A_1296 = arith.extui %ge3A_1295 : vector<3x8x1280xi1> to vector<3x8x1280xi32>
    %reduce_sum3A_1297 = arith.constant dense<0> : vector<3xi32>
    %reduce_sum3A_1298 = vector.multi_reduction <add>, %convert_element_type3A_1296, %reduce_sum3A_1297 [1, 2] : vector<3x8x1280xi32> to vector<3xi32>
    %broadcast_in_dim3A_1299 = vector.shape_cast %reduce_sum3A_1298 : vector<3xi32> to vector<3x1x1xi32>
    %ge3A_1300 = arith.cmpi sge, %broadcast_in_dim3A_1299, %shift_right_arithmetic3A_41 : vector<3x1x1xi32>
    %convert_element_type3A_1301 = arith.extui %ge3A_1300 : vector<3x1x1xi1> to vector<3x1x1xi32>
    %add3A_1302 = arith.addi %add3A_1290, %convert_element_type3A_1301 : vector<3x1x1xi32>
    %add3A_1303 = arith.constant 208 : i32
    %add3A_1304 = vector.broadcast %add3A_1303 : i32 to vector<3x1x1xi32>
    %add3A_1305 = arith.addi %add3A_1156, %add3A_1304 : vector<3x1x1xi32>
    %ge3A_1306 = vector.broadcast %add3A_1305 : vector<3x1x1xi32> to vector<3x8x1280xi32>
    %ge3A_1307 = arith.cmpi sge, %select_n3A_35, %ge3A_1306 : vector<3x8x1280xi32>
    %convert_element_type3A_1308 = arith.extui %ge3A_1307 : vector<3x8x1280xi1> to vector<3x8x1280xi32>
    %reduce_sum3A_1309 = arith.constant dense<0> : vector<3xi32>
    %reduce_sum3A_1310 = vector.multi_reduction <add>, %convert_element_type3A_1308, %reduce_sum3A_1309 [1, 2] : vector<3x8x1280xi32> to vector<3xi32>
    %broadcast_in_dim3A_1311 = vector.shape_cast %reduce_sum3A_1310 : vector<3xi32> to vector<3x1x1xi32>
    %ge3A_1312 = arith.cmpi sge, %broadcast_in_dim3A_1311, %shift_right_arithmetic3A_41 : vector<3x1x1xi32>
    %convert_element_type3A_1313 = arith.extui %ge3A_1312 : vector<3x1x1xi1> to vector<3x1x1xi32>
    %add3A_1314 = arith.addi %add3A_1302, %convert_element_type3A_1313 : vector<3x1x1xi32>
    %add3A_1315 = arith.constant 224 : i32
    %add3A_1316 = vector.broadcast %add3A_1315 : i32 to vector<3x1x1xi32>
    %add3A_1317 = arith.addi %add3A_1156, %add3A_1316 : vector<3x1x1xi32>
    %ge3A_1318 = vector.broadcast %add3A_1317 : vector<3x1x1xi32> to vector<3x8x1280xi32>
    %ge3A_1319 = arith.cmpi sge, %select_n3A_35, %ge3A_1318 : vector<3x8x1280xi32>
    %convert_element_type3A_1320 = arith.extui %ge3A_1319 : vector<3x8x1280xi1> to vector<3x8x1280xi32>
    %reduce_sum3A_1321 = arith.constant dense<0> : vector<3xi32>
    %reduce_sum3A_1322 = vector.multi_reduction <add>, %convert_element_type3A_1320, %reduce_sum3A_1321 [1, 2] : vector<3x8x1280xi32> to vector<3xi32>
    %broadcast_in_dim3A_1323 = vector.shape_cast %reduce_sum3A_1322 : vector<3xi32> to vector<3x1x1xi32>
    %ge3A_1324 = arith.cmpi sge, %broadcast_in_dim3A_1323, %shift_right_arithmetic3A_41 : vector<3x1x1xi32>
    %convert_element_type3A_1325 = arith.extui %ge3A_1324 : vector<3x1x1xi1> to vector<3x1x1xi32>
    %add3A_1326 = arith.addi %add3A_1314, %convert_element_type3A_1325 : vector<3x1x1xi32>
    %add3A_1327 = arith.constant 240 : i32
    %add3A_1328 = vector.broadcast %add3A_1327 : i32 to vector<3x1x1xi32>
    %add3A_1329 = arith.addi %add3A_1156, %add3A_1328 : vector<3x1x1xi32>
    %ge3A_1330 = vector.broadcast %add3A_1329 : vector<3x1x1xi32> to vector<3x8x1280xi32>
    %ge3A_1331 = arith.cmpi sge, %select_n3A_35, %ge3A_1330 : vector<3x8x1280xi32>
    %convert_element_type3A_1332 = arith.extui %ge3A_1331 : vector<3x8x1280xi1> to vector<3x8x1280xi32>
    %reduce_sum3A_1333 = arith.constant dense<0> : vector<3xi32>
    %reduce_sum3A_1334 = vector.multi_reduction <add>, %convert_element_type3A_1332, %reduce_sum3A_1333 [1, 2] : vector<3x8x1280xi32> to vector<3xi32>
    %broadcast_in_dim3A_1335 = vector.shape_cast %reduce_sum3A_1334 : vector<3xi32> to vector<3x1x1xi32>
    %ge3A_1336 = arith.cmpi sge, %broadcast_in_dim3A_1335, %shift_right_arithmetic3A_41 : vector<3x1x1xi32>
    %convert_element_type3A_1337 = arith.extui %ge3A_1336 : vector<3x1x1xi1> to vector<3x1x1xi32>
    %add3A_1338 = arith.addi %add3A_1326, %convert_element_type3A_1337 : vector<3x1x1xi32>
    %shift_left3A_1339 = arith.constant 4 : i32
    %shift_left3A_1340 = vector.broadcast %shift_left3A_1339 : i32 to vector<3x1x1xi32>
    %shift_left3A_1341 = arith.shli %add3A_1338, %shift_left3A_1340 : vector<3x1x1xi32>
    %add3A_1342 = arith.addi %add3A_1156, %shift_left3A_1341 : vector<3x1x1xi32>
    %broadcast_in_dim3A_1343 = arith.constant 0 : i32
    %broadcast_in_dim3A_1344 = vector.broadcast %broadcast_in_dim3A_1343 : i32 to vector<3x1x1xi32>
    %add3A_1345 = arith.constant 1 : i32
    %add3A_1346 = vector.broadcast %add3A_1345 : i32 to vector<3x1x1xi32>
    %add3A_1347 = arith.addi %add3A_1342, %add3A_1346 : vector<3x1x1xi32>
    %ge3A_1348 = vector.broadcast %add3A_1347 : vector<3x1x1xi32> to vector<3x8x1280xi32>
    %ge3A_1349 = arith.cmpi sge, %select_n3A_35, %ge3A_1348 : vector<3x8x1280xi32>
    %convert_element_type3A_1350 = arith.extui %ge3A_1349 : vector<3x8x1280xi1> to vector<3x8x1280xi32>
    %reduce_sum3A_1351 = arith.constant dense<0> : vector<3xi32>
    %reduce_sum3A_1352 = vector.multi_reduction <add>, %convert_element_type3A_1350, %reduce_sum3A_1351 [1, 2] : vector<3x8x1280xi32> to vector<3xi32>
    %broadcast_in_dim3A_1353 = vector.shape_cast %reduce_sum3A_1352 : vector<3xi32> to vector<3x1x1xi32>
    %ge3A_1354 = arith.cmpi sge, %broadcast_in_dim3A_1353, %shift_right_arithmetic3A_41 : vector<3x1x1xi32>
    %convert_element_type3A_1355 = arith.extui %ge3A_1354 : vector<3x1x1xi1> to vector<3x1x1xi32>
    %add3A_1356 = arith.addi %broadcast_in_dim3A_1344, %convert_element_type3A_1355 : vector<3x1x1xi32>
    %add3A_1357 = arith.constant 2 : i32
    %add3A_1358 = vector.broadcast %add3A_1357 : i32 to vector<3x1x1xi32>
    %add3A_1359 = arith.addi %add3A_1342, %add3A_1358 : vector<3x1x1xi32>
    %ge3A_1360 = vector.broadcast %add3A_1359 : vector<3x1x1xi32> to vector<3x8x1280xi32>
    %ge3A_1361 = arith.cmpi sge, %select_n3A_35, %ge3A_1360 : vector<3x8x1280xi32>
    %convert_element_type3A_1362 = arith.extui %ge3A_1361 : vector<3x8x1280xi1> to vector<3x8x1280xi32>
    %reduce_sum3A_1363 = arith.constant dense<0> : vector<3xi32>
    %reduce_sum3A_1364 = vector.multi_reduction <add>, %convert_element_type3A_1362, %reduce_sum3A_1363 [1, 2] : vector<3x8x1280xi32> to vector<3xi32>
    %broadcast_in_dim3A_1365 = vector.shape_cast %reduce_sum3A_1364 : vector<3xi32> to vector<3x1x1xi32>
    %ge3A_1366 = arith.cmpi sge, %broadcast_in_dim3A_1365, %shift_right_arithmetic3A_41 : vector<3x1x1xi32>
    %convert_element_type3A_1367 = arith.extui %ge3A_1366 : vector<3x1x1xi1> to vector<3x1x1xi32>
    %add3A_1368 = arith.addi %add3A_1356, %convert_element_type3A_1367 : vector<3x1x1xi32>
    %add3A_1369 = arith.constant 3 : i32
    %add3A_1370 = vector.broadcast %add3A_1369 : i32 to vector<3x1x1xi32>
    %add3A_1371 = arith.addi %add3A_1342, %add3A_1370 : vector<3x1x1xi32>
    %ge3A_1372 = vector.broadcast %add3A_1371 : vector<3x1x1xi32> to vector<3x8x1280xi32>
    %ge3A_1373 = arith.cmpi sge, %select_n3A_35, %ge3A_1372 : vector<3x8x1280xi32>
    %convert_element_type3A_1374 = arith.extui %ge3A_1373 : vector<3x8x1280xi1> to vector<3x8x1280xi32>
    %reduce_sum3A_1375 = arith.constant dense<0> : vector<3xi32>
    %reduce_sum3A_1376 = vector.multi_reduction <add>, %convert_element_type3A_1374, %reduce_sum3A_1375 [1, 2] : vector<3x8x1280xi32> to vector<3xi32>
    %broadcast_in_dim3A_1377 = vector.shape_cast %reduce_sum3A_1376 : vector<3xi32> to vector<3x1x1xi32>
    %ge3A_1378 = arith.cmpi sge, %broadcast_in_dim3A_1377, %shift_right_arithmetic3A_41 : vector<3x1x1xi32>
    %convert_element_type3A_1379 = arith.extui %ge3A_1378 : vector<3x1x1xi1> to vector<3x1x1xi32>
    %add3A_1380 = arith.addi %add3A_1368, %convert_element_type3A_1379 : vector<3x1x1xi32>
    %add3A_1381 = arith.constant 4 : i32
    %add3A_1382 = vector.broadcast %add3A_1381 : i32 to vector<3x1x1xi32>
    %add3A_1383 = arith.addi %add3A_1342, %add3A_1382 : vector<3x1x1xi32>
    %ge3A_1384 = vector.broadcast %add3A_1383 : vector<3x1x1xi32> to vector<3x8x1280xi32>
    %ge3A_1385 = arith.cmpi sge, %select_n3A_35, %ge3A_1384 : vector<3x8x1280xi32>
    %convert_element_type3A_1386 = arith.extui %ge3A_1385 : vector<3x8x1280xi1> to vector<3x8x1280xi32>
    %reduce_sum3A_1387 = arith.constant dense<0> : vector<3xi32>
    %reduce_sum3A_1388 = vector.multi_reduction <add>, %convert_element_type3A_1386, %reduce_sum3A_1387 [1, 2] : vector<3x8x1280xi32> to vector<3xi32>
    %broadcast_in_dim3A_1389 = vector.shape_cast %reduce_sum3A_1388 : vector<3xi32> to vector<3x1x1xi32>
    %ge3A_1390 = arith.cmpi sge, %broadcast_in_dim3A_1389, %shift_right_arithmetic3A_41 : vector<3x1x1xi32>
    %convert_element_type3A_1391 = arith.extui %ge3A_1390 : vector<3x1x1xi1> to vector<3x1x1xi32>
    %add3A_1392 = arith.addi %add3A_1380, %convert_element_type3A_1391 : vector<3x1x1xi32>
    %add3A_1393 = arith.constant 5 : i32
    %add3A_1394 = vector.broadcast %add3A_1393 : i32 to vector<3x1x1xi32>
    %add3A_1395 = arith.addi %add3A_1342, %add3A_1394 : vector<3x1x1xi32>
    %ge3A_1396 = vector.broadcast %add3A_1395 : vector<3x1x1xi32> to vector<3x8x1280xi32>
    %ge3A_1397 = arith.cmpi sge, %select_n3A_35, %ge3A_1396 : vector<3x8x1280xi32>
    %convert_element_type3A_1398 = arith.extui %ge3A_1397 : vector<3x8x1280xi1> to vector<3x8x1280xi32>
    %reduce_sum3A_1399 = arith.constant dense<0> : vector<3xi32>
    %reduce_sum3A_1400 = vector.multi_reduction <add>, %convert_element_type3A_1398, %reduce_sum3A_1399 [1, 2] : vector<3x8x1280xi32> to vector<3xi32>
    %broadcast_in_dim3A_1401 = vector.shape_cast %reduce_sum3A_1400 : vector<3xi32> to vector<3x1x1xi32>
    %ge3A_1402 = arith.cmpi sge, %broadcast_in_dim3A_1401, %shift_right_arithmetic3A_41 : vector<3x1x1xi32>
    %convert_element_type3A_1403 = arith.extui %ge3A_1402 : vector<3x1x1xi1> to vector<3x1x1xi32>
    %add3A_1404 = arith.addi %add3A_1392, %convert_element_type3A_1403 : vector<3x1x1xi32>
    %add3A_1405 = arith.constant 6 : i32
    %add3A_1406 = vector.broadcast %add3A_1405 : i32 to vector<3x1x1xi32>
    %add3A_1407 = arith.addi %add3A_1342, %add3A_1406 : vector<3x1x1xi32>
    %ge3A_1408 = vector.broadcast %add3A_1407 : vector<3x1x1xi32> to vector<3x8x1280xi32>
    %ge3A_1409 = arith.cmpi sge, %select_n3A_35, %ge3A_1408 : vector<3x8x1280xi32>
    %convert_element_type3A_1410 = arith.extui %ge3A_1409 : vector<3x8x1280xi1> to vector<3x8x1280xi32>
    %reduce_sum3A_1411 = arith.constant dense<0> : vector<3xi32>
    %reduce_sum3A_1412 = vector.multi_reduction <add>, %convert_element_type3A_1410, %reduce_sum3A_1411 [1, 2] : vector<3x8x1280xi32> to vector<3xi32>
    %broadcast_in_dim3A_1413 = vector.shape_cast %reduce_sum3A_1412 : vector<3xi32> to vector<3x1x1xi32>
    %ge3A_1414 = arith.cmpi sge, %broadcast_in_dim3A_1413, %shift_right_arithmetic3A_41 : vector<3x1x1xi32>
    %convert_element_type3A_1415 = arith.extui %ge3A_1414 : vector<3x1x1xi1> to vector<3x1x1xi32>
    %add3A_1416 = arith.addi %add3A_1404, %convert_element_type3A_1415 : vector<3x1x1xi32>
    %add3A_1417 = arith.constant 7 : i32
    %add3A_1418 = vector.broadcast %add3A_1417 : i32 to vector<3x1x1xi32>
    %add3A_1419 = arith.addi %add3A_1342, %add3A_1418 : vector<3x1x1xi32>
    %ge3A_1420 = vector.broadcast %add3A_1419 : vector<3x1x1xi32> to vector<3x8x1280xi32>
    %ge3A_1421 = arith.cmpi sge, %select_n3A_35, %ge3A_1420 : vector<3x8x1280xi32>
    %convert_element_type3A_1422 = arith.extui %ge3A_1421 : vector<3x8x1280xi1> to vector<3x8x1280xi32>
    %reduce_sum3A_1423 = arith.constant dense<0> : vector<3xi32>
    %reduce_sum3A_1424 = vector.multi_reduction <add>, %convert_element_type3A_1422, %reduce_sum3A_1423 [1, 2] : vector<3x8x1280xi32> to vector<3xi32>
    %broadcast_in_dim3A_1425 = vector.shape_cast %reduce_sum3A_1424 : vector<3xi32> to vector<3x1x1xi32>
    %ge3A_1426 = arith.cmpi sge, %broadcast_in_dim3A_1425, %shift_right_arithmetic3A_41 : vector<3x1x1xi32>
    %convert_element_type3A_1427 = arith.extui %ge3A_1426 : vector<3x1x1xi1> to vector<3x1x1xi32>
    %add3A_1428 = arith.addi %add3A_1416, %convert_element_type3A_1427 : vector<3x1x1xi32>
    %add3A_1429 = arith.constant 8 : i32
    %add3A_1430 = vector.broadcast %add3A_1429 : i32 to vector<3x1x1xi32>
    %add3A_1431 = arith.addi %add3A_1342, %add3A_1430 : vector<3x1x1xi32>
    %ge3A_1432 = vector.broadcast %add3A_1431 : vector<3x1x1xi32> to vector<3x8x1280xi32>
    %ge3A_1433 = arith.cmpi sge, %select_n3A_35, %ge3A_1432 : vector<3x8x1280xi32>
    %convert_element_type3A_1434 = arith.extui %ge3A_1433 : vector<3x8x1280xi1> to vector<3x8x1280xi32>
    %reduce_sum3A_1435 = arith.constant dense<0> : vector<3xi32>
    %reduce_sum3A_1436 = vector.multi_reduction <add>, %convert_element_type3A_1434, %reduce_sum3A_1435 [1, 2] : vector<3x8x1280xi32> to vector<3xi32>
    %broadcast_in_dim3A_1437 = vector.shape_cast %reduce_sum3A_1436 : vector<3xi32> to vector<3x1x1xi32>
    %ge3A_1438 = arith.cmpi sge, %broadcast_in_dim3A_1437, %shift_right_arithmetic3A_41 : vector<3x1x1xi32>
    %convert_element_type3A_1439 = arith.extui %ge3A_1438 : vector<3x1x1xi1> to vector<3x1x1xi32>
    %add3A_1440 = arith.addi %add3A_1428, %convert_element_type3A_1439 : vector<3x1x1xi32>
    %add3A_1441 = arith.constant 9 : i32
    %add3A_1442 = vector.broadcast %add3A_1441 : i32 to vector<3x1x1xi32>
    %add3A_1443 = arith.addi %add3A_1342, %add3A_1442 : vector<3x1x1xi32>
    %ge3A_1444 = vector.broadcast %add3A_1443 : vector<3x1x1xi32> to vector<3x8x1280xi32>
    %ge3A_1445 = arith.cmpi sge, %select_n3A_35, %ge3A_1444 : vector<3x8x1280xi32>
    %convert_element_type3A_1446 = arith.extui %ge3A_1445 : vector<3x8x1280xi1> to vector<3x8x1280xi32>
    %reduce_sum3A_1447 = arith.constant dense<0> : vector<3xi32>
    %reduce_sum3A_1448 = vector.multi_reduction <add>, %convert_element_type3A_1446, %reduce_sum3A_1447 [1, 2] : vector<3x8x1280xi32> to vector<3xi32>
    %broadcast_in_dim3A_1449 = vector.shape_cast %reduce_sum3A_1448 : vector<3xi32> to vector<3x1x1xi32>
    %ge3A_1450 = arith.cmpi sge, %broadcast_in_dim3A_1449, %shift_right_arithmetic3A_41 : vector<3x1x1xi32>
    %convert_element_type3A_1451 = arith.extui %ge3A_1450 : vector<3x1x1xi1> to vector<3x1x1xi32>
    %add3A_1452 = arith.addi %add3A_1440, %convert_element_type3A_1451 : vector<3x1x1xi32>
    %add3A_1453 = arith.constant 10 : i32
    %add3A_1454 = vector.broadcast %add3A_1453 : i32 to vector<3x1x1xi32>
    %add3A_1455 = arith.addi %add3A_1342, %add3A_1454 : vector<3x1x1xi32>
    %ge3A_1456 = vector.broadcast %add3A_1455 : vector<3x1x1xi32> to vector<3x8x1280xi32>
    %ge3A_1457 = arith.cmpi sge, %select_n3A_35, %ge3A_1456 : vector<3x8x1280xi32>
    %convert_element_type3A_1458 = arith.extui %ge3A_1457 : vector<3x8x1280xi1> to vector<3x8x1280xi32>
    %reduce_sum3A_1459 = arith.constant dense<0> : vector<3xi32>
    %reduce_sum3A_1460 = vector.multi_reduction <add>, %convert_element_type3A_1458, %reduce_sum3A_1459 [1, 2] : vector<3x8x1280xi32> to vector<3xi32>
    %broadcast_in_dim3A_1461 = vector.shape_cast %reduce_sum3A_1460 : vector<3xi32> to vector<3x1x1xi32>
    %ge3A_1462 = arith.cmpi sge, %broadcast_in_dim3A_1461, %shift_right_arithmetic3A_41 : vector<3x1x1xi32>
    %convert_element_type3A_1463 = arith.extui %ge3A_1462 : vector<3x1x1xi1> to vector<3x1x1xi32>
    %add3A_1464 = arith.addi %add3A_1452, %convert_element_type3A_1463 : vector<3x1x1xi32>
    %add3A_1465 = arith.constant 11 : i32
    %add3A_1466 = vector.broadcast %add3A_1465 : i32 to vector<3x1x1xi32>
    %add3A_1467 = arith.addi %add3A_1342, %add3A_1466 : vector<3x1x1xi32>
    %ge3A_1468 = vector.broadcast %add3A_1467 : vector<3x1x1xi32> to vector<3x8x1280xi32>
    %ge3A_1469 = arith.cmpi sge, %select_n3A_35, %ge3A_1468 : vector<3x8x1280xi32>
    %convert_element_type3A_1470 = arith.extui %ge3A_1469 : vector<3x8x1280xi1> to vector<3x8x1280xi32>
    %reduce_sum3A_1471 = arith.constant dense<0> : vector<3xi32>
    %reduce_sum3A_1472 = vector.multi_reduction <add>, %convert_element_type3A_1470, %reduce_sum3A_1471 [1, 2] : vector<3x8x1280xi32> to vector<3xi32>
    %broadcast_in_dim3A_1473 = vector.shape_cast %reduce_sum3A_1472 : vector<3xi32> to vector<3x1x1xi32>
    %ge3A_1474 = arith.cmpi sge, %broadcast_in_dim3A_1473, %shift_right_arithmetic3A_41 : vector<3x1x1xi32>
    %convert_element_type3A_1475 = arith.extui %ge3A_1474 : vector<3x1x1xi1> to vector<3x1x1xi32>
    %add3A_1476 = arith.addi %add3A_1464, %convert_element_type3A_1475 : vector<3x1x1xi32>
    %add3A_1477 = arith.constant 12 : i32
    %add3A_1478 = vector.broadcast %add3A_1477 : i32 to vector<3x1x1xi32>
    %add3A_1479 = arith.addi %add3A_1342, %add3A_1478 : vector<3x1x1xi32>
    %ge3A_1480 = vector.broadcast %add3A_1479 : vector<3x1x1xi32> to vector<3x8x1280xi32>
    %ge3A_1481 = arith.cmpi sge, %select_n3A_35, %ge3A_1480 : vector<3x8x1280xi32>
    %convert_element_type3A_1482 = arith.extui %ge3A_1481 : vector<3x8x1280xi1> to vector<3x8x1280xi32>
    %reduce_sum3A_1483 = arith.constant dense<0> : vector<3xi32>
    %reduce_sum3A_1484 = vector.multi_reduction <add>, %convert_element_type3A_1482, %reduce_sum3A_1483 [1, 2] : vector<3x8x1280xi32> to vector<3xi32>
    %broadcast_in_dim3A_1485 = vector.shape_cast %reduce_sum3A_1484 : vector<3xi32> to vector<3x1x1xi32>
    %ge3A_1486 = arith.cmpi sge, %broadcast_in_dim3A_1485, %shift_right_arithmetic3A_41 : vector<3x1x1xi32>
    %convert_element_type3A_1487 = arith.extui %ge3A_1486 : vector<3x1x1xi1> to vector<3x1x1xi32>
    %add3A_1488 = arith.addi %add3A_1476, %convert_element_type3A_1487 : vector<3x1x1xi32>
    %add3A_1489 = arith.constant 13 : i32
    %add3A_1490 = vector.broadcast %add3A_1489 : i32 to vector<3x1x1xi32>
    %add3A_1491 = arith.addi %add3A_1342, %add3A_1490 : vector<3x1x1xi32>
    %ge3A_1492 = vector.broadcast %add3A_1491 : vector<3x1x1xi32> to vector<3x8x1280xi32>
    %ge3A_1493 = arith.cmpi sge, %select_n3A_35, %ge3A_1492 : vector<3x8x1280xi32>
    %convert_element_type3A_1494 = arith.extui %ge3A_1493 : vector<3x8x1280xi1> to vector<3x8x1280xi32>
    %reduce_sum3A_1495 = arith.constant dense<0> : vector<3xi32>
    %reduce_sum3A_1496 = vector.multi_reduction <add>, %convert_element_type3A_1494, %reduce_sum3A_1495 [1, 2] : vector<3x8x1280xi32> to vector<3xi32>
    %broadcast_in_dim3A_1497 = vector.shape_cast %reduce_sum3A_1496 : vector<3xi32> to vector<3x1x1xi32>
    %ge3A_1498 = arith.cmpi sge, %broadcast_in_dim3A_1497, %shift_right_arithmetic3A_41 : vector<3x1x1xi32>
    %convert_element_type3A_1499 = arith.extui %ge3A_1498 : vector<3x1x1xi1> to vector<3x1x1xi32>
    %add3A_1500 = arith.addi %add3A_1488, %convert_element_type3A_1499 : vector<3x1x1xi32>
    %add3A_1501 = arith.constant 14 : i32
    %add3A_1502 = vector.broadcast %add3A_1501 : i32 to vector<3x1x1xi32>
    %add3A_1503 = arith.addi %add3A_1342, %add3A_1502 : vector<3x1x1xi32>
    %ge3A_1504 = vector.broadcast %add3A_1503 : vector<3x1x1xi32> to vector<3x8x1280xi32>
    %ge3A_1505 = arith.cmpi sge, %select_n3A_35, %ge3A_1504 : vector<3x8x1280xi32>
    %convert_element_type3A_1506 = arith.extui %ge3A_1505 : vector<3x8x1280xi1> to vector<3x8x1280xi32>
    %reduce_sum3A_1507 = arith.constant dense<0> : vector<3xi32>
    %reduce_sum3A_1508 = vector.multi_reduction <add>, %convert_element_type3A_1506, %reduce_sum3A_1507 [1, 2] : vector<3x8x1280xi32> to vector<3xi32>
    %broadcast_in_dim3A_1509 = vector.shape_cast %reduce_sum3A_1508 : vector<3xi32> to vector<3x1x1xi32>
    %ge3A_1510 = arith.cmpi sge, %broadcast_in_dim3A_1509, %shift_right_arithmetic3A_41 : vector<3x1x1xi32>
    %convert_element_type3A_1511 = arith.extui %ge3A_1510 : vector<3x1x1xi1> to vector<3x1x1xi32>
    %add3A_1512 = arith.addi %add3A_1500, %convert_element_type3A_1511 : vector<3x1x1xi32>
    %add3A_1513 = arith.constant 15 : i32
    %add3A_1514 = vector.broadcast %add3A_1513 : i32 to vector<3x1x1xi32>
    %add3A_1515 = arith.addi %add3A_1342, %add3A_1514 : vector<3x1x1xi32>
    %ge3A_1516 = vector.broadcast %add3A_1515 : vector<3x1x1xi32> to vector<3x8x1280xi32>
    %ge3A_1517 = arith.cmpi sge, %select_n3A_35, %ge3A_1516 : vector<3x8x1280xi32>
    %convert_element_type3A_1518 = arith.extui %ge3A_1517 : vector<3x8x1280xi1> to vector<3x8x1280xi32>
    %reduce_sum3A_1519 = arith.constant dense<0> : vector<3xi32>
    %reduce_sum3A_1520 = vector.multi_reduction <add>, %convert_element_type3A_1518, %reduce_sum3A_1519 [1, 2] : vector<3x8x1280xi32> to vector<3xi32>
    %broadcast_in_dim3A_1521 = vector.shape_cast %reduce_sum3A_1520 : vector<3xi32> to vector<3x1x1xi32>
    %ge3A_1522 = arith.cmpi sge, %broadcast_in_dim3A_1521, %shift_right_arithmetic3A_41 : vector<3x1x1xi32>
    %convert_element_type3A_1523 = arith.extui %ge3A_1522 : vector<3x1x1xi1> to vector<3x1x1xi32>
    %add3A_1524 = arith.addi %add3A_1512, %convert_element_type3A_1523 : vector<3x1x1xi32>
    %shift_left3A_1525 = arith.constant 0 : i32
    %shift_left3A_1526 = vector.broadcast %shift_left3A_1525 : i32 to vector<3x1x1xi32>
    %shift_left3A_1527 = arith.shli %add3A_1524, %shift_left3A_1526 : vector<3x1x1xi32>
    %add3A_1528 = arith.addi %add3A_1342, %shift_left3A_1527 : vector<3x1x1xi32>
    %gt3A = vector.broadcast %add3A_1528 : vector<3x1x1xi32> to vector<3x8x1280xi32>
    %gt3A_1529 = arith.cmpi sgt, %select_n3A_35, %gt3A : vector<3x8x1280xi32>
    %convert_element_type3A_1530 = arith.extui %gt3A_1529 : vector<3x8x1280xi1> to vector<3x8x1280xi32>
    %reduce_sum3A_1531 = arith.constant dense<0> : vector<3xi32>
    %reduce_sum3A_1532 = vector.multi_reduction <add>, %convert_element_type3A_1530, %reduce_sum3A_1531 [1, 2] : vector<3x8x1280xi32> to vector<3xi32>
    %broadcast_in_dim3A_1533 = vector.shape_cast %reduce_sum3A_1532 : vector<3xi32> to vector<3x1x1xi32>
    %eq3A = vector.broadcast %add3A_1528 : vector<3x1x1xi32> to vector<3x8x1280xi32>
    %eq3A_1534 = arith.cmpi eq, %select_n3A_35, %eq3A : vector<3x8x1280xi32>
    %broadcast_in_dim3A_1535 = arith.constant 0 : i32
    %broadcast_in_dim3A_1536 = vector.broadcast %broadcast_in_dim3A_1535 : i32 to vector<3x1x1xi32>
    %broadcast_in_dim3A_1537 = arith.constant 0 : i32
    %broadcast_in_dim3A_1538 = vector.broadcast %broadcast_in_dim3A_1537 : i32 to vector<3x1x1xi32>
    %add3A_1539 = arith.constant 4096 : i32
    %add3A_1540 = vector.broadcast %add3A_1539 : i32 to vector<3x1x1xi32>
    %add3A_1541 = arith.addi %broadcast_in_dim3A_1536, %add3A_1540 : vector<3x1x1xi32>
    %lt3A_1542 = vector.broadcast %add3A_1541 : vector<3x1x1xi32> to vector<3x8x1280xi32>
    %lt3A_1543 = arith.cmpi slt, %add3A_12, %lt3A_1542 : vector<3x8x1280xi32>
    %and3A = arith.andi %eq3A_1534, %lt3A_1543 : vector<3x8x1280xi1>
    %convert_element_type3A_1544 = arith.extui %and3A : vector<3x8x1280xi1> to vector<3x8x1280xi32>
    %reduce_sum3A_1545 = arith.constant dense<0> : vector<3xi32>
    %reduce_sum3A_1546 = vector.multi_reduction <add>, %convert_element_type3A_1544, %reduce_sum3A_1545 [1, 2] : vector<3x8x1280xi32> to vector<3xi32>
    %broadcast_in_dim3A_1547 = vector.shape_cast %reduce_sum3A_1546 : vector<3xi32> to vector<3x1x1xi32>
    %add3A_1548 = arith.addi %broadcast_in_dim3A_1533, %broadcast_in_dim3A_1547 : vector<3x1x1xi32>
    %lt3A_1549 = arith.cmpi slt, %add3A_1548, %shift_right_arithmetic3A_41 : vector<3x1x1xi32>
    %convert_element_type3A_1550 = arith.extui %lt3A_1549 : vector<3x1x1xi1> to vector<3x1x1xi32>
    %add3A_1551 = arith.addi %broadcast_in_dim3A_1538, %convert_element_type3A_1550 : vector<3x1x1xi32>
    %add3A_1552 = arith.constant 8192 : i32
    %add3A_1553 = vector.broadcast %add3A_1552 : i32 to vector<3x1x1xi32>
    %add3A_1554 = arith.addi %broadcast_in_dim3A_1536, %add3A_1553 : vector<3x1x1xi32>
    %lt3A_1555 = vector.broadcast %add3A_1554 : vector<3x1x1xi32> to vector<3x8x1280xi32>
    %lt3A_1556 = arith.cmpi slt, %add3A_12, %lt3A_1555 : vector<3x8x1280xi32>
    %and3A_1557 = arith.andi %eq3A_1534, %lt3A_1556 : vector<3x8x1280xi1>
    %convert_element_type3A_1558 = arith.extui %and3A_1557 : vector<3x8x1280xi1> to vector<3x8x1280xi32>
    %reduce_sum3A_1559 = arith.constant dense<0> : vector<3xi32>
    %reduce_sum3A_1560 = vector.multi_reduction <add>, %convert_element_type3A_1558, %reduce_sum3A_1559 [1, 2] : vector<3x8x1280xi32> to vector<3xi32>
    %broadcast_in_dim3A_1561 = vector.shape_cast %reduce_sum3A_1560 : vector<3xi32> to vector<3x1x1xi32>
    %add3A_1562 = arith.addi %broadcast_in_dim3A_1533, %broadcast_in_dim3A_1561 : vector<3x1x1xi32>
    %lt3A_1563 = arith.cmpi slt, %add3A_1562, %shift_right_arithmetic3A_41 : vector<3x1x1xi32>
    %convert_element_type3A_1564 = arith.extui %lt3A_1563 : vector<3x1x1xi1> to vector<3x1x1xi32>
    %add3A_1565 = arith.addi %add3A_1551, %convert_element_type3A_1564 : vector<3x1x1xi32>
    %add3A_1566 = arith.constant 12288 : i32
    %add3A_1567 = vector.broadcast %add3A_1566 : i32 to vector<3x1x1xi32>
    %add3A_1568 = arith.addi %broadcast_in_dim3A_1536, %add3A_1567 : vector<3x1x1xi32>
    %lt3A_1569 = vector.broadcast %add3A_1568 : vector<3x1x1xi32> to vector<3x8x1280xi32>
    %lt3A_1570 = arith.cmpi slt, %add3A_12, %lt3A_1569 : vector<3x8x1280xi32>
    %and3A_1571 = arith.andi %eq3A_1534, %lt3A_1570 : vector<3x8x1280xi1>
    %convert_element_type3A_1572 = arith.extui %and3A_1571 : vector<3x8x1280xi1> to vector<3x8x1280xi32>
    %reduce_sum3A_1573 = arith.constant dense<0> : vector<3xi32>
    %reduce_sum3A_1574 = vector.multi_reduction <add>, %convert_element_type3A_1572, %reduce_sum3A_1573 [1, 2] : vector<3x8x1280xi32> to vector<3xi32>
    %broadcast_in_dim3A_1575 = vector.shape_cast %reduce_sum3A_1574 : vector<3xi32> to vector<3x1x1xi32>
    %add3A_1576 = arith.addi %broadcast_in_dim3A_1533, %broadcast_in_dim3A_1575 : vector<3x1x1xi32>
    %lt3A_1577 = arith.cmpi slt, %add3A_1576, %shift_right_arithmetic3A_41 : vector<3x1x1xi32>
    %convert_element_type3A_1578 = arith.extui %lt3A_1577 : vector<3x1x1xi1> to vector<3x1x1xi32>
    %add3A_1579 = arith.addi %add3A_1565, %convert_element_type3A_1578 : vector<3x1x1xi32>
    %add3A_1580 = arith.constant 16384 : i32
    %add3A_1581 = vector.broadcast %add3A_1580 : i32 to vector<3x1x1xi32>
    %add3A_1582 = arith.addi %broadcast_in_dim3A_1536, %add3A_1581 : vector<3x1x1xi32>
    %lt3A_1583 = vector.broadcast %add3A_1582 : vector<3x1x1xi32> to vector<3x8x1280xi32>
    %lt3A_1584 = arith.cmpi slt, %add3A_12, %lt3A_1583 : vector<3x8x1280xi32>
    %and3A_1585 = arith.andi %eq3A_1534, %lt3A_1584 : vector<3x8x1280xi1>
    %convert_element_type3A_1586 = arith.extui %and3A_1585 : vector<3x8x1280xi1> to vector<3x8x1280xi32>
    %reduce_sum3A_1587 = arith.constant dense<0> : vector<3xi32>
    %reduce_sum3A_1588 = vector.multi_reduction <add>, %convert_element_type3A_1586, %reduce_sum3A_1587 [1, 2] : vector<3x8x1280xi32> to vector<3xi32>
    %broadcast_in_dim3A_1589 = vector.shape_cast %reduce_sum3A_1588 : vector<3xi32> to vector<3x1x1xi32>
    %add3A_1590 = arith.addi %broadcast_in_dim3A_1533, %broadcast_in_dim3A_1589 : vector<3x1x1xi32>
    %lt3A_1591 = arith.cmpi slt, %add3A_1590, %shift_right_arithmetic3A_41 : vector<3x1x1xi32>
    %convert_element_type3A_1592 = arith.extui %lt3A_1591 : vector<3x1x1xi1> to vector<3x1x1xi32>
    %add3A_1593 = arith.addi %add3A_1579, %convert_element_type3A_1592 : vector<3x1x1xi32>
    %add3A_1594 = arith.constant 20480 : i32
    %add3A_1595 = vector.broadcast %add3A_1594 : i32 to vector<3x1x1xi32>
    %add3A_1596 = arith.addi %broadcast_in_dim3A_1536, %add3A_1595 : vector<3x1x1xi32>
    %lt3A_1597 = vector.broadcast %add3A_1596 : vector<3x1x1xi32> to vector<3x8x1280xi32>
    %lt3A_1598 = arith.cmpi slt, %add3A_12, %lt3A_1597 : vector<3x8x1280xi32>
    %and3A_1599 = arith.andi %eq3A_1534, %lt3A_1598 : vector<3x8x1280xi1>
    %convert_element_type3A_1600 = arith.extui %and3A_1599 : vector<3x8x1280xi1> to vector<3x8x1280xi32>
    %reduce_sum3A_1601 = arith.constant dense<0> : vector<3xi32>
    %reduce_sum3A_1602 = vector.multi_reduction <add>, %convert_element_type3A_1600, %reduce_sum3A_1601 [1, 2] : vector<3x8x1280xi32> to vector<3xi32>
    %broadcast_in_dim3A_1603 = vector.shape_cast %reduce_sum3A_1602 : vector<3xi32> to vector<3x1x1xi32>
    %add3A_1604 = arith.addi %broadcast_in_dim3A_1533, %broadcast_in_dim3A_1603 : vector<3x1x1xi32>
    %lt3A_1605 = arith.cmpi slt, %add3A_1604, %shift_right_arithmetic3A_41 : vector<3x1x1xi32>
    %convert_element_type3A_1606 = arith.extui %lt3A_1605 : vector<3x1x1xi1> to vector<3x1x1xi32>
    %add3A_1607 = arith.addi %add3A_1593, %convert_element_type3A_1606 : vector<3x1x1xi32>
    %add3A_1608 = arith.constant 24576 : i32
    %add3A_1609 = vector.broadcast %add3A_1608 : i32 to vector<3x1x1xi32>
    %add3A_1610 = arith.addi %broadcast_in_dim3A_1536, %add3A_1609 : vector<3x1x1xi32>
    %lt3A_1611 = vector.broadcast %add3A_1610 : vector<3x1x1xi32> to vector<3x8x1280xi32>
    %lt3A_1612 = arith.cmpi slt, %add3A_12, %lt3A_1611 : vector<3x8x1280xi32>
    %and3A_1613 = arith.andi %eq3A_1534, %lt3A_1612 : vector<3x8x1280xi1>
    %convert_element_type3A_1614 = arith.extui %and3A_1613 : vector<3x8x1280xi1> to vector<3x8x1280xi32>
    %reduce_sum3A_1615 = arith.constant dense<0> : vector<3xi32>
    %reduce_sum3A_1616 = vector.multi_reduction <add>, %convert_element_type3A_1614, %reduce_sum3A_1615 [1, 2] : vector<3x8x1280xi32> to vector<3xi32>
    %broadcast_in_dim3A_1617 = vector.shape_cast %reduce_sum3A_1616 : vector<3xi32> to vector<3x1x1xi32>
    %add3A_1618 = arith.addi %broadcast_in_dim3A_1533, %broadcast_in_dim3A_1617 : vector<3x1x1xi32>
    %lt3A_1619 = arith.cmpi slt, %add3A_1618, %shift_right_arithmetic3A_41 : vector<3x1x1xi32>
    %convert_element_type3A_1620 = arith.extui %lt3A_1619 : vector<3x1x1xi1> to vector<3x1x1xi32>
    %add3A_1621 = arith.addi %add3A_1607, %convert_element_type3A_1620 : vector<3x1x1xi32>
    %add3A_1622 = arith.constant 28672 : i32
    %add3A_1623 = vector.broadcast %add3A_1622 : i32 to vector<3x1x1xi32>
    %add3A_1624 = arith.addi %broadcast_in_dim3A_1536, %add3A_1623 : vector<3x1x1xi32>
    %lt3A_1625 = vector.broadcast %add3A_1624 : vector<3x1x1xi32> to vector<3x8x1280xi32>
    %lt3A_1626 = arith.cmpi slt, %add3A_12, %lt3A_1625 : vector<3x8x1280xi32>
    %and3A_1627 = arith.andi %eq3A_1534, %lt3A_1626 : vector<3x8x1280xi1>
    %convert_element_type3A_1628 = arith.extui %and3A_1627 : vector<3x8x1280xi1> to vector<3x8x1280xi32>
    %reduce_sum3A_1629 = arith.constant dense<0> : vector<3xi32>
    %reduce_sum3A_1630 = vector.multi_reduction <add>, %convert_element_type3A_1628, %reduce_sum3A_1629 [1, 2] : vector<3x8x1280xi32> to vector<3xi32>
    %broadcast_in_dim3A_1631 = vector.shape_cast %reduce_sum3A_1630 : vector<3xi32> to vector<3x1x1xi32>
    %add3A_1632 = arith.addi %broadcast_in_dim3A_1533, %broadcast_in_dim3A_1631 : vector<3x1x1xi32>
    %lt3A_1633 = arith.cmpi slt, %add3A_1632, %shift_right_arithmetic3A_41 : vector<3x1x1xi32>
    %convert_element_type3A_1634 = arith.extui %lt3A_1633 : vector<3x1x1xi1> to vector<3x1x1xi32>
    %add3A_1635 = arith.addi %add3A_1621, %convert_element_type3A_1634 : vector<3x1x1xi32>
    %add3A_1636 = arith.constant 32768 : i32
    %add3A_1637 = vector.broadcast %add3A_1636 : i32 to vector<3x1x1xi32>
    %add3A_1638 = arith.addi %broadcast_in_dim3A_1536, %add3A_1637 : vector<3x1x1xi32>
    %lt3A_1639 = vector.broadcast %add3A_1638 : vector<3x1x1xi32> to vector<3x8x1280xi32>
    %lt3A_1640 = arith.cmpi slt, %add3A_12, %lt3A_1639 : vector<3x8x1280xi32>
    %and3A_1641 = arith.andi %eq3A_1534, %lt3A_1640 : vector<3x8x1280xi1>
    %convert_element_type3A_1642 = arith.extui %and3A_1641 : vector<3x8x1280xi1> to vector<3x8x1280xi32>
    %reduce_sum3A_1643 = arith.constant dense<0> : vector<3xi32>
    %reduce_sum3A_1644 = vector.multi_reduction <add>, %convert_element_type3A_1642, %reduce_sum3A_1643 [1, 2] : vector<3x8x1280xi32> to vector<3xi32>
    %broadcast_in_dim3A_1645 = vector.shape_cast %reduce_sum3A_1644 : vector<3xi32> to vector<3x1x1xi32>
    %add3A_1646 = arith.addi %broadcast_in_dim3A_1533, %broadcast_in_dim3A_1645 : vector<3x1x1xi32>
    %lt3A_1647 = arith.cmpi slt, %add3A_1646, %shift_right_arithmetic3A_41 : vector<3x1x1xi32>
    %convert_element_type3A_1648 = arith.extui %lt3A_1647 : vector<3x1x1xi1> to vector<3x1x1xi32>
    %add3A_1649 = arith.addi %add3A_1635, %convert_element_type3A_1648 : vector<3x1x1xi32>
    %add3A_1650 = arith.constant 36864 : i32
    %add3A_1651 = vector.broadcast %add3A_1650 : i32 to vector<3x1x1xi32>
    %add3A_1652 = arith.addi %broadcast_in_dim3A_1536, %add3A_1651 : vector<3x1x1xi32>
    %lt3A_1653 = vector.broadcast %add3A_1652 : vector<3x1x1xi32> to vector<3x8x1280xi32>
    %lt3A_1654 = arith.cmpi slt, %add3A_12, %lt3A_1653 : vector<3x8x1280xi32>
    %and3A_1655 = arith.andi %eq3A_1534, %lt3A_1654 : vector<3x8x1280xi1>
    %convert_element_type3A_1656 = arith.extui %and3A_1655 : vector<3x8x1280xi1> to vector<3x8x1280xi32>
    %reduce_sum3A_1657 = arith.constant dense<0> : vector<3xi32>
    %reduce_sum3A_1658 = vector.multi_reduction <add>, %convert_element_type3A_1656, %reduce_sum3A_1657 [1, 2] : vector<3x8x1280xi32> to vector<3xi32>
    %broadcast_in_dim3A_1659 = vector.shape_cast %reduce_sum3A_1658 : vector<3xi32> to vector<3x1x1xi32>
    %add3A_1660 = arith.addi %broadcast_in_dim3A_1533, %broadcast_in_dim3A_1659 : vector<3x1x1xi32>
    %lt3A_1661 = arith.cmpi slt, %add3A_1660, %shift_right_arithmetic3A_41 : vector<3x1x1xi32>
    %convert_element_type3A_1662 = arith.extui %lt3A_1661 : vector<3x1x1xi1> to vector<3x1x1xi32>
    %add3A_1663 = arith.addi %add3A_1649, %convert_element_type3A_1662 : vector<3x1x1xi32>
    %add3A_1664 = arith.constant 40960 : i32
    %add3A_1665 = vector.broadcast %add3A_1664 : i32 to vector<3x1x1xi32>
    %add3A_1666 = arith.addi %broadcast_in_dim3A_1536, %add3A_1665 : vector<3x1x1xi32>
    %lt3A_1667 = vector.broadcast %add3A_1666 : vector<3x1x1xi32> to vector<3x8x1280xi32>
    %lt3A_1668 = arith.cmpi slt, %add3A_12, %lt3A_1667 : vector<3x8x1280xi32>
    %and3A_1669 = arith.andi %eq3A_1534, %lt3A_1668 : vector<3x8x1280xi1>
    %convert_element_type3A_1670 = arith.extui %and3A_1669 : vector<3x8x1280xi1> to vector<3x8x1280xi32>
    %reduce_sum3A_1671 = arith.constant dense<0> : vector<3xi32>
    %reduce_sum3A_1672 = vector.multi_reduction <add>, %convert_element_type3A_1670, %reduce_sum3A_1671 [1, 2] : vector<3x8x1280xi32> to vector<3xi32>
    %broadcast_in_dim3A_1673 = vector.shape_cast %reduce_sum3A_1672 : vector<3xi32> to vector<3x1x1xi32>
    %add3A_1674 = arith.addi %broadcast_in_dim3A_1533, %broadcast_in_dim3A_1673 : vector<3x1x1xi32>
    %lt3A_1675 = arith.cmpi slt, %add3A_1674, %shift_right_arithmetic3A_41 : vector<3x1x1xi32>
    %convert_element_type3A_1676 = arith.extui %lt3A_1675 : vector<3x1x1xi1> to vector<3x1x1xi32>
    %add3A_1677 = arith.addi %add3A_1663, %convert_element_type3A_1676 : vector<3x1x1xi32>
    %add3A_1678 = arith.constant 45056 : i32
    %add3A_1679 = vector.broadcast %add3A_1678 : i32 to vector<3x1x1xi32>
    %add3A_1680 = arith.addi %broadcast_in_dim3A_1536, %add3A_1679 : vector<3x1x1xi32>
    %lt3A_1681 = vector.broadcast %add3A_1680 : vector<3x1x1xi32> to vector<3x8x1280xi32>
    %lt3A_1682 = arith.cmpi slt, %add3A_12, %lt3A_1681 : vector<3x8x1280xi32>
    %and3A_1683 = arith.andi %eq3A_1534, %lt3A_1682 : vector<3x8x1280xi1>
    %convert_element_type3A_1684 = arith.extui %and3A_1683 : vector<3x8x1280xi1> to vector<3x8x1280xi32>
    %reduce_sum3A_1685 = arith.constant dense<0> : vector<3xi32>
    %reduce_sum3A_1686 = vector.multi_reduction <add>, %convert_element_type3A_1684, %reduce_sum3A_1685 [1, 2] : vector<3x8x1280xi32> to vector<3xi32>
    %broadcast_in_dim3A_1687 = vector.shape_cast %reduce_sum3A_1686 : vector<3xi32> to vector<3x1x1xi32>
    %add3A_1688 = arith.addi %broadcast_in_dim3A_1533, %broadcast_in_dim3A_1687 : vector<3x1x1xi32>
    %lt3A_1689 = arith.cmpi slt, %add3A_1688, %shift_right_arithmetic3A_41 : vector<3x1x1xi32>
    %convert_element_type3A_1690 = arith.extui %lt3A_1689 : vector<3x1x1xi1> to vector<3x1x1xi32>
    %add3A_1691 = arith.addi %add3A_1677, %convert_element_type3A_1690 : vector<3x1x1xi32>
    %add3A_1692 = arith.constant 49152 : i32
    %add3A_1693 = vector.broadcast %add3A_1692 : i32 to vector<3x1x1xi32>
    %add3A_1694 = arith.addi %broadcast_in_dim3A_1536, %add3A_1693 : vector<3x1x1xi32>
    %lt3A_1695 = vector.broadcast %add3A_1694 : vector<3x1x1xi32> to vector<3x8x1280xi32>
    %lt3A_1696 = arith.cmpi slt, %add3A_12, %lt3A_1695 : vector<3x8x1280xi32>
    %and3A_1697 = arith.andi %eq3A_1534, %lt3A_1696 : vector<3x8x1280xi1>
    %convert_element_type3A_1698 = arith.extui %and3A_1697 : vector<3x8x1280xi1> to vector<3x8x1280xi32>
    %reduce_sum3A_1699 = arith.constant dense<0> : vector<3xi32>
    %reduce_sum3A_1700 = vector.multi_reduction <add>, %convert_element_type3A_1698, %reduce_sum3A_1699 [1, 2] : vector<3x8x1280xi32> to vector<3xi32>
    %broadcast_in_dim3A_1701 = vector.shape_cast %reduce_sum3A_1700 : vector<3xi32> to vector<3x1x1xi32>
    %add3A_1702 = arith.addi %broadcast_in_dim3A_1533, %broadcast_in_dim3A_1701 : vector<3x1x1xi32>
    %lt3A_1703 = arith.cmpi slt, %add3A_1702, %shift_right_arithmetic3A_41 : vector<3x1x1xi32>
    %convert_element_type3A_1704 = arith.extui %lt3A_1703 : vector<3x1x1xi1> to vector<3x1x1xi32>
    %add3A_1705 = arith.addi %add3A_1691, %convert_element_type3A_1704 : vector<3x1x1xi32>
    %add3A_1706 = arith.constant 53248 : i32
    %add3A_1707 = vector.broadcast %add3A_1706 : i32 to vector<3x1x1xi32>
    %add3A_1708 = arith.addi %broadcast_in_dim3A_1536, %add3A_1707 : vector<3x1x1xi32>
    %lt3A_1709 = vector.broadcast %add3A_1708 : vector<3x1x1xi32> to vector<3x8x1280xi32>
    %lt3A_1710 = arith.cmpi slt, %add3A_12, %lt3A_1709 : vector<3x8x1280xi32>
    %and3A_1711 = arith.andi %eq3A_1534, %lt3A_1710 : vector<3x8x1280xi1>
    %convert_element_type3A_1712 = arith.extui %and3A_1711 : vector<3x8x1280xi1> to vector<3x8x1280xi32>
    %reduce_sum3A_1713 = arith.constant dense<0> : vector<3xi32>
    %reduce_sum3A_1714 = vector.multi_reduction <add>, %convert_element_type3A_1712, %reduce_sum3A_1713 [1, 2] : vector<3x8x1280xi32> to vector<3xi32>
    %broadcast_in_dim3A_1715 = vector.shape_cast %reduce_sum3A_1714 : vector<3xi32> to vector<3x1x1xi32>
    %add3A_1716 = arith.addi %broadcast_in_dim3A_1533, %broadcast_in_dim3A_1715 : vector<3x1x1xi32>
    %lt3A_1717 = arith.cmpi slt, %add3A_1716, %shift_right_arithmetic3A_41 : vector<3x1x1xi32>
    %convert_element_type3A_1718 = arith.extui %lt3A_1717 : vector<3x1x1xi1> to vector<3x1x1xi32>
    %add3A_1719 = arith.addi %add3A_1705, %convert_element_type3A_1718 : vector<3x1x1xi32>
    %add3A_1720 = arith.constant 57344 : i32
    %add3A_1721 = vector.broadcast %add3A_1720 : i32 to vector<3x1x1xi32>
    %add3A_1722 = arith.addi %broadcast_in_dim3A_1536, %add3A_1721 : vector<3x1x1xi32>
    %lt3A_1723 = vector.broadcast %add3A_1722 : vector<3x1x1xi32> to vector<3x8x1280xi32>
    %lt3A_1724 = arith.cmpi slt, %add3A_12, %lt3A_1723 : vector<3x8x1280xi32>
    %and3A_1725 = arith.andi %eq3A_1534, %lt3A_1724 : vector<3x8x1280xi1>
    %convert_element_type3A_1726 = arith.extui %and3A_1725 : vector<3x8x1280xi1> to vector<3x8x1280xi32>
    %reduce_sum3A_1727 = arith.constant dense<0> : vector<3xi32>
    %reduce_sum3A_1728 = vector.multi_reduction <add>, %convert_element_type3A_1726, %reduce_sum3A_1727 [1, 2] : vector<3x8x1280xi32> to vector<3xi32>
    %broadcast_in_dim3A_1729 = vector.shape_cast %reduce_sum3A_1728 : vector<3xi32> to vector<3x1x1xi32>
    %add3A_1730 = arith.addi %broadcast_in_dim3A_1533, %broadcast_in_dim3A_1729 : vector<3x1x1xi32>
    %lt3A_1731 = arith.cmpi slt, %add3A_1730, %shift_right_arithmetic3A_41 : vector<3x1x1xi32>
    %convert_element_type3A_1732 = arith.extui %lt3A_1731 : vector<3x1x1xi1> to vector<3x1x1xi32>
    %add3A_1733 = arith.addi %add3A_1719, %convert_element_type3A_1732 : vector<3x1x1xi32>
    %add3A_1734 = arith.constant 61440 : i32
    %add3A_1735 = vector.broadcast %add3A_1734 : i32 to vector<3x1x1xi32>
    %add3A_1736 = arith.addi %broadcast_in_dim3A_1536, %add3A_1735 : vector<3x1x1xi32>
    %lt3A_1737 = vector.broadcast %add3A_1736 : vector<3x1x1xi32> to vector<3x8x1280xi32>
    %lt3A_1738 = arith.cmpi slt, %add3A_12, %lt3A_1737 : vector<3x8x1280xi32>
    %and3A_1739 = arith.andi %eq3A_1534, %lt3A_1738 : vector<3x8x1280xi1>
    %convert_element_type3A_1740 = arith.extui %and3A_1739 : vector<3x8x1280xi1> to vector<3x8x1280xi32>
    %reduce_sum3A_1741 = arith.constant dense<0> : vector<3xi32>
    %reduce_sum3A_1742 = vector.multi_reduction <add>, %convert_element_type3A_1740, %reduce_sum3A_1741 [1, 2] : vector<3x8x1280xi32> to vector<3xi32>
    %broadcast_in_dim3A_1743 = vector.shape_cast %reduce_sum3A_1742 : vector<3xi32> to vector<3x1x1xi32>
    %add3A_1744 = arith.addi %broadcast_in_dim3A_1533, %broadcast_in_dim3A_1743 : vector<3x1x1xi32>
    %lt3A_1745 = arith.cmpi slt, %add3A_1744, %shift_right_arithmetic3A_41 : vector<3x1x1xi32>
    %convert_element_type3A_1746 = arith.extui %lt3A_1745 : vector<3x1x1xi1> to vector<3x1x1xi32>
    %add3A_1747 = arith.addi %add3A_1733, %convert_element_type3A_1746 : vector<3x1x1xi32>
    %shift_left3A_1748 = arith.constant 12 : i32
    %shift_left3A_1749 = vector.broadcast %shift_left3A_1748 : i32 to vector<3x1x1xi32>
    %shift_left3A_1750 = arith.shli %add3A_1747, %shift_left3A_1749 : vector<3x1x1xi32>
    %add3A_1751 = arith.addi %broadcast_in_dim3A_1536, %shift_left3A_1750 : vector<3x1x1xi32>
    %broadcast_in_dim3A_1752 = arith.constant 0 : i32
    %broadcast_in_dim3A_1753 = vector.broadcast %broadcast_in_dim3A_1752 : i32 to vector<3x1x1xi32>
    %add3A_1754 = arith.constant 256 : i32
    %add3A_1755 = vector.broadcast %add3A_1754 : i32 to vector<3x1x1xi32>
    %add3A_1756 = arith.addi %add3A_1751, %add3A_1755 : vector<3x1x1xi32>
    %lt3A_1757 = vector.broadcast %add3A_1756 : vector<3x1x1xi32> to vector<3x8x1280xi32>
    %lt3A_1758 = arith.cmpi slt, %add3A_12, %lt3A_1757 : vector<3x8x1280xi32>
    %and3A_1759 = arith.andi %eq3A_1534, %lt3A_1758 : vector<3x8x1280xi1>
    %convert_element_type3A_1760 = arith.extui %and3A_1759 : vector<3x8x1280xi1> to vector<3x8x1280xi32>
    %reduce_sum3A_1761 = arith.constant dense<0> : vector<3xi32>
    %reduce_sum3A_1762 = vector.multi_reduction <add>, %convert_element_type3A_1760, %reduce_sum3A_1761 [1, 2] : vector<3x8x1280xi32> to vector<3xi32>
    %broadcast_in_dim3A_1763 = vector.shape_cast %reduce_sum3A_1762 : vector<3xi32> to vector<3x1x1xi32>
    %add3A_1764 = arith.addi %broadcast_in_dim3A_1533, %broadcast_in_dim3A_1763 : vector<3x1x1xi32>
    %lt3A_1765 = arith.cmpi slt, %add3A_1764, %shift_right_arithmetic3A_41 : vector<3x1x1xi32>
    %convert_element_type3A_1766 = arith.extui %lt3A_1765 : vector<3x1x1xi1> to vector<3x1x1xi32>
    %add3A_1767 = arith.addi %broadcast_in_dim3A_1753, %convert_element_type3A_1766 : vector<3x1x1xi32>
    %add3A_1768 = arith.constant 512 : i32
    %add3A_1769 = vector.broadcast %add3A_1768 : i32 to vector<3x1x1xi32>
    %add3A_1770 = arith.addi %add3A_1751, %add3A_1769 : vector<3x1x1xi32>
    %lt3A_1771 = vector.broadcast %add3A_1770 : vector<3x1x1xi32> to vector<3x8x1280xi32>
    %lt3A_1772 = arith.cmpi slt, %add3A_12, %lt3A_1771 : vector<3x8x1280xi32>
    %and3A_1773 = arith.andi %eq3A_1534, %lt3A_1772 : vector<3x8x1280xi1>
    %convert_element_type3A_1774 = arith.extui %and3A_1773 : vector<3x8x1280xi1> to vector<3x8x1280xi32>
    %reduce_sum3A_1775 = arith.constant dense<0> : vector<3xi32>
    %reduce_sum3A_1776 = vector.multi_reduction <add>, %convert_element_type3A_1774, %reduce_sum3A_1775 [1, 2] : vector<3x8x1280xi32> to vector<3xi32>
    %broadcast_in_dim3A_1777 = vector.shape_cast %reduce_sum3A_1776 : vector<3xi32> to vector<3x1x1xi32>
    %add3A_1778 = arith.addi %broadcast_in_dim3A_1533, %broadcast_in_dim3A_1777 : vector<3x1x1xi32>
    %lt3A_1779 = arith.cmpi slt, %add3A_1778, %shift_right_arithmetic3A_41 : vector<3x1x1xi32>
    %convert_element_type3A_1780 = arith.extui %lt3A_1779 : vector<3x1x1xi1> to vector<3x1x1xi32>
    %add3A_1781 = arith.addi %add3A_1767, %convert_element_type3A_1780 : vector<3x1x1xi32>
    %add3A_1782 = arith.constant 768 : i32
    %add3A_1783 = vector.broadcast %add3A_1782 : i32 to vector<3x1x1xi32>
    %add3A_1784 = arith.addi %add3A_1751, %add3A_1783 : vector<3x1x1xi32>
    %lt3A_1785 = vector.broadcast %add3A_1784 : vector<3x1x1xi32> to vector<3x8x1280xi32>
    %lt3A_1786 = arith.cmpi slt, %add3A_12, %lt3A_1785 : vector<3x8x1280xi32>
    %and3A_1787 = arith.andi %eq3A_1534, %lt3A_1786 : vector<3x8x1280xi1>
    %convert_element_type3A_1788 = arith.extui %and3A_1787 : vector<3x8x1280xi1> to vector<3x8x1280xi32>
    %reduce_sum3A_1789 = arith.constant dense<0> : vector<3xi32>
    %reduce_sum3A_1790 = vector.multi_reduction <add>, %convert_element_type3A_1788, %reduce_sum3A_1789 [1, 2] : vector<3x8x1280xi32> to vector<3xi32>
    %broadcast_in_dim3A_1791 = vector.shape_cast %reduce_sum3A_1790 : vector<3xi32> to vector<3x1x1xi32>
    %add3A_1792 = arith.addi %broadcast_in_dim3A_1533, %broadcast_in_dim3A_1791 : vector<3x1x1xi32>
    %lt3A_1793 = arith.cmpi slt, %add3A_1792, %shift_right_arithmetic3A_41 : vector<3x1x1xi32>
    %convert_element_type3A_1794 = arith.extui %lt3A_1793 : vector<3x1x1xi1> to vector<3x1x1xi32>
    %add3A_1795 = arith.addi %add3A_1781, %convert_element_type3A_1794 : vector<3x1x1xi32>
    %add3A_1796 = arith.constant 1024 : i32
    %add3A_1797 = vector.broadcast %add3A_1796 : i32 to vector<3x1x1xi32>
    %add3A_1798 = arith.addi %add3A_1751, %add3A_1797 : vector<3x1x1xi32>
    %lt3A_1799 = vector.broadcast %add3A_1798 : vector<3x1x1xi32> to vector<3x8x1280xi32>
    %lt3A_1800 = arith.cmpi slt, %add3A_12, %lt3A_1799 : vector<3x8x1280xi32>
    %and3A_1801 = arith.andi %eq3A_1534, %lt3A_1800 : vector<3x8x1280xi1>
    %convert_element_type3A_1802 = arith.extui %and3A_1801 : vector<3x8x1280xi1> to vector<3x8x1280xi32>
    %reduce_sum3A_1803 = arith.constant dense<0> : vector<3xi32>
    %reduce_sum3A_1804 = vector.multi_reduction <add>, %convert_element_type3A_1802, %reduce_sum3A_1803 [1, 2] : vector<3x8x1280xi32> to vector<3xi32>
    %broadcast_in_dim3A_1805 = vector.shape_cast %reduce_sum3A_1804 : vector<3xi32> to vector<3x1x1xi32>
    %add3A_1806 = arith.addi %broadcast_in_dim3A_1533, %broadcast_in_dim3A_1805 : vector<3x1x1xi32>
    %lt3A_1807 = arith.cmpi slt, %add3A_1806, %shift_right_arithmetic3A_41 : vector<3x1x1xi32>
    %convert_element_type3A_1808 = arith.extui %lt3A_1807 : vector<3x1x1xi1> to vector<3x1x1xi32>
    %add3A_1809 = arith.addi %add3A_1795, %convert_element_type3A_1808 : vector<3x1x1xi32>
    %add3A_1810 = arith.constant 1280 : i32
    %add3A_1811 = vector.broadcast %add3A_1810 : i32 to vector<3x1x1xi32>
    %add3A_1812 = arith.addi %add3A_1751, %add3A_1811 : vector<3x1x1xi32>
    %lt3A_1813 = vector.broadcast %add3A_1812 : vector<3x1x1xi32> to vector<3x8x1280xi32>
    %lt3A_1814 = arith.cmpi slt, %add3A_12, %lt3A_1813 : vector<3x8x1280xi32>
    %and3A_1815 = arith.andi %eq3A_1534, %lt3A_1814 : vector<3x8x1280xi1>
    %convert_element_type3A_1816 = arith.extui %and3A_1815 : vector<3x8x1280xi1> to vector<3x8x1280xi32>
    %reduce_sum3A_1817 = arith.constant dense<0> : vector<3xi32>
    %reduce_sum3A_1818 = vector.multi_reduction <add>, %convert_element_type3A_1816, %reduce_sum3A_1817 [1, 2] : vector<3x8x1280xi32> to vector<3xi32>
    %broadcast_in_dim3A_1819 = vector.shape_cast %reduce_sum3A_1818 : vector<3xi32> to vector<3x1x1xi32>
    %add3A_1820 = arith.addi %broadcast_in_dim3A_1533, %broadcast_in_dim3A_1819 : vector<3x1x1xi32>
    %lt3A_1821 = arith.cmpi slt, %add3A_1820, %shift_right_arithmetic3A_41 : vector<3x1x1xi32>
    %convert_element_type3A_1822 = arith.extui %lt3A_1821 : vector<3x1x1xi1> to vector<3x1x1xi32>
    %add3A_1823 = arith.addi %add3A_1809, %convert_element_type3A_1822 : vector<3x1x1xi32>
    %add3A_1824 = arith.constant 1536 : i32
    %add3A_1825 = vector.broadcast %add3A_1824 : i32 to vector<3x1x1xi32>
    %add3A_1826 = arith.addi %add3A_1751, %add3A_1825 : vector<3x1x1xi32>
    %lt3A_1827 = vector.broadcast %add3A_1826 : vector<3x1x1xi32> to vector<3x8x1280xi32>
    %lt3A_1828 = arith.cmpi slt, %add3A_12, %lt3A_1827 : vector<3x8x1280xi32>
    %and3A_1829 = arith.andi %eq3A_1534, %lt3A_1828 : vector<3x8x1280xi1>
    %convert_element_type3A_1830 = arith.extui %and3A_1829 : vector<3x8x1280xi1> to vector<3x8x1280xi32>
    %reduce_sum3A_1831 = arith.constant dense<0> : vector<3xi32>
    %reduce_sum3A_1832 = vector.multi_reduction <add>, %convert_element_type3A_1830, %reduce_sum3A_1831 [1, 2] : vector<3x8x1280xi32> to vector<3xi32>
    %broadcast_in_dim3A_1833 = vector.shape_cast %reduce_sum3A_1832 : vector<3xi32> to vector<3x1x1xi32>
    %add3A_1834 = arith.addi %broadcast_in_dim3A_1533, %broadcast_in_dim3A_1833 : vector<3x1x1xi32>
    %lt3A_1835 = arith.cmpi slt, %add3A_1834, %shift_right_arithmetic3A_41 : vector<3x1x1xi32>
    %convert_element_type3A_1836 = arith.extui %lt3A_1835 : vector<3x1x1xi1> to vector<3x1x1xi32>
    %add3A_1837 = arith.addi %add3A_1823, %convert_element_type3A_1836 : vector<3x1x1xi32>
    %add3A_1838 = arith.constant 1792 : i32
    %add3A_1839 = vector.broadcast %add3A_1838 : i32 to vector<3x1x1xi32>
    %add3A_1840 = arith.addi %add3A_1751, %add3A_1839 : vector<3x1x1xi32>
    %lt3A_1841 = vector.broadcast %add3A_1840 : vector<3x1x1xi32> to vector<3x8x1280xi32>
    %lt3A_1842 = arith.cmpi slt, %add3A_12, %lt3A_1841 : vector<3x8x1280xi32>
    %and3A_1843 = arith.andi %eq3A_1534, %lt3A_1842 : vector<3x8x1280xi1>
    %convert_element_type3A_1844 = arith.extui %and3A_1843 : vector<3x8x1280xi1> to vector<3x8x1280xi32>
    %reduce_sum3A_1845 = arith.constant dense<0> : vector<3xi32>
    %reduce_sum3A_1846 = vector.multi_reduction <add>, %convert_element_type3A_1844, %reduce_sum3A_1845 [1, 2] : vector<3x8x1280xi32> to vector<3xi32>
    %broadcast_in_dim3A_1847 = vector.shape_cast %reduce_sum3A_1846 : vector<3xi32> to vector<3x1x1xi32>
    %add3A_1848 = arith.addi %broadcast_in_dim3A_1533, %broadcast_in_dim3A_1847 : vector<3x1x1xi32>
    %lt3A_1849 = arith.cmpi slt, %add3A_1848, %shift_right_arithmetic3A_41 : vector<3x1x1xi32>
    %convert_element_type3A_1850 = arith.extui %lt3A_1849 : vector<3x1x1xi1> to vector<3x1x1xi32>
    %add3A_1851 = arith.addi %add3A_1837, %convert_element_type3A_1850 : vector<3x1x1xi32>
    %add3A_1852 = arith.constant 2048 : i32
    %add3A_1853 = vector.broadcast %add3A_1852 : i32 to vector<3x1x1xi32>
    %add3A_1854 = arith.addi %add3A_1751, %add3A_1853 : vector<3x1x1xi32>
    %lt3A_1855 = vector.broadcast %add3A_1854 : vector<3x1x1xi32> to vector<3x8x1280xi32>
    %lt3A_1856 = arith.cmpi slt, %add3A_12, %lt3A_1855 : vector<3x8x1280xi32>
    %and3A_1857 = arith.andi %eq3A_1534, %lt3A_1856 : vector<3x8x1280xi1>
    %convert_element_type3A_1858 = arith.extui %and3A_1857 : vector<3x8x1280xi1> to vector<3x8x1280xi32>
    %reduce_sum3A_1859 = arith.constant dense<0> : vector<3xi32>
    %reduce_sum3A_1860 = vector.multi_reduction <add>, %convert_element_type3A_1858, %reduce_sum3A_1859 [1, 2] : vector<3x8x1280xi32> to vector<3xi32>
    %broadcast_in_dim3A_1861 = vector.shape_cast %reduce_sum3A_1860 : vector<3xi32> to vector<3x1x1xi32>
    %add3A_1862 = arith.addi %broadcast_in_dim3A_1533, %broadcast_in_dim3A_1861 : vector<3x1x1xi32>
    %lt3A_1863 = arith.cmpi slt, %add3A_1862, %shift_right_arithmetic3A_41 : vector<3x1x1xi32>
    %convert_element_type3A_1864 = arith.extui %lt3A_1863 : vector<3x1x1xi1> to vector<3x1x1xi32>
    %add3A_1865 = arith.addi %add3A_1851, %convert_element_type3A_1864 : vector<3x1x1xi32>
    %add3A_1866 = arith.constant 2304 : i32
    %add3A_1867 = vector.broadcast %add3A_1866 : i32 to vector<3x1x1xi32>
    %add3A_1868 = arith.addi %add3A_1751, %add3A_1867 : vector<3x1x1xi32>
    %lt3A_1869 = vector.broadcast %add3A_1868 : vector<3x1x1xi32> to vector<3x8x1280xi32>
    %lt3A_1870 = arith.cmpi slt, %add3A_12, %lt3A_1869 : vector<3x8x1280xi32>
    %and3A_1871 = arith.andi %eq3A_1534, %lt3A_1870 : vector<3x8x1280xi1>
    %convert_element_type3A_1872 = arith.extui %and3A_1871 : vector<3x8x1280xi1> to vector<3x8x1280xi32>
    %reduce_sum3A_1873 = arith.constant dense<0> : vector<3xi32>
    %reduce_sum3A_1874 = vector.multi_reduction <add>, %convert_element_type3A_1872, %reduce_sum3A_1873 [1, 2] : vector<3x8x1280xi32> to vector<3xi32>
    %broadcast_in_dim3A_1875 = vector.shape_cast %reduce_sum3A_1874 : vector<3xi32> to vector<3x1x1xi32>
    %add3A_1876 = arith.addi %broadcast_in_dim3A_1533, %broadcast_in_dim3A_1875 : vector<3x1x1xi32>
    %lt3A_1877 = arith.cmpi slt, %add3A_1876, %shift_right_arithmetic3A_41 : vector<3x1x1xi32>
    %convert_element_type3A_1878 = arith.extui %lt3A_1877 : vector<3x1x1xi1> to vector<3x1x1xi32>
    %add3A_1879 = arith.addi %add3A_1865, %convert_element_type3A_1878 : vector<3x1x1xi32>
    %add3A_1880 = arith.constant 2560 : i32
    %add3A_1881 = vector.broadcast %add3A_1880 : i32 to vector<3x1x1xi32>
    %add3A_1882 = arith.addi %add3A_1751, %add3A_1881 : vector<3x1x1xi32>
    %lt3A_1883 = vector.broadcast %add3A_1882 : vector<3x1x1xi32> to vector<3x8x1280xi32>
    %lt3A_1884 = arith.cmpi slt, %add3A_12, %lt3A_1883 : vector<3x8x1280xi32>
    %and3A_1885 = arith.andi %eq3A_1534, %lt3A_1884 : vector<3x8x1280xi1>
    %convert_element_type3A_1886 = arith.extui %and3A_1885 : vector<3x8x1280xi1> to vector<3x8x1280xi32>
    %reduce_sum3A_1887 = arith.constant dense<0> : vector<3xi32>
    %reduce_sum3A_1888 = vector.multi_reduction <add>, %convert_element_type3A_1886, %reduce_sum3A_1887 [1, 2] : vector<3x8x1280xi32> to vector<3xi32>
    %broadcast_in_dim3A_1889 = vector.shape_cast %reduce_sum3A_1888 : vector<3xi32> to vector<3x1x1xi32>
    %add3A_1890 = arith.addi %broadcast_in_dim3A_1533, %broadcast_in_dim3A_1889 : vector<3x1x1xi32>
    %lt3A_1891 = arith.cmpi slt, %add3A_1890, %shift_right_arithmetic3A_41 : vector<3x1x1xi32>
    %convert_element_type3A_1892 = arith.extui %lt3A_1891 : vector<3x1x1xi1> to vector<3x1x1xi32>
    %add3A_1893 = arith.addi %add3A_1879, %convert_element_type3A_1892 : vector<3x1x1xi32>
    %add3A_1894 = arith.constant 2816 : i32
    %add3A_1895 = vector.broadcast %add3A_1894 : i32 to vector<3x1x1xi32>
    %add3A_1896 = arith.addi %add3A_1751, %add3A_1895 : vector<3x1x1xi32>
    %lt3A_1897 = vector.broadcast %add3A_1896 : vector<3x1x1xi32> to vector<3x8x1280xi32>
    %lt3A_1898 = arith.cmpi slt, %add3A_12, %lt3A_1897 : vector<3x8x1280xi32>
    %and3A_1899 = arith.andi %eq3A_1534, %lt3A_1898 : vector<3x8x1280xi1>
    %convert_element_type3A_1900 = arith.extui %and3A_1899 : vector<3x8x1280xi1> to vector<3x8x1280xi32>
    %reduce_sum3A_1901 = arith.constant dense<0> : vector<3xi32>
    %reduce_sum3A_1902 = vector.multi_reduction <add>, %convert_element_type3A_1900, %reduce_sum3A_1901 [1, 2] : vector<3x8x1280xi32> to vector<3xi32>
    %broadcast_in_dim3A_1903 = vector.shape_cast %reduce_sum3A_1902 : vector<3xi32> to vector<3x1x1xi32>
    %add3A_1904 = arith.addi %broadcast_in_dim3A_1533, %broadcast_in_dim3A_1903 : vector<3x1x1xi32>
    %lt3A_1905 = arith.cmpi slt, %add3A_1904, %shift_right_arithmetic3A_41 : vector<3x1x1xi32>
    %convert_element_type3A_1906 = arith.extui %lt3A_1905 : vector<3x1x1xi1> to vector<3x1x1xi32>
    %add3A_1907 = arith.addi %add3A_1893, %convert_element_type3A_1906 : vector<3x1x1xi32>
    %add3A_1908 = arith.constant 3072 : i32
    %add3A_1909 = vector.broadcast %add3A_1908 : i32 to vector<3x1x1xi32>
    %add3A_1910 = arith.addi %add3A_1751, %add3A_1909 : vector<3x1x1xi32>
    %lt3A_1911 = vector.broadcast %add3A_1910 : vector<3x1x1xi32> to vector<3x8x1280xi32>
    %lt3A_1912 = arith.cmpi slt, %add3A_12, %lt3A_1911 : vector<3x8x1280xi32>
    %and3A_1913 = arith.andi %eq3A_1534, %lt3A_1912 : vector<3x8x1280xi1>
    %convert_element_type3A_1914 = arith.extui %and3A_1913 : vector<3x8x1280xi1> to vector<3x8x1280xi32>
    %reduce_sum3A_1915 = arith.constant dense<0> : vector<3xi32>
    %reduce_sum3A_1916 = vector.multi_reduction <add>, %convert_element_type3A_1914, %reduce_sum3A_1915 [1, 2] : vector<3x8x1280xi32> to vector<3xi32>
    %broadcast_in_dim3A_1917 = vector.shape_cast %reduce_sum3A_1916 : vector<3xi32> to vector<3x1x1xi32>
    %add3A_1918 = arith.addi %broadcast_in_dim3A_1533, %broadcast_in_dim3A_1917 : vector<3x1x1xi32>
    %lt3A_1919 = arith.cmpi slt, %add3A_1918, %shift_right_arithmetic3A_41 : vector<3x1x1xi32>
    %convert_element_type3A_1920 = arith.extui %lt3A_1919 : vector<3x1x1xi1> to vector<3x1x1xi32>
    %add3A_1921 = arith.addi %add3A_1907, %convert_element_type3A_1920 : vector<3x1x1xi32>
    %add3A_1922 = arith.constant 3328 : i32
    %add3A_1923 = vector.broadcast %add3A_1922 : i32 to vector<3x1x1xi32>
    %add3A_1924 = arith.addi %add3A_1751, %add3A_1923 : vector<3x1x1xi32>
    %lt3A_1925 = vector.broadcast %add3A_1924 : vector<3x1x1xi32> to vector<3x8x1280xi32>
    %lt3A_1926 = arith.cmpi slt, %add3A_12, %lt3A_1925 : vector<3x8x1280xi32>
    %and3A_1927 = arith.andi %eq3A_1534, %lt3A_1926 : vector<3x8x1280xi1>
    %convert_element_type3A_1928 = arith.extui %and3A_1927 : vector<3x8x1280xi1> to vector<3x8x1280xi32>
    %reduce_sum3A_1929 = arith.constant dense<0> : vector<3xi32>
    %reduce_sum3A_1930 = vector.multi_reduction <add>, %convert_element_type3A_1928, %reduce_sum3A_1929 [1, 2] : vector<3x8x1280xi32> to vector<3xi32>
    %broadcast_in_dim3A_1931 = vector.shape_cast %reduce_sum3A_1930 : vector<3xi32> to vector<3x1x1xi32>
    %add3A_1932 = arith.addi %broadcast_in_dim3A_1533, %broadcast_in_dim3A_1931 : vector<3x1x1xi32>
    %lt3A_1933 = arith.cmpi slt, %add3A_1932, %shift_right_arithmetic3A_41 : vector<3x1x1xi32>
    %convert_element_type3A_1934 = arith.extui %lt3A_1933 : vector<3x1x1xi1> to vector<3x1x1xi32>
    %add3A_1935 = arith.addi %add3A_1921, %convert_element_type3A_1934 : vector<3x1x1xi32>
    %add3A_1936 = arith.constant 3584 : i32
    %add3A_1937 = vector.broadcast %add3A_1936 : i32 to vector<3x1x1xi32>
    %add3A_1938 = arith.addi %add3A_1751, %add3A_1937 : vector<3x1x1xi32>
    %lt3A_1939 = vector.broadcast %add3A_1938 : vector<3x1x1xi32> to vector<3x8x1280xi32>
    %lt3A_1940 = arith.cmpi slt, %add3A_12, %lt3A_1939 : vector<3x8x1280xi32>
    %and3A_1941 = arith.andi %eq3A_1534, %lt3A_1940 : vector<3x8x1280xi1>
    %convert_element_type3A_1942 = arith.extui %and3A_1941 : vector<3x8x1280xi1> to vector<3x8x1280xi32>
    %reduce_sum3A_1943 = arith.constant dense<0> : vector<3xi32>
    %reduce_sum3A_1944 = vector.multi_reduction <add>, %convert_element_type3A_1942, %reduce_sum3A_1943 [1, 2] : vector<3x8x1280xi32> to vector<3xi32>
    %broadcast_in_dim3A_1945 = vector.shape_cast %reduce_sum3A_1944 : vector<3xi32> to vector<3x1x1xi32>
    %add3A_1946 = arith.addi %broadcast_in_dim3A_1533, %broadcast_in_dim3A_1945 : vector<3x1x1xi32>
    %lt3A_1947 = arith.cmpi slt, %add3A_1946, %shift_right_arithmetic3A_41 : vector<3x1x1xi32>
    %convert_element_type3A_1948 = arith.extui %lt3A_1947 : vector<3x1x1xi1> to vector<3x1x1xi32>
    %add3A_1949 = arith.addi %add3A_1935, %convert_element_type3A_1948 : vector<3x1x1xi32>
    %add3A_1950 = arith.constant 3840 : i32
    %add3A_1951 = vector.broadcast %add3A_1950 : i32 to vector<3x1x1xi32>
    %add3A_1952 = arith.addi %add3A_1751, %add3A_1951 : vector<3x1x1xi32>
    %lt3A_1953 = vector.broadcast %add3A_1952 : vector<3x1x1xi32> to vector<3x8x1280xi32>
    %lt3A_1954 = arith.cmpi slt, %add3A_12, %lt3A_1953 : vector<3x8x1280xi32>
    %and3A_1955 = arith.andi %eq3A_1534, %lt3A_1954 : vector<3x8x1280xi1>
    %convert_element_type3A_1956 = arith.extui %and3A_1955 : vector<3x8x1280xi1> to vector<3x8x1280xi32>
    %reduce_sum3A_1957 = arith.constant dense<0> : vector<3xi32>
    %reduce_sum3A_1958 = vector.multi_reduction <add>, %convert_element_type3A_1956, %reduce_sum3A_1957 [1, 2] : vector<3x8x1280xi32> to vector<3xi32>
    %broadcast_in_dim3A_1959 = vector.shape_cast %reduce_sum3A_1958 : vector<3xi32> to vector<3x1x1xi32>
    %add3A_1960 = arith.addi %broadcast_in_dim3A_1533, %broadcast_in_dim3A_1959 : vector<3x1x1xi32>
    %lt3A_1961 = arith.cmpi slt, %add3A_1960, %shift_right_arithmetic3A_41 : vector<3x1x1xi32>
    %convert_element_type3A_1962 = arith.extui %lt3A_1961 : vector<3x1x1xi1> to vector<3x1x1xi32>
    %add3A_1963 = arith.addi %add3A_1949, %convert_element_type3A_1962 : vector<3x1x1xi32>
    %shift_left3A_1964 = arith.constant 8 : i32
    %shift_left3A_1965 = vector.broadcast %shift_left3A_1964 : i32 to vector<3x1x1xi32>
    %shift_left3A_1966 = arith.shli %add3A_1963, %shift_left3A_1965 : vector<3x1x1xi32>
    %add3A_1967 = arith.addi %add3A_1751, %shift_left3A_1966 : vector<3x1x1xi32>
    %broadcast_in_dim3A_1968 = arith.constant 0 : i32
    %broadcast_in_dim3A_1969 = vector.broadcast %broadcast_in_dim3A_1968 : i32 to vector<3x1x1xi32>
    %add3A_1970 = arith.constant 16 : i32
    %add3A_1971 = vector.broadcast %add3A_1970 : i32 to vector<3x1x1xi32>
    %add3A_1972 = arith.addi %add3A_1967, %add3A_1971 : vector<3x1x1xi32>
    %lt3A_1973 = vector.broadcast %add3A_1972 : vector<3x1x1xi32> to vector<3x8x1280xi32>
    %lt3A_1974 = arith.cmpi slt, %add3A_12, %lt3A_1973 : vector<3x8x1280xi32>
    %and3A_1975 = arith.andi %eq3A_1534, %lt3A_1974 : vector<3x8x1280xi1>
    %convert_element_type3A_1976 = arith.extui %and3A_1975 : vector<3x8x1280xi1> to vector<3x8x1280xi32>
    %reduce_sum3A_1977 = arith.constant dense<0> : vector<3xi32>
    %reduce_sum3A_1978 = vector.multi_reduction <add>, %convert_element_type3A_1976, %reduce_sum3A_1977 [1, 2] : vector<3x8x1280xi32> to vector<3xi32>
    %broadcast_in_dim3A_1979 = vector.shape_cast %reduce_sum3A_1978 : vector<3xi32> to vector<3x1x1xi32>
    %add3A_1980 = arith.addi %broadcast_in_dim3A_1533, %broadcast_in_dim3A_1979 : vector<3x1x1xi32>
    %lt3A_1981 = arith.cmpi slt, %add3A_1980, %shift_right_arithmetic3A_41 : vector<3x1x1xi32>
    %convert_element_type3A_1982 = arith.extui %lt3A_1981 : vector<3x1x1xi1> to vector<3x1x1xi32>
    %add3A_1983 = arith.addi %broadcast_in_dim3A_1969, %convert_element_type3A_1982 : vector<3x1x1xi32>
    %add3A_1984 = arith.constant 32 : i32
    %add3A_1985 = vector.broadcast %add3A_1984 : i32 to vector<3x1x1xi32>
    %add3A_1986 = arith.addi %add3A_1967, %add3A_1985 : vector<3x1x1xi32>
    %lt3A_1987 = vector.broadcast %add3A_1986 : vector<3x1x1xi32> to vector<3x8x1280xi32>
    %lt3A_1988 = arith.cmpi slt, %add3A_12, %lt3A_1987 : vector<3x8x1280xi32>
    %and3A_1989 = arith.andi %eq3A_1534, %lt3A_1988 : vector<3x8x1280xi1>
    %convert_element_type3A_1990 = arith.extui %and3A_1989 : vector<3x8x1280xi1> to vector<3x8x1280xi32>
    %reduce_sum3A_1991 = arith.constant dense<0> : vector<3xi32>
    %reduce_sum3A_1992 = vector.multi_reduction <add>, %convert_element_type3A_1990, %reduce_sum3A_1991 [1, 2] : vector<3x8x1280xi32> to vector<3xi32>
    %broadcast_in_dim3A_1993 = vector.shape_cast %reduce_sum3A_1992 : vector<3xi32> to vector<3x1x1xi32>
    %add3A_1994 = arith.addi %broadcast_in_dim3A_1533, %broadcast_in_dim3A_1993 : vector<3x1x1xi32>
    %lt3A_1995 = arith.cmpi slt, %add3A_1994, %shift_right_arithmetic3A_41 : vector<3x1x1xi32>
    %convert_element_type3A_1996 = arith.extui %lt3A_1995 : vector<3x1x1xi1> to vector<3x1x1xi32>
    %add3A_1997 = arith.addi %add3A_1983, %convert_element_type3A_1996 : vector<3x1x1xi32>
    %add3A_1998 = arith.constant 48 : i32
    %add3A_1999 = vector.broadcast %add3A_1998 : i32 to vector<3x1x1xi32>
    %add3A_2000 = arith.addi %add3A_1967, %add3A_1999 : vector<3x1x1xi32>
    %lt3A_2001 = vector.broadcast %add3A_2000 : vector<3x1x1xi32> to vector<3x8x1280xi32>
    %lt3A_2002 = arith.cmpi slt, %add3A_12, %lt3A_2001 : vector<3x8x1280xi32>
    %and3A_2003 = arith.andi %eq3A_1534, %lt3A_2002 : vector<3x8x1280xi1>
    %convert_element_type3A_2004 = arith.extui %and3A_2003 : vector<3x8x1280xi1> to vector<3x8x1280xi32>
    %reduce_sum3A_2005 = arith.constant dense<0> : vector<3xi32>
    %reduce_sum3A_2006 = vector.multi_reduction <add>, %convert_element_type3A_2004, %reduce_sum3A_2005 [1, 2] : vector<3x8x1280xi32> to vector<3xi32>
    %broadcast_in_dim3A_2007 = vector.shape_cast %reduce_sum3A_2006 : vector<3xi32> to vector<3x1x1xi32>
    %add3A_2008 = arith.addi %broadcast_in_dim3A_1533, %broadcast_in_dim3A_2007 : vector<3x1x1xi32>
    %lt3A_2009 = arith.cmpi slt, %add3A_2008, %shift_right_arithmetic3A_41 : vector<3x1x1xi32>
    %convert_element_type3A_2010 = arith.extui %lt3A_2009 : vector<3x1x1xi1> to vector<3x1x1xi32>
    %add3A_2011 = arith.addi %add3A_1997, %convert_element_type3A_2010 : vector<3x1x1xi32>
    %add3A_2012 = arith.constant 64 : i32
    %add3A_2013 = vector.broadcast %add3A_2012 : i32 to vector<3x1x1xi32>
    %add3A_2014 = arith.addi %add3A_1967, %add3A_2013 : vector<3x1x1xi32>
    %lt3A_2015 = vector.broadcast %add3A_2014 : vector<3x1x1xi32> to vector<3x8x1280xi32>
    %lt3A_2016 = arith.cmpi slt, %add3A_12, %lt3A_2015 : vector<3x8x1280xi32>
    %and3A_2017 = arith.andi %eq3A_1534, %lt3A_2016 : vector<3x8x1280xi1>
    %convert_element_type3A_2018 = arith.extui %and3A_2017 : vector<3x8x1280xi1> to vector<3x8x1280xi32>
    %reduce_sum3A_2019 = arith.constant dense<0> : vector<3xi32>
    %reduce_sum3A_2020 = vector.multi_reduction <add>, %convert_element_type3A_2018, %reduce_sum3A_2019 [1, 2] : vector<3x8x1280xi32> to vector<3xi32>
    %broadcast_in_dim3A_2021 = vector.shape_cast %reduce_sum3A_2020 : vector<3xi32> to vector<3x1x1xi32>
    %add3A_2022 = arith.addi %broadcast_in_dim3A_1533, %broadcast_in_dim3A_2021 : vector<3x1x1xi32>
    %lt3A_2023 = arith.cmpi slt, %add3A_2022, %shift_right_arithmetic3A_41 : vector<3x1x1xi32>
    %convert_element_type3A_2024 = arith.extui %lt3A_2023 : vector<3x1x1xi1> to vector<3x1x1xi32>
    %add3A_2025 = arith.addi %add3A_2011, %convert_element_type3A_2024 : vector<3x1x1xi32>
    %add3A_2026 = arith.constant 80 : i32
    %add3A_2027 = vector.broadcast %add3A_2026 : i32 to vector<3x1x1xi32>
    %add3A_2028 = arith.addi %add3A_1967, %add3A_2027 : vector<3x1x1xi32>
    %lt3A_2029 = vector.broadcast %add3A_2028 : vector<3x1x1xi32> to vector<3x8x1280xi32>
    %lt3A_2030 = arith.cmpi slt, %add3A_12, %lt3A_2029 : vector<3x8x1280xi32>
    %and3A_2031 = arith.andi %eq3A_1534, %lt3A_2030 : vector<3x8x1280xi1>
    %convert_element_type3A_2032 = arith.extui %and3A_2031 : vector<3x8x1280xi1> to vector<3x8x1280xi32>
    %reduce_sum3A_2033 = arith.constant dense<0> : vector<3xi32>
    %reduce_sum3A_2034 = vector.multi_reduction <add>, %convert_element_type3A_2032, %reduce_sum3A_2033 [1, 2] : vector<3x8x1280xi32> to vector<3xi32>
    %broadcast_in_dim3A_2035 = vector.shape_cast %reduce_sum3A_2034 : vector<3xi32> to vector<3x1x1xi32>
    %add3A_2036 = arith.addi %broadcast_in_dim3A_1533, %broadcast_in_dim3A_2035 : vector<3x1x1xi32>
    %lt3A_2037 = arith.cmpi slt, %add3A_2036, %shift_right_arithmetic3A_41 : vector<3x1x1xi32>
    %convert_element_type3A_2038 = arith.extui %lt3A_2037 : vector<3x1x1xi1> to vector<3x1x1xi32>
    %add3A_2039 = arith.addi %add3A_2025, %convert_element_type3A_2038 : vector<3x1x1xi32>
    %add3A_2040 = arith.constant 96 : i32
    %add3A_2041 = vector.broadcast %add3A_2040 : i32 to vector<3x1x1xi32>
    %add3A_2042 = arith.addi %add3A_1967, %add3A_2041 : vector<3x1x1xi32>
    %lt3A_2043 = vector.broadcast %add3A_2042 : vector<3x1x1xi32> to vector<3x8x1280xi32>
    %lt3A_2044 = arith.cmpi slt, %add3A_12, %lt3A_2043 : vector<3x8x1280xi32>
    %and3A_2045 = arith.andi %eq3A_1534, %lt3A_2044 : vector<3x8x1280xi1>
    %convert_element_type3A_2046 = arith.extui %and3A_2045 : vector<3x8x1280xi1> to vector<3x8x1280xi32>
    %reduce_sum3A_2047 = arith.constant dense<0> : vector<3xi32>
    %reduce_sum3A_2048 = vector.multi_reduction <add>, %convert_element_type3A_2046, %reduce_sum3A_2047 [1, 2] : vector<3x8x1280xi32> to vector<3xi32>
    %broadcast_in_dim3A_2049 = vector.shape_cast %reduce_sum3A_2048 : vector<3xi32> to vector<3x1x1xi32>
    %add3A_2050 = arith.addi %broadcast_in_dim3A_1533, %broadcast_in_dim3A_2049 : vector<3x1x1xi32>
    %lt3A_2051 = arith.cmpi slt, %add3A_2050, %shift_right_arithmetic3A_41 : vector<3x1x1xi32>
    %convert_element_type3A_2052 = arith.extui %lt3A_2051 : vector<3x1x1xi1> to vector<3x1x1xi32>
    %add3A_2053 = arith.addi %add3A_2039, %convert_element_type3A_2052 : vector<3x1x1xi32>
    %add3A_2054 = arith.constant 112 : i32
    %add3A_2055 = vector.broadcast %add3A_2054 : i32 to vector<3x1x1xi32>
    %add3A_2056 = arith.addi %add3A_1967, %add3A_2055 : vector<3x1x1xi32>
    %lt3A_2057 = vector.broadcast %add3A_2056 : vector<3x1x1xi32> to vector<3x8x1280xi32>
    %lt3A_2058 = arith.cmpi slt, %add3A_12, %lt3A_2057 : vector<3x8x1280xi32>
    %and3A_2059 = arith.andi %eq3A_1534, %lt3A_2058 : vector<3x8x1280xi1>
    %convert_element_type3A_2060 = arith.extui %and3A_2059 : vector<3x8x1280xi1> to vector<3x8x1280xi32>
    %reduce_sum3A_2061 = arith.constant dense<0> : vector<3xi32>
    %reduce_sum3A_2062 = vector.multi_reduction <add>, %convert_element_type3A_2060, %reduce_sum3A_2061 [1, 2] : vector<3x8x1280xi32> to vector<3xi32>
    %broadcast_in_dim3A_2063 = vector.shape_cast %reduce_sum3A_2062 : vector<3xi32> to vector<3x1x1xi32>
    %add3A_2064 = arith.addi %broadcast_in_dim3A_1533, %broadcast_in_dim3A_2063 : vector<3x1x1xi32>
    %lt3A_2065 = arith.cmpi slt, %add3A_2064, %shift_right_arithmetic3A_41 : vector<3x1x1xi32>
    %convert_element_type3A_2066 = arith.extui %lt3A_2065 : vector<3x1x1xi1> to vector<3x1x1xi32>
    %add3A_2067 = arith.addi %add3A_2053, %convert_element_type3A_2066 : vector<3x1x1xi32>
    %add3A_2068 = arith.constant 128 : i32
    %add3A_2069 = vector.broadcast %add3A_2068 : i32 to vector<3x1x1xi32>
    %add3A_2070 = arith.addi %add3A_1967, %add3A_2069 : vector<3x1x1xi32>
    %lt3A_2071 = vector.broadcast %add3A_2070 : vector<3x1x1xi32> to vector<3x8x1280xi32>
    %lt3A_2072 = arith.cmpi slt, %add3A_12, %lt3A_2071 : vector<3x8x1280xi32>
    %and3A_2073 = arith.andi %eq3A_1534, %lt3A_2072 : vector<3x8x1280xi1>
    %convert_element_type3A_2074 = arith.extui %and3A_2073 : vector<3x8x1280xi1> to vector<3x8x1280xi32>
    %reduce_sum3A_2075 = arith.constant dense<0> : vector<3xi32>
    %reduce_sum3A_2076 = vector.multi_reduction <add>, %convert_element_type3A_2074, %reduce_sum3A_2075 [1, 2] : vector<3x8x1280xi32> to vector<3xi32>
    %broadcast_in_dim3A_2077 = vector.shape_cast %reduce_sum3A_2076 : vector<3xi32> to vector<3x1x1xi32>
    %add3A_2078 = arith.addi %broadcast_in_dim3A_1533, %broadcast_in_dim3A_2077 : vector<3x1x1xi32>
    %lt3A_2079 = arith.cmpi slt, %add3A_2078, %shift_right_arithmetic3A_41 : vector<3x1x1xi32>
    %convert_element_type3A_2080 = arith.extui %lt3A_2079 : vector<3x1x1xi1> to vector<3x1x1xi32>
    %add3A_2081 = arith.addi %add3A_2067, %convert_element_type3A_2080 : vector<3x1x1xi32>
    %add3A_2082 = arith.constant 144 : i32
    %add3A_2083 = vector.broadcast %add3A_2082 : i32 to vector<3x1x1xi32>
    %add3A_2084 = arith.addi %add3A_1967, %add3A_2083 : vector<3x1x1xi32>
    %lt3A_2085 = vector.broadcast %add3A_2084 : vector<3x1x1xi32> to vector<3x8x1280xi32>
    %lt3A_2086 = arith.cmpi slt, %add3A_12, %lt3A_2085 : vector<3x8x1280xi32>
    %and3A_2087 = arith.andi %eq3A_1534, %lt3A_2086 : vector<3x8x1280xi1>
    %convert_element_type3A_2088 = arith.extui %and3A_2087 : vector<3x8x1280xi1> to vector<3x8x1280xi32>
    %reduce_sum3A_2089 = arith.constant dense<0> : vector<3xi32>
    %reduce_sum3A_2090 = vector.multi_reduction <add>, %convert_element_type3A_2088, %reduce_sum3A_2089 [1, 2] : vector<3x8x1280xi32> to vector<3xi32>
    %broadcast_in_dim3A_2091 = vector.shape_cast %reduce_sum3A_2090 : vector<3xi32> to vector<3x1x1xi32>
    %add3A_2092 = arith.addi %broadcast_in_dim3A_1533, %broadcast_in_dim3A_2091 : vector<3x1x1xi32>
    %lt3A_2093 = arith.cmpi slt, %add3A_2092, %shift_right_arithmetic3A_41 : vector<3x1x1xi32>
    %convert_element_type3A_2094 = arith.extui %lt3A_2093 : vector<3x1x1xi1> to vector<3x1x1xi32>
    %add3A_2095 = arith.addi %add3A_2081, %convert_element_type3A_2094 : vector<3x1x1xi32>
    %add3A_2096 = arith.constant 160 : i32
    %add3A_2097 = vector.broadcast %add3A_2096 : i32 to vector<3x1x1xi32>
    %add3A_2098 = arith.addi %add3A_1967, %add3A_2097 : vector<3x1x1xi32>
    %lt3A_2099 = vector.broadcast %add3A_2098 : vector<3x1x1xi32> to vector<3x8x1280xi32>
    %lt3A_2100 = arith.cmpi slt, %add3A_12, %lt3A_2099 : vector<3x8x1280xi32>
    %and3A_2101 = arith.andi %eq3A_1534, %lt3A_2100 : vector<3x8x1280xi1>
    %convert_element_type3A_2102 = arith.extui %and3A_2101 : vector<3x8x1280xi1> to vector<3x8x1280xi32>
    %reduce_sum3A_2103 = arith.constant dense<0> : vector<3xi32>
    %reduce_sum3A_2104 = vector.multi_reduction <add>, %convert_element_type3A_2102, %reduce_sum3A_2103 [1, 2] : vector<3x8x1280xi32> to vector<3xi32>
    %broadcast_in_dim3A_2105 = vector.shape_cast %reduce_sum3A_2104 : vector<3xi32> to vector<3x1x1xi32>
    %add3A_2106 = arith.addi %broadcast_in_dim3A_1533, %broadcast_in_dim3A_2105 : vector<3x1x1xi32>
    %lt3A_2107 = arith.cmpi slt, %add3A_2106, %shift_right_arithmetic3A_41 : vector<3x1x1xi32>
    %convert_element_type3A_2108 = arith.extui %lt3A_2107 : vector<3x1x1xi1> to vector<3x1x1xi32>
    %add3A_2109 = arith.addi %add3A_2095, %convert_element_type3A_2108 : vector<3x1x1xi32>
    %add3A_2110 = arith.constant 176 : i32
    %add3A_2111 = vector.broadcast %add3A_2110 : i32 to vector<3x1x1xi32>
    %add3A_2112 = arith.addi %add3A_1967, %add3A_2111 : vector<3x1x1xi32>
    %lt3A_2113 = vector.broadcast %add3A_2112 : vector<3x1x1xi32> to vector<3x8x1280xi32>
    %lt3A_2114 = arith.cmpi slt, %add3A_12, %lt3A_2113 : vector<3x8x1280xi32>
    %and3A_2115 = arith.andi %eq3A_1534, %lt3A_2114 : vector<3x8x1280xi1>
    %convert_element_type3A_2116 = arith.extui %and3A_2115 : vector<3x8x1280xi1> to vector<3x8x1280xi32>
    %reduce_sum3A_2117 = arith.constant dense<0> : vector<3xi32>
    %reduce_sum3A_2118 = vector.multi_reduction <add>, %convert_element_type3A_2116, %reduce_sum3A_2117 [1, 2] : vector<3x8x1280xi32> to vector<3xi32>
    %broadcast_in_dim3A_2119 = vector.shape_cast %reduce_sum3A_2118 : vector<3xi32> to vector<3x1x1xi32>
    %add3A_2120 = arith.addi %broadcast_in_dim3A_1533, %broadcast_in_dim3A_2119 : vector<3x1x1xi32>
    %lt3A_2121 = arith.cmpi slt, %add3A_2120, %shift_right_arithmetic3A_41 : vector<3x1x1xi32>
    %convert_element_type3A_2122 = arith.extui %lt3A_2121 : vector<3x1x1xi1> to vector<3x1x1xi32>
    %add3A_2123 = arith.addi %add3A_2109, %convert_element_type3A_2122 : vector<3x1x1xi32>
    %add3A_2124 = arith.constant 192 : i32
    %add3A_2125 = vector.broadcast %add3A_2124 : i32 to vector<3x1x1xi32>
    %add3A_2126 = arith.addi %add3A_1967, %add3A_2125 : vector<3x1x1xi32>
    %lt3A_2127 = vector.broadcast %add3A_2126 : vector<3x1x1xi32> to vector<3x8x1280xi32>
    %lt3A_2128 = arith.cmpi slt, %add3A_12, %lt3A_2127 : vector<3x8x1280xi32>
    %and3A_2129 = arith.andi %eq3A_1534, %lt3A_2128 : vector<3x8x1280xi1>
    %convert_element_type3A_2130 = arith.extui %and3A_2129 : vector<3x8x1280xi1> to vector<3x8x1280xi32>
    %reduce_sum3A_2131 = arith.constant dense<0> : vector<3xi32>
    %reduce_sum3A_2132 = vector.multi_reduction <add>, %convert_element_type3A_2130, %reduce_sum3A_2131 [1, 2] : vector<3x8x1280xi32> to vector<3xi32>
    %broadcast_in_dim3A_2133 = vector.shape_cast %reduce_sum3A_2132 : vector<3xi32> to vector<3x1x1xi32>
    %add3A_2134 = arith.addi %broadcast_in_dim3A_1533, %broadcast_in_dim3A_2133 : vector<3x1x1xi32>
    %lt3A_2135 = arith.cmpi slt, %add3A_2134, %shift_right_arithmetic3A_41 : vector<3x1x1xi32>
    %convert_element_type3A_2136 = arith.extui %lt3A_2135 : vector<3x1x1xi1> to vector<3x1x1xi32>
    %add3A_2137 = arith.addi %add3A_2123, %convert_element_type3A_2136 : vector<3x1x1xi32>
    %add3A_2138 = arith.constant 208 : i32
    %add3A_2139 = vector.broadcast %add3A_2138 : i32 to vector<3x1x1xi32>
    %add3A_2140 = arith.addi %add3A_1967, %add3A_2139 : vector<3x1x1xi32>
    %lt3A_2141 = vector.broadcast %add3A_2140 : vector<3x1x1xi32> to vector<3x8x1280xi32>
    %lt3A_2142 = arith.cmpi slt, %add3A_12, %lt3A_2141 : vector<3x8x1280xi32>
    %and3A_2143 = arith.andi %eq3A_1534, %lt3A_2142 : vector<3x8x1280xi1>
    %convert_element_type3A_2144 = arith.extui %and3A_2143 : vector<3x8x1280xi1> to vector<3x8x1280xi32>
    %reduce_sum3A_2145 = arith.constant dense<0> : vector<3xi32>
    %reduce_sum3A_2146 = vector.multi_reduction <add>, %convert_element_type3A_2144, %reduce_sum3A_2145 [1, 2] : vector<3x8x1280xi32> to vector<3xi32>
    %broadcast_in_dim3A_2147 = vector.shape_cast %reduce_sum3A_2146 : vector<3xi32> to vector<3x1x1xi32>
    %add3A_2148 = arith.addi %broadcast_in_dim3A_1533, %broadcast_in_dim3A_2147 : vector<3x1x1xi32>
    %lt3A_2149 = arith.cmpi slt, %add3A_2148, %shift_right_arithmetic3A_41 : vector<3x1x1xi32>
    %convert_element_type3A_2150 = arith.extui %lt3A_2149 : vector<3x1x1xi1> to vector<3x1x1xi32>
    %add3A_2151 = arith.addi %add3A_2137, %convert_element_type3A_2150 : vector<3x1x1xi32>
    %add3A_2152 = arith.constant 224 : i32
    %add3A_2153 = vector.broadcast %add3A_2152 : i32 to vector<3x1x1xi32>
    %add3A_2154 = arith.addi %add3A_1967, %add3A_2153 : vector<3x1x1xi32>
    %lt3A_2155 = vector.broadcast %add3A_2154 : vector<3x1x1xi32> to vector<3x8x1280xi32>
    %lt3A_2156 = arith.cmpi slt, %add3A_12, %lt3A_2155 : vector<3x8x1280xi32>
    %and3A_2157 = arith.andi %eq3A_1534, %lt3A_2156 : vector<3x8x1280xi1>
    %convert_element_type3A_2158 = arith.extui %and3A_2157 : vector<3x8x1280xi1> to vector<3x8x1280xi32>
    %reduce_sum3A_2159 = arith.constant dense<0> : vector<3xi32>
    %reduce_sum3A_2160 = vector.multi_reduction <add>, %convert_element_type3A_2158, %reduce_sum3A_2159 [1, 2] : vector<3x8x1280xi32> to vector<3xi32>
    %broadcast_in_dim3A_2161 = vector.shape_cast %reduce_sum3A_2160 : vector<3xi32> to vector<3x1x1xi32>
    %add3A_2162 = arith.addi %broadcast_in_dim3A_1533, %broadcast_in_dim3A_2161 : vector<3x1x1xi32>
    %lt3A_2163 = arith.cmpi slt, %add3A_2162, %shift_right_arithmetic3A_41 : vector<3x1x1xi32>
    %convert_element_type3A_2164 = arith.extui %lt3A_2163 : vector<3x1x1xi1> to vector<3x1x1xi32>
    %add3A_2165 = arith.addi %add3A_2151, %convert_element_type3A_2164 : vector<3x1x1xi32>
    %add3A_2166 = arith.constant 240 : i32
    %add3A_2167 = vector.broadcast %add3A_2166 : i32 to vector<3x1x1xi32>
    %add3A_2168 = arith.addi %add3A_1967, %add3A_2167 : vector<3x1x1xi32>
    %lt3A_2169 = vector.broadcast %add3A_2168 : vector<3x1x1xi32> to vector<3x8x1280xi32>
    %lt3A_2170 = arith.cmpi slt, %add3A_12, %lt3A_2169 : vector<3x8x1280xi32>
    %and3A_2171 = arith.andi %eq3A_1534, %lt3A_2170 : vector<3x8x1280xi1>
    %convert_element_type3A_2172 = arith.extui %and3A_2171 : vector<3x8x1280xi1> to vector<3x8x1280xi32>
    %reduce_sum3A_2173 = arith.constant dense<0> : vector<3xi32>
    %reduce_sum3A_2174 = vector.multi_reduction <add>, %convert_element_type3A_2172, %reduce_sum3A_2173 [1, 2] : vector<3x8x1280xi32> to vector<3xi32>
    %broadcast_in_dim3A_2175 = vector.shape_cast %reduce_sum3A_2174 : vector<3xi32> to vector<3x1x1xi32>
    %add3A_2176 = arith.addi %broadcast_in_dim3A_1533, %broadcast_in_dim3A_2175 : vector<3x1x1xi32>
    %lt3A_2177 = arith.cmpi slt, %add3A_2176, %shift_right_arithmetic3A_41 : vector<3x1x1xi32>
    %convert_element_type3A_2178 = arith.extui %lt3A_2177 : vector<3x1x1xi1> to vector<3x1x1xi32>
    %add3A_2179 = arith.addi %add3A_2165, %convert_element_type3A_2178 : vector<3x1x1xi32>
    %shift_left3A_2180 = arith.constant 4 : i32
    %shift_left3A_2181 = vector.broadcast %shift_left3A_2180 : i32 to vector<3x1x1xi32>
    %shift_left3A_2182 = arith.shli %add3A_2179, %shift_left3A_2181 : vector<3x1x1xi32>
    %add3A_2183 = arith.addi %add3A_1967, %shift_left3A_2182 : vector<3x1x1xi32>
    %broadcast_in_dim3A_2184 = arith.constant 0 : i32
    %broadcast_in_dim3A_2185 = vector.broadcast %broadcast_in_dim3A_2184 : i32 to vector<3x1x1xi32>
    %add3A_2186 = arith.constant 1 : i32
    %add3A_2187 = vector.broadcast %add3A_2186 : i32 to vector<3x1x1xi32>
    %add3A_2188 = arith.addi %add3A_2183, %add3A_2187 : vector<3x1x1xi32>
    %lt3A_2189 = vector.broadcast %add3A_2188 : vector<3x1x1xi32> to vector<3x8x1280xi32>
    %lt3A_2190 = arith.cmpi slt, %add3A_12, %lt3A_2189 : vector<3x8x1280xi32>
    %and3A_2191 = arith.andi %eq3A_1534, %lt3A_2190 : vector<3x8x1280xi1>
    %convert_element_type3A_2192 = arith.extui %and3A_2191 : vector<3x8x1280xi1> to vector<3x8x1280xi32>
    %reduce_sum3A_2193 = arith.constant dense<0> : vector<3xi32>
    %reduce_sum3A_2194 = vector.multi_reduction <add>, %convert_element_type3A_2192, %reduce_sum3A_2193 [1, 2] : vector<3x8x1280xi32> to vector<3xi32>
    %broadcast_in_dim3A_2195 = vector.shape_cast %reduce_sum3A_2194 : vector<3xi32> to vector<3x1x1xi32>
    %add3A_2196 = arith.addi %broadcast_in_dim3A_1533, %broadcast_in_dim3A_2195 : vector<3x1x1xi32>
    %lt3A_2197 = arith.cmpi slt, %add3A_2196, %shift_right_arithmetic3A_41 : vector<3x1x1xi32>
    %convert_element_type3A_2198 = arith.extui %lt3A_2197 : vector<3x1x1xi1> to vector<3x1x1xi32>
    %add3A_2199 = arith.addi %broadcast_in_dim3A_2185, %convert_element_type3A_2198 : vector<3x1x1xi32>
    %add3A_2200 = arith.constant 2 : i32
    %add3A_2201 = vector.broadcast %add3A_2200 : i32 to vector<3x1x1xi32>
    %add3A_2202 = arith.addi %add3A_2183, %add3A_2201 : vector<3x1x1xi32>
    %lt3A_2203 = vector.broadcast %add3A_2202 : vector<3x1x1xi32> to vector<3x8x1280xi32>
    %lt3A_2204 = arith.cmpi slt, %add3A_12, %lt3A_2203 : vector<3x8x1280xi32>
    %and3A_2205 = arith.andi %eq3A_1534, %lt3A_2204 : vector<3x8x1280xi1>
    %convert_element_type3A_2206 = arith.extui %and3A_2205 : vector<3x8x1280xi1> to vector<3x8x1280xi32>
    %reduce_sum3A_2207 = arith.constant dense<0> : vector<3xi32>
    %reduce_sum3A_2208 = vector.multi_reduction <add>, %convert_element_type3A_2206, %reduce_sum3A_2207 [1, 2] : vector<3x8x1280xi32> to vector<3xi32>
    %broadcast_in_dim3A_2209 = vector.shape_cast %reduce_sum3A_2208 : vector<3xi32> to vector<3x1x1xi32>
    %add3A_2210 = arith.addi %broadcast_in_dim3A_1533, %broadcast_in_dim3A_2209 : vector<3x1x1xi32>
    %lt3A_2211 = arith.cmpi slt, %add3A_2210, %shift_right_arithmetic3A_41 : vector<3x1x1xi32>
    %convert_element_type3A_2212 = arith.extui %lt3A_2211 : vector<3x1x1xi1> to vector<3x1x1xi32>
    %add3A_2213 = arith.addi %add3A_2199, %convert_element_type3A_2212 : vector<3x1x1xi32>
    %add3A_2214 = arith.constant 3 : i32
    %add3A_2215 = vector.broadcast %add3A_2214 : i32 to vector<3x1x1xi32>
    %add3A_2216 = arith.addi %add3A_2183, %add3A_2215 : vector<3x1x1xi32>
    %lt3A_2217 = vector.broadcast %add3A_2216 : vector<3x1x1xi32> to vector<3x8x1280xi32>
    %lt3A_2218 = arith.cmpi slt, %add3A_12, %lt3A_2217 : vector<3x8x1280xi32>
    %and3A_2219 = arith.andi %eq3A_1534, %lt3A_2218 : vector<3x8x1280xi1>
    %convert_element_type3A_2220 = arith.extui %and3A_2219 : vector<3x8x1280xi1> to vector<3x8x1280xi32>
    %reduce_sum3A_2221 = arith.constant dense<0> : vector<3xi32>
    %reduce_sum3A_2222 = vector.multi_reduction <add>, %convert_element_type3A_2220, %reduce_sum3A_2221 [1, 2] : vector<3x8x1280xi32> to vector<3xi32>
    %broadcast_in_dim3A_2223 = vector.shape_cast %reduce_sum3A_2222 : vector<3xi32> to vector<3x1x1xi32>
    %add3A_2224 = arith.addi %broadcast_in_dim3A_1533, %broadcast_in_dim3A_2223 : vector<3x1x1xi32>
    %lt3A_2225 = arith.cmpi slt, %add3A_2224, %shift_right_arithmetic3A_41 : vector<3x1x1xi32>
    %convert_element_type3A_2226 = arith.extui %lt3A_2225 : vector<3x1x1xi1> to vector<3x1x1xi32>
    %add3A_2227 = arith.addi %add3A_2213, %convert_element_type3A_2226 : vector<3x1x1xi32>
    %add3A_2228 = arith.constant 4 : i32
    %add3A_2229 = vector.broadcast %add3A_2228 : i32 to vector<3x1x1xi32>
    %add3A_2230 = arith.addi %add3A_2183, %add3A_2229 : vector<3x1x1xi32>
    %lt3A_2231 = vector.broadcast %add3A_2230 : vector<3x1x1xi32> to vector<3x8x1280xi32>
    %lt3A_2232 = arith.cmpi slt, %add3A_12, %lt3A_2231 : vector<3x8x1280xi32>
    %and3A_2233 = arith.andi %eq3A_1534, %lt3A_2232 : vector<3x8x1280xi1>
    %convert_element_type3A_2234 = arith.extui %and3A_2233 : vector<3x8x1280xi1> to vector<3x8x1280xi32>
    %reduce_sum3A_2235 = arith.constant dense<0> : vector<3xi32>
    %reduce_sum3A_2236 = vector.multi_reduction <add>, %convert_element_type3A_2234, %reduce_sum3A_2235 [1, 2] : vector<3x8x1280xi32> to vector<3xi32>
    %broadcast_in_dim3A_2237 = vector.shape_cast %reduce_sum3A_2236 : vector<3xi32> to vector<3x1x1xi32>
    %add3A_2238 = arith.addi %broadcast_in_dim3A_1533, %broadcast_in_dim3A_2237 : vector<3x1x1xi32>
    %lt3A_2239 = arith.cmpi slt, %add3A_2238, %shift_right_arithmetic3A_41 : vector<3x1x1xi32>
    %convert_element_type3A_2240 = arith.extui %lt3A_2239 : vector<3x1x1xi1> to vector<3x1x1xi32>
    %add3A_2241 = arith.addi %add3A_2227, %convert_element_type3A_2240 : vector<3x1x1xi32>
    %add3A_2242 = arith.constant 5 : i32
    %add3A_2243 = vector.broadcast %add3A_2242 : i32 to vector<3x1x1xi32>
    %add3A_2244 = arith.addi %add3A_2183, %add3A_2243 : vector<3x1x1xi32>
    %lt3A_2245 = vector.broadcast %add3A_2244 : vector<3x1x1xi32> to vector<3x8x1280xi32>
    %lt3A_2246 = arith.cmpi slt, %add3A_12, %lt3A_2245 : vector<3x8x1280xi32>
    %and3A_2247 = arith.andi %eq3A_1534, %lt3A_2246 : vector<3x8x1280xi1>
    %convert_element_type3A_2248 = arith.extui %and3A_2247 : vector<3x8x1280xi1> to vector<3x8x1280xi32>
    %reduce_sum3A_2249 = arith.constant dense<0> : vector<3xi32>
    %reduce_sum3A_2250 = vector.multi_reduction <add>, %convert_element_type3A_2248, %reduce_sum3A_2249 [1, 2] : vector<3x8x1280xi32> to vector<3xi32>
    %broadcast_in_dim3A_2251 = vector.shape_cast %reduce_sum3A_2250 : vector<3xi32> to vector<3x1x1xi32>
    %add3A_2252 = arith.addi %broadcast_in_dim3A_1533, %broadcast_in_dim3A_2251 : vector<3x1x1xi32>
    %lt3A_2253 = arith.cmpi slt, %add3A_2252, %shift_right_arithmetic3A_41 : vector<3x1x1xi32>
    %convert_element_type3A_2254 = arith.extui %lt3A_2253 : vector<3x1x1xi1> to vector<3x1x1xi32>
    %add3A_2255 = arith.addi %add3A_2241, %convert_element_type3A_2254 : vector<3x1x1xi32>
    %add3A_2256 = arith.constant 6 : i32
    %add3A_2257 = vector.broadcast %add3A_2256 : i32 to vector<3x1x1xi32>
    %add3A_2258 = arith.addi %add3A_2183, %add3A_2257 : vector<3x1x1xi32>
    %lt3A_2259 = vector.broadcast %add3A_2258 : vector<3x1x1xi32> to vector<3x8x1280xi32>
    %lt3A_2260 = arith.cmpi slt, %add3A_12, %lt3A_2259 : vector<3x8x1280xi32>
    %and3A_2261 = arith.andi %eq3A_1534, %lt3A_2260 : vector<3x8x1280xi1>
    %convert_element_type3A_2262 = arith.extui %and3A_2261 : vector<3x8x1280xi1> to vector<3x8x1280xi32>
    %reduce_sum3A_2263 = arith.constant dense<0> : vector<3xi32>
    %reduce_sum3A_2264 = vector.multi_reduction <add>, %convert_element_type3A_2262, %reduce_sum3A_2263 [1, 2] : vector<3x8x1280xi32> to vector<3xi32>
    %broadcast_in_dim3A_2265 = vector.shape_cast %reduce_sum3A_2264 : vector<3xi32> to vector<3x1x1xi32>
    %add3A_2266 = arith.addi %broadcast_in_dim3A_1533, %broadcast_in_dim3A_2265 : vector<3x1x1xi32>
    %lt3A_2267 = arith.cmpi slt, %add3A_2266, %shift_right_arithmetic3A_41 : vector<3x1x1xi32>
    %convert_element_type3A_2268 = arith.extui %lt3A_2267 : vector<3x1x1xi1> to vector<3x1x1xi32>
    %add3A_2269 = arith.addi %add3A_2255, %convert_element_type3A_2268 : vector<3x1x1xi32>
    %add3A_2270 = arith.constant 7 : i32
    %add3A_2271 = vector.broadcast %add3A_2270 : i32 to vector<3x1x1xi32>
    %add3A_2272 = arith.addi %add3A_2183, %add3A_2271 : vector<3x1x1xi32>
    %lt3A_2273 = vector.broadcast %add3A_2272 : vector<3x1x1xi32> to vector<3x8x1280xi32>
    %lt3A_2274 = arith.cmpi slt, %add3A_12, %lt3A_2273 : vector<3x8x1280xi32>
    %and3A_2275 = arith.andi %eq3A_1534, %lt3A_2274 : vector<3x8x1280xi1>
    %convert_element_type3A_2276 = arith.extui %and3A_2275 : vector<3x8x1280xi1> to vector<3x8x1280xi32>
    %reduce_sum3A_2277 = arith.constant dense<0> : vector<3xi32>
    %reduce_sum3A_2278 = vector.multi_reduction <add>, %convert_element_type3A_2276, %reduce_sum3A_2277 [1, 2] : vector<3x8x1280xi32> to vector<3xi32>
    %broadcast_in_dim3A_2279 = vector.shape_cast %reduce_sum3A_2278 : vector<3xi32> to vector<3x1x1xi32>
    %add3A_2280 = arith.addi %broadcast_in_dim3A_1533, %broadcast_in_dim3A_2279 : vector<3x1x1xi32>
    %lt3A_2281 = arith.cmpi slt, %add3A_2280, %shift_right_arithmetic3A_41 : vector<3x1x1xi32>
    %convert_element_type3A_2282 = arith.extui %lt3A_2281 : vector<3x1x1xi1> to vector<3x1x1xi32>
    %add3A_2283 = arith.addi %add3A_2269, %convert_element_type3A_2282 : vector<3x1x1xi32>
    %add3A_2284 = arith.constant 8 : i32
    %add3A_2285 = vector.broadcast %add3A_2284 : i32 to vector<3x1x1xi32>
    %add3A_2286 = arith.addi %add3A_2183, %add3A_2285 : vector<3x1x1xi32>
    %lt3A_2287 = vector.broadcast %add3A_2286 : vector<3x1x1xi32> to vector<3x8x1280xi32>
    %lt3A_2288 = arith.cmpi slt, %add3A_12, %lt3A_2287 : vector<3x8x1280xi32>
    %and3A_2289 = arith.andi %eq3A_1534, %lt3A_2288 : vector<3x8x1280xi1>
    %convert_element_type3A_2290 = arith.extui %and3A_2289 : vector<3x8x1280xi1> to vector<3x8x1280xi32>
    %reduce_sum3A_2291 = arith.constant dense<0> : vector<3xi32>
    %reduce_sum3A_2292 = vector.multi_reduction <add>, %convert_element_type3A_2290, %reduce_sum3A_2291 [1, 2] : vector<3x8x1280xi32> to vector<3xi32>
    %broadcast_in_dim3A_2293 = vector.shape_cast %reduce_sum3A_2292 : vector<3xi32> to vector<3x1x1xi32>
    %add3A_2294 = arith.addi %broadcast_in_dim3A_1533, %broadcast_in_dim3A_2293 : vector<3x1x1xi32>
    %lt3A_2295 = arith.cmpi slt, %add3A_2294, %shift_right_arithmetic3A_41 : vector<3x1x1xi32>
    %convert_element_type3A_2296 = arith.extui %lt3A_2295 : vector<3x1x1xi1> to vector<3x1x1xi32>
    %add3A_2297 = arith.addi %add3A_2283, %convert_element_type3A_2296 : vector<3x1x1xi32>
    %add3A_2298 = arith.constant 9 : i32
    %add3A_2299 = vector.broadcast %add3A_2298 : i32 to vector<3x1x1xi32>
    %add3A_2300 = arith.addi %add3A_2183, %add3A_2299 : vector<3x1x1xi32>
    %lt3A_2301 = vector.broadcast %add3A_2300 : vector<3x1x1xi32> to vector<3x8x1280xi32>
    %lt3A_2302 = arith.cmpi slt, %add3A_12, %lt3A_2301 : vector<3x8x1280xi32>
    %and3A_2303 = arith.andi %eq3A_1534, %lt3A_2302 : vector<3x8x1280xi1>
    %convert_element_type3A_2304 = arith.extui %and3A_2303 : vector<3x8x1280xi1> to vector<3x8x1280xi32>
    %reduce_sum3A_2305 = arith.constant dense<0> : vector<3xi32>
    %reduce_sum3A_2306 = vector.multi_reduction <add>, %convert_element_type3A_2304, %reduce_sum3A_2305 [1, 2] : vector<3x8x1280xi32> to vector<3xi32>
    %broadcast_in_dim3A_2307 = vector.shape_cast %reduce_sum3A_2306 : vector<3xi32> to vector<3x1x1xi32>
    %add3A_2308 = arith.addi %broadcast_in_dim3A_1533, %broadcast_in_dim3A_2307 : vector<3x1x1xi32>
    %lt3A_2309 = arith.cmpi slt, %add3A_2308, %shift_right_arithmetic3A_41 : vector<3x1x1xi32>
    %convert_element_type3A_2310 = arith.extui %lt3A_2309 : vector<3x1x1xi1> to vector<3x1x1xi32>
    %add3A_2311 = arith.addi %add3A_2297, %convert_element_type3A_2310 : vector<3x1x1xi32>
    %add3A_2312 = arith.constant 10 : i32
    %add3A_2313 = vector.broadcast %add3A_2312 : i32 to vector<3x1x1xi32>
    %add3A_2314 = arith.addi %add3A_2183, %add3A_2313 : vector<3x1x1xi32>
    %lt3A_2315 = vector.broadcast %add3A_2314 : vector<3x1x1xi32> to vector<3x8x1280xi32>
    %lt3A_2316 = arith.cmpi slt, %add3A_12, %lt3A_2315 : vector<3x8x1280xi32>
    %and3A_2317 = arith.andi %eq3A_1534, %lt3A_2316 : vector<3x8x1280xi1>
    %convert_element_type3A_2318 = arith.extui %and3A_2317 : vector<3x8x1280xi1> to vector<3x8x1280xi32>
    %reduce_sum3A_2319 = arith.constant dense<0> : vector<3xi32>
    %reduce_sum3A_2320 = vector.multi_reduction <add>, %convert_element_type3A_2318, %reduce_sum3A_2319 [1, 2] : vector<3x8x1280xi32> to vector<3xi32>
    %broadcast_in_dim3A_2321 = vector.shape_cast %reduce_sum3A_2320 : vector<3xi32> to vector<3x1x1xi32>
    %add3A_2322 = arith.addi %broadcast_in_dim3A_1533, %broadcast_in_dim3A_2321 : vector<3x1x1xi32>
    %lt3A_2323 = arith.cmpi slt, %add3A_2322, %shift_right_arithmetic3A_41 : vector<3x1x1xi32>
    %convert_element_type3A_2324 = arith.extui %lt3A_2323 : vector<3x1x1xi1> to vector<3x1x1xi32>
    %add3A_2325 = arith.addi %add3A_2311, %convert_element_type3A_2324 : vector<3x1x1xi32>
    %add3A_2326 = arith.constant 11 : i32
    %add3A_2327 = vector.broadcast %add3A_2326 : i32 to vector<3x1x1xi32>
    %add3A_2328 = arith.addi %add3A_2183, %add3A_2327 : vector<3x1x1xi32>
    %lt3A_2329 = vector.broadcast %add3A_2328 : vector<3x1x1xi32> to vector<3x8x1280xi32>
    %lt3A_2330 = arith.cmpi slt, %add3A_12, %lt3A_2329 : vector<3x8x1280xi32>
    %and3A_2331 = arith.andi %eq3A_1534, %lt3A_2330 : vector<3x8x1280xi1>
    %convert_element_type3A_2332 = arith.extui %and3A_2331 : vector<3x8x1280xi1> to vector<3x8x1280xi32>
    %reduce_sum3A_2333 = arith.constant dense<0> : vector<3xi32>
    %reduce_sum3A_2334 = vector.multi_reduction <add>, %convert_element_type3A_2332, %reduce_sum3A_2333 [1, 2] : vector<3x8x1280xi32> to vector<3xi32>
    %broadcast_in_dim3A_2335 = vector.shape_cast %reduce_sum3A_2334 : vector<3xi32> to vector<3x1x1xi32>
    %add3A_2336 = arith.addi %broadcast_in_dim3A_1533, %broadcast_in_dim3A_2335 : vector<3x1x1xi32>
    %lt3A_2337 = arith.cmpi slt, %add3A_2336, %shift_right_arithmetic3A_41 : vector<3x1x1xi32>
    %convert_element_type3A_2338 = arith.extui %lt3A_2337 : vector<3x1x1xi1> to vector<3x1x1xi32>
    %add3A_2339 = arith.addi %add3A_2325, %convert_element_type3A_2338 : vector<3x1x1xi32>
    %add3A_2340 = arith.constant 12 : i32
    %add3A_2341 = vector.broadcast %add3A_2340 : i32 to vector<3x1x1xi32>
    %add3A_2342 = arith.addi %add3A_2183, %add3A_2341 : vector<3x1x1xi32>
    %lt3A_2343 = vector.broadcast %add3A_2342 : vector<3x1x1xi32> to vector<3x8x1280xi32>
    %lt3A_2344 = arith.cmpi slt, %add3A_12, %lt3A_2343 : vector<3x8x1280xi32>
    %and3A_2345 = arith.andi %eq3A_1534, %lt3A_2344 : vector<3x8x1280xi1>
    %convert_element_type3A_2346 = arith.extui %and3A_2345 : vector<3x8x1280xi1> to vector<3x8x1280xi32>
    %reduce_sum3A_2347 = arith.constant dense<0> : vector<3xi32>
    %reduce_sum3A_2348 = vector.multi_reduction <add>, %convert_element_type3A_2346, %reduce_sum3A_2347 [1, 2] : vector<3x8x1280xi32> to vector<3xi32>
    %broadcast_in_dim3A_2349 = vector.shape_cast %reduce_sum3A_2348 : vector<3xi32> to vector<3x1x1xi32>
    %add3A_2350 = arith.addi %broadcast_in_dim3A_1533, %broadcast_in_dim3A_2349 : vector<3x1x1xi32>
    %lt3A_2351 = arith.cmpi slt, %add3A_2350, %shift_right_arithmetic3A_41 : vector<3x1x1xi32>
    %convert_element_type3A_2352 = arith.extui %lt3A_2351 : vector<3x1x1xi1> to vector<3x1x1xi32>
    %add3A_2353 = arith.addi %add3A_2339, %convert_element_type3A_2352 : vector<3x1x1xi32>
    %add3A_2354 = arith.constant 13 : i32
    %add3A_2355 = vector.broadcast %add3A_2354 : i32 to vector<3x1x1xi32>
    %add3A_2356 = arith.addi %add3A_2183, %add3A_2355 : vector<3x1x1xi32>
    %lt3A_2357 = vector.broadcast %add3A_2356 : vector<3x1x1xi32> to vector<3x8x1280xi32>
    %lt3A_2358 = arith.cmpi slt, %add3A_12, %lt3A_2357 : vector<3x8x1280xi32>
    %and3A_2359 = arith.andi %eq3A_1534, %lt3A_2358 : vector<3x8x1280xi1>
    %convert_element_type3A_2360 = arith.extui %and3A_2359 : vector<3x8x1280xi1> to vector<3x8x1280xi32>
    %reduce_sum3A_2361 = arith.constant dense<0> : vector<3xi32>
    %reduce_sum3A_2362 = vector.multi_reduction <add>, %convert_element_type3A_2360, %reduce_sum3A_2361 [1, 2] : vector<3x8x1280xi32> to vector<3xi32>
    %broadcast_in_dim3A_2363 = vector.shape_cast %reduce_sum3A_2362 : vector<3xi32> to vector<3x1x1xi32>
    %add3A_2364 = arith.addi %broadcast_in_dim3A_1533, %broadcast_in_dim3A_2363 : vector<3x1x1xi32>
    %lt3A_2365 = arith.cmpi slt, %add3A_2364, %shift_right_arithmetic3A_41 : vector<3x1x1xi32>
    %convert_element_type3A_2366 = arith.extui %lt3A_2365 : vector<3x1x1xi1> to vector<3x1x1xi32>
    %add3A_2367 = arith.addi %add3A_2353, %convert_element_type3A_2366 : vector<3x1x1xi32>
    %add3A_2368 = arith.constant 14 : i32
    %add3A_2369 = vector.broadcast %add3A_2368 : i32 to vector<3x1x1xi32>
    %add3A_2370 = arith.addi %add3A_2183, %add3A_2369 : vector<3x1x1xi32>
    %lt3A_2371 = vector.broadcast %add3A_2370 : vector<3x1x1xi32> to vector<3x8x1280xi32>
    %lt3A_2372 = arith.cmpi slt, %add3A_12, %lt3A_2371 : vector<3x8x1280xi32>
    %and3A_2373 = arith.andi %eq3A_1534, %lt3A_2372 : vector<3x8x1280xi1>
    %convert_element_type3A_2374 = arith.extui %and3A_2373 : vector<3x8x1280xi1> to vector<3x8x1280xi32>
    %reduce_sum3A_2375 = arith.constant dense<0> : vector<3xi32>
    %reduce_sum3A_2376 = vector.multi_reduction <add>, %convert_element_type3A_2374, %reduce_sum3A_2375 [1, 2] : vector<3x8x1280xi32> to vector<3xi32>
    %broadcast_in_dim3A_2377 = vector.shape_cast %reduce_sum3A_2376 : vector<3xi32> to vector<3x1x1xi32>
    %add3A_2378 = arith.addi %broadcast_in_dim3A_1533, %broadcast_in_dim3A_2377 : vector<3x1x1xi32>
    %lt3A_2379 = arith.cmpi slt, %add3A_2378, %shift_right_arithmetic3A_41 : vector<3x1x1xi32>
    %convert_element_type3A_2380 = arith.extui %lt3A_2379 : vector<3x1x1xi1> to vector<3x1x1xi32>
    %add3A_2381 = arith.addi %add3A_2367, %convert_element_type3A_2380 : vector<3x1x1xi32>
    %add3A_2382 = arith.constant 15 : i32
    %add3A_2383 = vector.broadcast %add3A_2382 : i32 to vector<3x1x1xi32>
    %add3A_2384 = arith.addi %add3A_2183, %add3A_2383 : vector<3x1x1xi32>
    %lt3A_2385 = vector.broadcast %add3A_2384 : vector<3x1x1xi32> to vector<3x8x1280xi32>
    %lt3A_2386 = arith.cmpi slt, %add3A_12, %lt3A_2385 : vector<3x8x1280xi32>
    %and3A_2387 = arith.andi %eq3A_1534, %lt3A_2386 : vector<3x8x1280xi1>
    %convert_element_type3A_2388 = arith.extui %and3A_2387 : vector<3x8x1280xi1> to vector<3x8x1280xi32>
    %reduce_sum3A_2389 = arith.constant dense<0> : vector<3xi32>
    %reduce_sum3A_2390 = vector.multi_reduction <add>, %convert_element_type3A_2388, %reduce_sum3A_2389 [1, 2] : vector<3x8x1280xi32> to vector<3xi32>
    %broadcast_in_dim3A_2391 = vector.shape_cast %reduce_sum3A_2390 : vector<3xi32> to vector<3x1x1xi32>
    %add3A_2392 = arith.addi %broadcast_in_dim3A_1533, %broadcast_in_dim3A_2391 : vector<3x1x1xi32>
    %lt3A_2393 = arith.cmpi slt, %add3A_2392, %shift_right_arithmetic3A_41 : vector<3x1x1xi32>
    %convert_element_type3A_2394 = arith.extui %lt3A_2393 : vector<3x1x1xi1> to vector<3x1x1xi32>
    %add3A_2395 = arith.addi %add3A_2381, %convert_element_type3A_2394 : vector<3x1x1xi32>
    %shift_left3A_2396 = arith.constant 0 : i32
    %shift_left3A_2397 = vector.broadcast %shift_left3A_2396 : i32 to vector<3x1x1xi32>
    %shift_left3A_2398 = arith.shli %add3A_2395, %shift_left3A_2397 : vector<3x1x1xi32>
    %add3A_2399 = arith.addi %add3A_2183, %shift_left3A_2398 : vector<3x1x1xi32>
    %iota3A_2400 = tpu.iota {dimensions = array<i32: 1>} : vector<1x10000xi32>
    %get3A_2401 = arith.constant 0 : index
    %get3A_2402 = arith.constant 0 : index
    %get3A_2403 = vector.load %arg0[%get3A_2401, %get3A_2402] : memref<2x10240xf32, #tpu.memory_space<vmem>>, vector<1x10000xf32>
    %get3A_2404 = arith.constant 1 : index
    %get3A_2405 = arith.constant 0 : index
    %get3A_2406 = vector.load %arg0[%get3A_2404, %get3A_2405] : memref<2x10240xf32, #tpu.memory_space<vmem>>, vector<1x10000xf32>
    %add3A_2407 = arith.addf %get3A_2403, %get3A_2406 : vector<1x10000xf32>
    %div3A_2408 = vector.broadcast %reduce_sum3A_18 : f32 to vector<1x10000xf32>
    %div3A_2409 = arith.divf %add3A_2407, %div3A_2408 : vector<1x10000xf32>
    %log3A_2410 = math.log %div3A_2409 : vector<1x10000xf32>
    %get3A_2411 = arith.constant 0 : index
    %get3A_2412 = arith.constant 0 : index
    %get3A_2413 = vector.load %arg3[%get3A_2411, %get3A_2412] : memref<3x10240xf32, #tpu.memory_space<vmem>>, vector<1x10000xf32>
    %add3A_2414 = arith.addf %get3A_2413, %log3A_2410 : vector<1x10000xf32>
    %bitcast_convert_type3A_2415 = tpu.bitcast %add3A_2414 : vector<1x10000xf32> -> vector<1x10000xi32>
    %lt3A_2416 = arith.constant 0 : i32
    %lt3A_2417 = vector.broadcast %lt3A_2416 : i32 to vector<1x10000xi32>
    %lt3A_2418 = arith.cmpi slt, %bitcast_convert_type3A_2415, %lt3A_2417 : vector<1x10000xi32>
    %xor3A_2419 = arith.constant 2147483647 : i32
    %xor3A_2420 = vector.broadcast %xor3A_2419 : i32 to vector<1x10000xi32>
    %xor3A_2421 = arith.xori %bitcast_convert_type3A_2415, %xor3A_2420 : vector<1x10000xi32>
    %select_n3A_2422 = arith.select %lt3A_2418, %xor3A_2421, %bitcast_convert_type3A_2415 : vector<1x10000xi1>, vector<1x10000xi32>
    %slice3A_2423 = vector.extract_strided_slice %add3A_1528 {offsets = [0, 0, 0], sizes = [1, 1, 1], strides = [1, 1, 1]} : vector<3x1x1xi32> to vector<1x1x1xi32>
    %squeeze3A_2424 = vector.extract %slice3A_2423[0, 0, 0] : i32 from vector<1x1x1xi32>
    %slice3A_2425 = vector.extract_strided_slice %add3A_2399 {offsets = [0, 0, 0], sizes = [1, 1, 1], strides = [1, 1, 1]} : vector<3x1x1xi32> to vector<1x1x1xi32>
    %squeeze3A_2426 = vector.extract %slice3A_2425[0, 0, 0] : i32 from vector<1x1x1xi32>
    %add3A_2427 = arith.constant 1 : i32
    %add3A_2428 = arith.addi %squeeze3A_2426, %add3A_2427 : i32
    %gt3A_2429 = vector.broadcast %squeeze3A_2424 : i32 to vector<1x10000xi32>
    %gt3A_2430 = arith.cmpi sgt, %select_n3A_2422, %gt3A_2429 : vector<1x10000xi32>
    %eq3A_2431 = vector.broadcast %squeeze3A_2424 : i32 to vector<1x10000xi32>
    %eq3A_2432 = arith.cmpi eq, %select_n3A_2422, %eq3A_2431 : vector<1x10000xi32>
    %lt3A_2433 = vector.broadcast %add3A_2428 : i32 to vector<1x10000xi32>
    %lt3A_2434 = arith.cmpi slt, %iota3A_2400, %lt3A_2433 : vector<1x10000xi32>
    %and3A_2435 = arith.andi %eq3A_2432, %lt3A_2434 : vector<1x10000xi1>
    %or3A = arith.ori %gt3A_2430, %and3A_2435 : vector<1x10000xi1>
    %convert_element_type3A_2436 = arith.extui %or3A : vector<1x10000xi1> to vector<1x10000xi32>
    %convert_element_type3A_2437 = arith.sitofp %convert_element_type3A_2436 : vector<1x10000xi32> to vector<1x10000xf32>
    %get3A_2438 = arith.constant 0 : index
    %get3A_2439 = arith.constant 0 : index
    %get3A_2440 = arith.constant 0 : index
    %get3A_2441 = vector.load %arg5[%get3A_2438, %get3A_2439, %get3A_2440] : memref<3x128x128xf32, #tpu.memory_space<vmem>>, vector<1x128x128xf32>
    %get3A_2442 = vector.shape_cast %get3A_2441 : vector<1x128x128xf32> to vector<128x128xf32>
    %get3A_2443 = arith.constant 0 : index
    %get3A_2444 = arith.constant 0 : index
    %get3A_2445 = vector.load %arg2[%get3A_2443, %get3A_2444] : memref<10000x128xf32, #tpu.memory_space<vmem>>, vector<10000x128xf32>
    %dot_general3A = arith.constant dense<0.000000e+00> : vector<128x10000xf32>
    %dot_general3A_2446 = tpu.matmul %get3A_2442, %get3A_2445, %dot_general3A {dimension_numbers = #tpu.dot_dimension_numbers<[1], [1], [0], [0], [0, 0, 1, 0], [], []>, transpose_lhs_hint = false} : vector<128x128xf32>, vector<10000x128xf32>, vector<128x10000xf32> -> vector<128x10000xf32>
    %get3A_2447 = arith.constant 0 : index
    %get3A_2448 = arith.constant 0 : index
    %get3A_2449 = arith.constant 0 : index
    %get3A_2450 = vector.load %arg6[%get3A_2447, %get3A_2448, %get3A_2449] : memref<3x128x1xf32, #tpu.memory_space<vmem>>, vector<1x128x1xf32>
    %get3A_2451 = vector.shape_cast %get3A_2450 : vector<1x128x1xf32> to vector<128x1xf32>
    %add3A_2452 = vector.broadcast %get3A_2451 : vector<128x1xf32> to vector<128x10000xf32>
    %add3A_2453 = arith.addf %dot_general3A_2446, %add3A_2452 : vector<128x10000xf32>
    %mul3A_2454 = arith.constant 5.000000e+00 : f32
    %mul3A_2455 = vector.broadcast %mul3A_2454 : f32 to vector<128x10000xf32>
    %mul3A_2456 = arith.mulf %add3A_2453, %mul3A_2455 : vector<128x10000xf32>
    %mul3A_2457 = vector.broadcast %convert_element_type3A_2437 : vector<1x10000xf32> to vector<128x10000xf32>
    %mul3A_2458 = arith.mulf %mul3A_2457, %mul3A_2456 : vector<128x10000xf32>
    %max3A = arith.constant 0.000000e+00 : f32
    %max3A_2459 = vector.broadcast %max3A : f32 to vector<128x10000xf32>
    %max3A_2460 = arith.maximumf %mul3A_2458, %max3A_2459 : vector<128x10000xf32>
    %get3A_2461 = arith.constant 1 : index
    %get3A_2462 = arith.constant 0 : index
    %get3A_2463 = vector.load %arg3[%get3A_2461, %get3A_2462] : memref<3x10240xf32, #tpu.memory_space<vmem>>, vector<1x10000xf32>
    %add3A_2464 = arith.addf %get3A_2463, %log3A_2410 : vector<1x10000xf32>
    %bitcast_convert_type3A_2465 = tpu.bitcast %add3A_2464 : vector<1x10000xf32> -> vector<1x10000xi32>
    %lt3A_2466 = arith.constant 0 : i32
    %lt3A_2467 = vector.broadcast %lt3A_2466 : i32 to vector<1x10000xi32>
    %lt3A_2468 = arith.cmpi slt, %bitcast_convert_type3A_2465, %lt3A_2467 : vector<1x10000xi32>
    %xor3A_2469 = arith.constant 2147483647 : i32
    %xor3A_2470 = vector.broadcast %xor3A_2469 : i32 to vector<1x10000xi32>
    %xor3A_2471 = arith.xori %bitcast_convert_type3A_2465, %xor3A_2470 : vector<1x10000xi32>
    %select_n3A_2472 = arith.select %lt3A_2468, %xor3A_2471, %bitcast_convert_type3A_2465 : vector<1x10000xi1>, vector<1x10000xi32>
    %slice3A_2473 = vector.extract_strided_slice %add3A_1528 {offsets = [1, 0, 0], sizes = [1, 1, 1], strides = [1, 1, 1]} : vector<3x1x1xi32> to vector<1x1x1xi32>
    %squeeze3A_2474 = vector.extract %slice3A_2473[0, 0, 0] : i32 from vector<1x1x1xi32>
    %slice3A_2475 = vector.extract_strided_slice %add3A_2399 {offsets = [1, 0, 0], sizes = [1, 1, 1], strides = [1, 1, 1]} : vector<3x1x1xi32> to vector<1x1x1xi32>
    %squeeze3A_2476 = vector.extract %slice3A_2475[0, 0, 0] : i32 from vector<1x1x1xi32>
    %add3A_2477 = arith.constant 1 : i32
    %add3A_2478 = arith.addi %squeeze3A_2476, %add3A_2477 : i32
    %gt3A_2479 = vector.broadcast %squeeze3A_2474 : i32 to vector<1x10000xi32>
    %gt3A_2480 = arith.cmpi sgt, %select_n3A_2472, %gt3A_2479 : vector<1x10000xi32>
    %eq3A_2481 = vector.broadcast %squeeze3A_2474 : i32 to vector<1x10000xi32>
    %eq3A_2482 = arith.cmpi eq, %select_n3A_2472, %eq3A_2481 : vector<1x10000xi32>
    %lt3A_2483 = vector.broadcast %add3A_2478 : i32 to vector<1x10000xi32>
    %lt3A_2484 = arith.cmpi slt, %iota3A_2400, %lt3A_2483 : vector<1x10000xi32>
    %and3A_2485 = arith.andi %eq3A_2482, %lt3A_2484 : vector<1x10000xi1>
    %or3A_2486 = arith.ori %gt3A_2480, %and3A_2485 : vector<1x10000xi1>
    %convert_element_type3A_2487 = arith.extui %or3A_2486 : vector<1x10000xi1> to vector<1x10000xi32>
    %convert_element_type3A_2488 = arith.sitofp %convert_element_type3A_2487 : vector<1x10000xi32> to vector<1x10000xf32>
    %get3A_2489 = arith.constant 1 : index
    %get3A_2490 = arith.constant 0 : index
    %get3A_2491 = arith.constant 0 : index
    %get3A_2492 = vector.load %arg5[%get3A_2489, %get3A_2490, %get3A_2491] : memref<3x128x128xf32, #tpu.memory_space<vmem>>, vector<1x128x128xf32>
    %get3A_2493 = vector.shape_cast %get3A_2492 : vector<1x128x128xf32> to vector<128x128xf32>
    %dot_general3A_2494 = arith.constant dense<0.000000e+00> : vector<128x10000xf32>
    %dot_general3A_2495 = tpu.matmul %get3A_2493, %max3A_2460, %dot_general3A_2494 {dimension_numbers = #tpu.dot_dimension_numbers<[1], [0], [0], [1], [0, 0, 1, 1], [], []>, transpose_lhs_hint = false} : vector<128x128xf32>, vector<128x10000xf32>, vector<128x10000xf32> -> vector<128x10000xf32>
    %get3A_2496 = arith.constant 1 : index
    %get3A_2497 = arith.constant 0 : index
    %get3A_2498 = arith.constant 0 : index
    %get3A_2499 = vector.load %arg6[%get3A_2496, %get3A_2497, %get3A_2498] : memref<3x128x1xf32, #tpu.memory_space<vmem>>, vector<1x128x1xf32>
    %get3A_2500 = vector.shape_cast %get3A_2499 : vector<1x128x1xf32> to vector<128x1xf32>
    %add3A_2501 = vector.broadcast %get3A_2500 : vector<128x1xf32> to vector<128x10000xf32>
    %add3A_2502 = arith.addf %dot_general3A_2495, %add3A_2501 : vector<128x10000xf32>
    %mul3A_2503 = arith.constant 1.000000e+01 : f32
    %mul3A_2504 = vector.broadcast %mul3A_2503 : f32 to vector<128x10000xf32>
    %mul3A_2505 = arith.mulf %add3A_2502, %mul3A_2504 : vector<128x10000xf32>
    %mul3A_2506 = vector.broadcast %convert_element_type3A_2488 : vector<1x10000xf32> to vector<128x10000xf32>
    %mul3A_2507 = arith.mulf %mul3A_2506, %mul3A_2505 : vector<128x10000xf32>
    %max3A_2508 = arith.constant 0.000000e+00 : f32
    %max3A_2509 = vector.broadcast %max3A_2508 : f32 to vector<128x10000xf32>
    %max3A_2510 = arith.maximumf %mul3A_2507, %max3A_2509 : vector<128x10000xf32>
    %get3A_2511 = arith.constant 2 : index
    %get3A_2512 = arith.constant 0 : index
    %get3A_2513 = vector.load %arg3[%get3A_2511, %get3A_2512] : memref<3x10240xf32, #tpu.memory_space<vmem>>, vector<1x10000xf32>
    %add3A_2514 = arith.addf %get3A_2513, %log3A_2410 : vector<1x10000xf32>
    %bitcast_convert_type3A_2515 = tpu.bitcast %add3A_2514 : vector<1x10000xf32> -> vector<1x10000xi32>
    %lt3A_2516 = arith.constant 0 : i32
    %lt3A_2517 = vector.broadcast %lt3A_2516 : i32 to vector<1x10000xi32>
    %lt3A_2518 = arith.cmpi slt, %bitcast_convert_type3A_2515, %lt3A_2517 : vector<1x10000xi32>
    %xor3A_2519 = arith.constant 2147483647 : i32
    %xor3A_2520 = vector.broadcast %xor3A_2519 : i32 to vector<1x10000xi32>
    %xor3A_2521 = arith.xori %bitcast_convert_type3A_2515, %xor3A_2520 : vector<1x10000xi32>
    %select_n3A_2522 = arith.select %lt3A_2518, %xor3A_2521, %bitcast_convert_type3A_2515 : vector<1x10000xi1>, vector<1x10000xi32>
    %slice3A_2523 = vector.extract_strided_slice %add3A_1528 {offsets = [2, 0, 0], sizes = [1, 1, 1], strides = [1, 1, 1]} : vector<3x1x1xi32> to vector<1x1x1xi32>
    %squeeze3A_2524 = vector.extract %slice3A_2523[0, 0, 0] : i32 from vector<1x1x1xi32>
    %slice3A_2525 = vector.extract_strided_slice %add3A_2399 {offsets = [2, 0, 0], sizes = [1, 1, 1], strides = [1, 1, 1]} : vector<3x1x1xi32> to vector<1x1x1xi32>
    %squeeze3A_2526 = vector.extract %slice3A_2525[0, 0, 0] : i32 from vector<1x1x1xi32>
    %add3A_2527 = arith.constant 1 : i32
    %add3A_2528 = arith.addi %squeeze3A_2526, %add3A_2527 : i32
    %gt3A_2529 = vector.broadcast %squeeze3A_2524 : i32 to vector<1x10000xi32>
    %gt3A_2530 = arith.cmpi sgt, %select_n3A_2522, %gt3A_2529 : vector<1x10000xi32>
    %eq3A_2531 = vector.broadcast %squeeze3A_2524 : i32 to vector<1x10000xi32>
    %eq3A_2532 = arith.cmpi eq, %select_n3A_2522, %eq3A_2531 : vector<1x10000xi32>
    %lt3A_2533 = vector.broadcast %add3A_2528 : i32 to vector<1x10000xi32>
    %lt3A_2534 = arith.cmpi slt, %iota3A_2400, %lt3A_2533 : vector<1x10000xi32>
    %and3A_2535 = arith.andi %eq3A_2532, %lt3A_2534 : vector<1x10000xi1>
    %or3A_2536 = arith.ori %gt3A_2530, %and3A_2535 : vector<1x10000xi1>
    %convert_element_type3A_2537 = arith.extui %or3A_2536 : vector<1x10000xi1> to vector<1x10000xi32>
    %convert_element_type3A_2538 = arith.sitofp %convert_element_type3A_2537 : vector<1x10000xi32> to vector<1x10000xf32>
    %get3A_2539 = arith.constant 2 : index
    %get3A_2540 = arith.constant 0 : index
    %get3A_2541 = arith.constant 0 : index
    %get3A_2542 = vector.load %arg5[%get3A_2539, %get3A_2540, %get3A_2541] : memref<3x128x128xf32, #tpu.memory_space<vmem>>, vector<1x128x128xf32>
    %get3A_2543 = vector.shape_cast %get3A_2542 : vector<1x128x128xf32> to vector<128x128xf32>
    %dot_general3A_2544 = arith.constant dense<0.000000e+00> : vector<128x10000xf32>
    %dot_general3A_2545 = tpu.matmul %get3A_2543, %max3A_2510, %dot_general3A_2544 {dimension_numbers = #tpu.dot_dimension_numbers<[1], [0], [0], [1], [0, 0, 1, 1], [], []>, transpose_lhs_hint = false} : vector<128x128xf32>, vector<128x10000xf32>, vector<128x10000xf32> -> vector<128x10000xf32>
    %get3A_2546 = arith.constant 2 : index
    %get3A_2547 = arith.constant 0 : index
    %get3A_2548 = arith.constant 0 : index
    %get3A_2549 = vector.load %arg6[%get3A_2546, %get3A_2547, %get3A_2548] : memref<3x128x1xf32, #tpu.memory_space<vmem>>, vector<1x128x1xf32>
    %get3A_2550 = vector.shape_cast %get3A_2549 : vector<1x128x1xf32> to vector<128x1xf32>
    %add3A_2551 = vector.broadcast %get3A_2550 : vector<128x1xf32> to vector<128x10000xf32>
    %add3A_2552 = arith.addf %dot_general3A_2545, %add3A_2551 : vector<128x10000xf32>
    %mul3A_2553 = arith.constant 2.000000e+01 : f32
    %mul3A_2554 = vector.broadcast %mul3A_2553 : f32 to vector<128x10000xf32>
    %mul3A_2555 = arith.mulf %add3A_2552, %mul3A_2554 : vector<128x10000xf32>
    %mul3A_2556 = vector.broadcast %convert_element_type3A_2538 : vector<1x10000xf32> to vector<128x10000xf32>
    %mul3A_2557 = arith.mulf %mul3A_2556, %mul3A_2555 : vector<128x10000xf32>
    %transpose3A = tpu.transpose %mul3A_2557, [1, 0] : vector<128x10000xf32> -> vector<10000x128xf32>
    %swap3A = arith.constant 0 : index
    %swap3A_2558 = arith.constant 0 : index
    %swap3A_2559 = vector.load %arg7[%swap3A, %swap3A_2558] : memref<10000x128xf32, #tpu.memory_space<vmem>>, vector<10000x128xf32>
    tpu.vector_store %arg7[%swap3A, %swap3A_2558], %transpose3A {strides = array<i32>} : memref<10000x128xf32, #tpu.memory_space<vmem>>, vector<10000x128xf32>,
    return
  }
}

</mosaic_0001>

<sc_bundles>
// kernel: kernel.4.cloned.1.call-start
scs
__scs_entry_jumppad:
0x0: {  	(pc) =	sbr.rel $0x88, $3  }
0x1: {  	(tag) =	ssettag $0x0;
	lr =	simm.s32 $0x1  }
0x2: {  	[smem:$0x3F99] =	sst lr;
	_ =	strace $0xD0000000  }
0x3: {  	_ = 	snop  }
0x4: {  	_ = 	snop  }
0x5: {  	_ = 	snop  }
0x6: {  	_ = 	snop  }
0x7: {  	_ = 	snop  }
__scs_overlays_trampoline_lowered:
0x8: {  	[smem:$0x3FA8] =	sst s0  }
0x9: {  	[smem:$0x3FA9] =	sst s1  }
0xa: {  	[smem:$0x3FAA] =	sst s2  }
0xb: {  	[smem:$0x3FAB] =	sst s3  }
0xc: {  	[smem:$0x3FAC] =	sst s4  }
0xd: {  	[smem:$0x3FAD] =	sst s5  }
0xe: {  	[smem:$0x3FAE] =	sst s6  }
0xf: {  	[smem:$0x3FAF] =	sst s7  }
0x10: {  	[smem:$0x3FB0] =	sst s8  }
0x11: {  	[smem:$0x3FB1] =	sst s9;
	s0 =	simm.s32 @!p0 $0x0  }
0x12: {  	s1 =	sld [smem:$0x3F97];
	s0 =	simm.s32 @p0 $0x1  }
0x13: {  	[smem:$0x3FB2] =	sst s0;
	s0 =	simm.s32 @!p1 $0x0  }
0x14: {  	s2 =	sld [smem:$0x3F96];
	s0 =	simm.s32 @p1 $0x1  }
0x15: {  	[smem:$0x3FB3] =	sst s0;
	s0 =	simm.s32 @!p2 $0x0  }
0x16: {  	s3 =	sld [smem:$0x3FDB];
	s0 =	simm.s32 @p2 $0x1  }
0x17: {  	s4 =	simm.s32 $0x1BF5;
	[smem:$0x3FB5] =	sst s0  }
0x18: {  	s0 =	sld [smem:$0x3F98];
	_ =	swait.ge [sflag:s4], $0x0  }
0x19: {  	s7 =	sld [smem:$0x3F99]  }
0x1a: {  	s8 =	sadd.s32 $0xFFFFE003, lr  }
0x1b: {  	s9 =	sadd.s32 $0xFFFFFEF7, lr;
	s5 =	simm.s32 $0xFFFFFFFF;
	p2 =	slt.u32 s8, $0xFFFFF086  }
0x1c: {  	p1 =	slt.u32 s9, $0xF7A;
	s5 =	simm.s32 @!p2 $0x0  }
0x1d: {  	s5 =	simm.s32 @p1 $0x1;
	p0 =	seq.s32 s7, s2  }
0x1e: {  	s7 =	smul.u32 @!p0 $0xF7A, s2;
	p2 =	seq.s32 @!p0 s5, $0x0  }
0x1f: {  	s9 =	smul.u32 $0xF7A, s1;
	s8 =	simm.s32 @!p0 $0x1BF5;
	p2 =	por !p2, p0  }
0x20: {  	[sflag:s8] =	ssyncset.s32 @!p0 $0xFFFFF086;
	s6 =	sadd.s32 @!p0 s3, s7;
	s7 =	simm.s32 @!p0 $0x108  }
0x21: {  	s3 =	sadd.s32 s3, s9;
	s6 =	sadd.s32 @!p0 $0x88, s6;
	s7 =	simm.s32 @p2 $0x1082  }
0x22: {  	[simem:s7], [sflag:s8] =	dma.local @!p0 [hbm:s6], $0xF7A  }
0x23: {  	s9 =	sor.u32 $0xD0000000, s2;
	s6 =	simm.s32 $0x108;
	_ =	swait.ge @!p0 [sflag:s8], $0x0  }
0x24: {  	s3 =	sadd.s32 $0x88, s3;
	s6 =	simm.s32 @!p1 $0x1082;
	[sflag:s4] =	ssyncset.s32 $0xFFFFF086  }
0x25: {  	[simem:s6], [sflag:s4] =	dma.local [hbm:s3], $0xF7A  }
0x26: {  	[smem:$0x3F99] =	sst s1;
	(tag) =	ssettag s2;
	_ =	strace s9  }
0x27: {  	s1 =	sld [smem:$0x3FA9]  }
0x28: {  	s2 =	sld [smem:$0x3FAA]  }
0x29: {  	s4 =	sld [smem:$0x3FAC]  }
0x2a: {  	p0 =	seq.s32 s5, $0x0;
	s5 =	sld [smem:$0x3FAD]  }
0x2b: {  	s6 =	sld [smem:$0x3FAE]  }
0x2c: {  	s7 =	sld [smem:$0x3FAF]  }
0x2d: {  	s3 =	simm.s32 $0x108;
	s8 =	sld [smem:$0x3FB0]  }
0x2e: {  	s3 =	simm.s32 @!p0 $0x1082;
	s9 =	sld [smem:$0x3FB1]  }
0x2f: {  	lr =	sadd.s32 s0, s3;
	s0 =	sld [smem:$0x3FA8]  }
0x30: {  	s3 =	sld [smem:$0x3FAB]  }
0x31: {  	[smem:$0x3FB4] =	sst s10  }
0x32: {  	s10 =	sld [smem:$0x3FB2];
	_ =	sdelay $0x3  }
0x33: {  	p0 =	seq.s32 s10, $0x1;
	s10 =	sld [smem:$0x3FB4];
	_ =	sdelay $0x3  }
0x34: {  	[smem:$0x3FB4] =	sst s10  }
0x35: {  	s10 =	sld [smem:$0x3FB3];
	_ =	sdelay $0x3  }
0x36: {  	p1 =	seq.s32 s10, $0x1;
	s10 =	sld [smem:$0x3FB4];
	_ =	sdelay $0x3  }
0x37: {  	[smem:$0x3FB4] =	sst s10  }
0x38: {  	s10 =	sld [smem:$0x3FB5]  }
0x39: {  	_ = 	snop;
	(pc) =	sbr.ind lr, $3  }
0x3a: {  	_ = 	snop  }
0x3b: {  	_ = 	snop  }
0x3c: {  	p2 =	seq.s32 s10, $0x1;
	s10 =	sld [smem:$0x3FB4]  }
0x3d: {  	_ =	shalt  }
0x3e: {  	_ =	shalt  }
0x3f: {  	_ =	shalt  }
0x40: {  	_ =	shalt  }
0x41: {  	_ =	shalt  }
0x42: {  	_ =	shalt  }
0x43: {  	_ =	shalt  }
0x44: {  	_ =	shalt  }
0x45: {  	_ =	shalt  }
0x46: {  	_ =	shalt  }
0x47: {  	_ =	shalt  }
0x48: {  	_ =	shalt  }
0x49: {  	_ =	shalt  }
0x4a: {  	_ =	shalt  }
0x4b: {  	_ =	shalt  }
0x4c: {  	_ =	shalt  }
0x4d: {  	_ =	shalt  }
0x4e: {  	_ =	shalt  }
0x4f: {  	_ =	shalt  }
0x50: {  	_ =	shalt  }
0x51: {  	_ =	shalt  }
0x52: {  	_ =	shalt  }
0x53: {  	_ =	shalt  }
0x54: {  	_ =	shalt  }
0x55: {  	_ =	shalt  }
0x56: {  	_ =	shalt  }
0x57: {  	_ =	shalt  }
0x58: {  	_ =	shalt  }
0x59: {  	_ =	shalt  }
0x5a: {  	_ =	shalt  }
0x5b: {  	_ =	shalt  }
0x5c: {  	_ =	shalt  }
0x5d: {  	_ =	shalt  }
0x5e: {  	_ =	shalt  }
0x5f: {  	_ =	shalt  }
0x60: {  	_ =	shalt  }
0x61: {  	_ =	shalt  }
0x62: {  	_ =	shalt  }
0x63: {  	_ =	shalt  }
0x64: {  	_ =	shalt  }
0x65: {  	_ =	shalt  }
0x66: {  	_ =	shalt  }
0x67: {  	_ =	shalt  }
0x68: {  	_ =	shalt  }
0x69: {  	_ =	shalt  }
0x6a: {  	_ =	shalt  }
0x6b: {  	_ =	shalt  }
0x6c: {  	_ =	shalt  }
0x6d: {  	_ =	shalt  }
0x6e: {  	_ =	shalt  }
0x6f: {  	_ =	shalt  }
0x70: {  	_ =	shalt  }
0x71: {  	_ =	shalt  }
0x72: {  	_ =	shalt  }
0x73: {  	_ =	shalt  }
0x74: {  	_ =	shalt  }
0x75: {  	_ =	shalt  }
0x76: {  	_ =	shalt  }
0x77: {  	_ =	shalt  }
0x78: {  	_ =	shalt  }
0x79: {  	_ =	shalt  }
0x7a: {  	_ =	shalt  }
0x7b: {  	_ =	shalt  }
0x7c: {  	_ =	shalt  }
0x7d: {  	_ =	shalt  }
0x7e: {  	_ =	shalt  }
0x7f: {  	_ =	shalt  }
0x80: {  	_ =	shalt  }
0x81: {  	_ =	shalt  }
0x82: {  	_ =	shalt  }
0x83: {  	_ =	shalt  }
0x84: {  	_ =	shalt  }
0x85: {  	_ =	shalt  }
0x86: {  	_ =	shalt  }
0x87: {  	_ =	shalt  }
.Lfunc_end0:
.L_simem_size_0:
called_computation_lowered:
.L_overlay_start_0:
0x88: {  	s2 =	sld [smem:$0x3FD9]  }
0x89: {  	s3 =	sld [smem:$0x3FFE];
	_ =	sdelay $0x1  }
0x8a: {  	s1 =	srdreg.scid  }
0x8b: {  	s0 =	sand.u32 $0x1, s1  }
0x8c: {  	s17 =	sshll.u32 s0, $0xA;
	s2 =	sadd.s32 s3, s2  }
0x8d: {  	s2 =	sadd.s32 s2, s17  }
0x8e: {  	[smem:$0x3FC0] =	sst s2  }
0x8f: {  	_ = 	snop  }
0x90: {  	s2 =	sld [smem:$0x3FD0];
	(tm) =	ssettm $0x1  }
0x91: {  	s18 =	sld [smem:$0x3FFB];
	_ =	sdelay $0x3  }
0x92: {  	_ =	strace s18  }
0x93: {  	s3 =	sld [smem:$0x3FFC];
	_ =	sdelay $0x3  }
0x94: {  	_ =	strace s3  }
0x95: {  	s3 =	sld [smem:$0x3FFD];
	_ =	sdelay $0x3  }
0x96: {  	_ =	strace s3  }
0x97: {  	_ =	strace $0x8FFFFFFF  }
0x98: {  	s19 =	sld [smem:$0x3FDB];
	_ =	sdelay $0x1  }
0x99: {  	s4 =	simm.s32 $_scs_section_size  }
0x9a: {  	s5 =	simm.s32 $_size__tile_overlayer_lowered;
	s6 =	simm.s32 $_tile_overlayer_lowered  }
0x9b: {  	s22 =	simm.s32 $0x1BFF;
	s21 =	sshll.u32 s6, $0x1;
	s3 =	sadd.s32 s4, s19  }
0x9c: {  	s7 =	simm.s32 $0x0;
	s20 =	sshll.u32 s5, $0x1;
	s5 =	sadd.s32 s21, s3  }
0x9d: {  	[timem:s7], [sflag:s22] =	dma.local [hbm:s5], s20  }
0x9e: {  	_ =	swait.ge [sflag:s22], s20  }
0x9f: {  	s4 =	ssub.s32 $0x0, s20;
	[sflag:s22] =	ssyncset.done $0x0  }
0xa0: {  	[sflag:s22] =	ssyncadd.s32 s4;
	_ =	sdelay $0x1  }
0xa1: {  	s23 =	simm.s32 $0x1B8B  }
0xa2: {  	_ =	swait.ge [sflag:s23], $0x1  }
0xa3: {  	[sflag:s23] =	ssyncset.done $0x0  }
0xa4: {  	s25 =	simm.s32 $0x1B8E;
	s24 =	sld [smem:$0x3FFE];
	[sflag:s23] =	ssyncadd.s32 $0xFFFFFFFF  }
0xa5: {  	s26 =	simm.s32 $execute0_lowered;
	[smem:$0x3FD2] =	sst s25  }
0xa6: {  	s5 =	sshll.u32 s26, $0x1;
	_ =	strace $0x80000046;
	[dreg:$0x1] =	wrdreg $0xFFFFFFFF  }
0xa7: {  	s28 =	simm.s32 $_size_execute0_lowered;
	s3 =	sadd.s32 s3, s5;
	[dreg:$0x0] =	wrdreg $0x0  }
0xa8: {  	s5 =	sshll.u32 s28, $0x1;
	[dreg:$0x2] =	wrdreg s3  }
0xa9: {  	[dreg:$0x3] =	wrdreg s5  }
0xaa: {  	[dreg:$0x4] =	wrdreg $0xC0  }
0xab: {  	_ =	task [dreg:s7], $0x5FFFF  }
0xac: {  	[dreg:$0x1] =	wrdreg $0xFFFFFFFF  }
0xad: {  	[dreg:$0x0] =	wrdreg $0x60  }
0xae: {  	[dreg:$0x2] =	wrdreg s2  }
0xaf: {  	[dreg:$0x3] =	wrdreg s24  }
0xb0: {  	[dreg:$0x4] =	wrdreg $0x51800  }
0xb1: {  	[dreg:$0x5] =	wrdreg $0x9  }
0xb2: {  	_ =	task.clear_ibuf [dreg:s7], $0x6FFFF;
	_ =	strace $0x90000046  }
0xb3: {  	s29 =	simm.s32 $0x9;
	_ =	strace $0x80000048  }
0xb4: {  	_ =	swait.ge [sflag:s29], $0x1  }
0xb5: {  	[sflag:s29] =	ssyncadd.s32 $0xFFFFFFFF  }
0xb6: {  	_ =	strace $0x90000048  }
0xb7: {  	_ =	sfence  }
0xb8: {  	s30 =	sld [smem:$0x0];
	_ =	sdelay $0x2  }
0xb9: {  	s31 =	sshll.u32 s1, $0xD;
	s1 =	sshrl.u32 s1, $0x2  }
0xba: {  	s3 =	sand.u32 $0x4000, s31;
	s1 =	sadd.s32 s1, s30  }
0xbb: {  	s0 =	sor.u32 s3, s0;
	s1 =	sshll.u32 s1, $0x11  }
0xbc: {  	s0 =	sor.u32 s1, s0  }
0xbd: {  	s0 =	sadd.s32 $0x8F2B, s0  }
0xbe: {  	[sflag:s0] =	ssyncadd.remote.s32 $0x1  }
0xbf: {  	_ =	sfence.sel $0xFFFF  }
0xc0: {  	[dreg:$0x0] =	wrdreg $0xFFFFFFFF;
	(pc) =	sbr.abs _section_cstart, $3  }
0xc1: {  	[dreg:$0x1] =	wrdreg $0xFFFFFFFF  }
0xc2: {  	_ =	task.clear_ibuf [dreg:s7], $0x2FFFF;
	_ =	strace $0x9FFFFFFF  }
0xc3: {  	(tm) =	ssettm $0x7FFFFFFF  }
tec
execute0_lowered:
.L_overlay_start_1:
0x0: {  	(tag) =	ssettag $0x1  }
0x1: {  	s7 =	rddreg [dreg:$0x0]  }
0x2: {  	s11 =	rddreg [dreg:$0x1]  }
0x3: {  	s1 =	rddreg [dreg:$0x2];
	s2 =	simm.s32 $0x0  }
0x4: {  	v0 =	vimm.f32 $0.0e+00;
	[smem:$0x7FF] =	sst s2  }
0x5: {  	s0 =	rddreg [dreg:$0x3];
	_ =	strace $0x80000047;
	[tilespmem:$0x4F20] =	vst v0  }
0x6: {  	[tilespmem:$0x4F30] =	vst v0  }
0x7: {  	[tilespmem:$0x4F40] =	vst v0  }
0x8: {  	[tilespmem:$0x4F00] =	vst v0  }
0x9: {  	[tilespmem:$0x5170] =	vst v0  }
0xa: {  	[tilespmem:$0x5160] =	vst v0  }
0xb: {  	[tilespmem:$0x5150] =	vst v0  }
0xc: {  	[tilespmem:$0x5140] =	vst v0  }
0xd: {  	[tilespmem:$0x5130] =	vst v0  }
0xe: {  	[tilespmem:$0x5120] =	vst v0  }
0xf: {  	[tilespmem:$0x5110] =	vst v0  }
0x10: {  	[tilespmem:$0x5100] =	vst v0  }
0x11: {  	[tilespmem:$0x50F0] =	vst v0  }
0x12: {  	[tilespmem:$0x50E0] =	vst v0  }
0x13: {  	[tilespmem:$0x50D0] =	vst v0  }
0x14: {  	[tilespmem:$0x50C0] =	vst v0  }
0x15: {  	[tilespmem:$0x50B0] =	vst v0  }
0x16: {  	[tilespmem:$0x50A0] =	vst v0  }
0x17: {  	[tilespmem:$0x5090] =	vst v0  }
0x18: {  	[tilespmem:$0x5080] =	vst v0  }
0x19: {  	[tilespmem:$0x5070] =	vst v0  }
0x1a: {  	[tilespmem:$0x5060] =	vst v0  }
0x1b: {  	[tilespmem:$0x5050] =	vst v0  }
0x1c: {  	[tilespmem:$0x5040] =	vst v0  }
0x1d: {  	[tilespmem:$0x5030] =	vst v0  }
0x1e: {  	[tilespmem:$0x5020] =	vst v0  }
0x1f: {  	[tilespmem:$0x5010] =	vst v0  }
0x20: {  	[tilespmem:$0x5000] =	vst v0  }
0x21: {  	[tilespmem:$0x4FF0] =	vst v0  }
0x22: {  	[tilespmem:$0x4FE0] =	vst v0  }
0x23: {  	[tilespmem:$0x4FD0] =	vst v0  }
0x24: {  	[tilespmem:$0x4FC0] =	vst v0  }
0x25: {  	[tilespmem:$0x4FB0] =	vst v0  }
0x26: {  	[tilespmem:$0x4FA0] =	vst v0  }
0x27: {  	[tilespmem:$0x4F90] =	vst v0  }
0x28: {  	s3 =	stileid.u32;
	s4 =	srdreg.scid;
	[tilespmem:$0x4F80] =	vst v0  }
0x29: {  	s5 =	smul.u32 $0xA00, s3;
	s12 =	sand.u32 $0x1, s4;
	[tilespmem:$0x4F70] =	vst v0  }
0x2a: {  	s30 =	sshll.u32 s12, $0x4;
	[tilespmem:$0x4F60] =	vst v0  }
0x2b: {  	s6 =	simm.s32 $0x4F00;
	[tilespmem:$0x4F50] =	vst v0;
	s29 =	sshrl.u32 s5, $0x2;
	s5 =	sor.u32 s3, s30  }
0x2c: {  	[tilespmem:$0x4F10] =	vst v0;
	s4 =	sadd.s32 s29, s1;
	s8 =	smul.u32 $0x2710, s5;
	s5 =	simm.s32 $0x1  }
0x2d: {  	[spmem:s4] =	stream.linear.scatter [tilespmem:s6], [sflag:$0x1], $0x280, $0x38;
	[tilespmem:$0x5400] =	vst v63  }
0x2e: {  	s8 =	sshrl.u32 s8, $0x3;
	_ =	swait.ge [sflag:s5], $0x280  }
0x2f: {  	s7 =	sadd.s32 s7, s8;
	[sflag:s5] =	ssyncset.done $0x0  }
0x30: {  	s7 =	sadd.s32 $0x9C40, s7;
	[sflag:s5] =	ssyncadd.s32 $0xFFFFFD80  }
0x31: {  	[tilespmem:s2], [sflag:$0x1] =	stream.linear.gather [hbm4b:s7+s2], $0x2710, $0x38;
	[tilespmem:$0x5400] =	vst v63  }
0x32: {  	_ =	swait.ge [sflag:s5], $0x2710  }
0x33: {  	[sflag:s5] =	ssyncset.done $0x0  }
0x34: {  	s9 =	simm.s32 $0x2780;
	s8 =	sadd.s32 $0x2600, s11;
	[sflag:s5] =	ssyncadd.s32 $0xFFFFD8F0  }
0x35: {  	[tilespmem:s9], [sflag:$0x1] =	stream.linear.gather [hbm4b:s8+s2], $0x2780, $0x38;
	[tilespmem:$0x5400] =	vst v63  }
0x36: {  	_ =	swait.ge [sflag:s5], $0x2780  }
0x37: {  	[sflag:s5] =	ssyncset.done $0x0  }
0x38: {  	[sflag:s5] =	ssyncadd.s32 $0xFFFFD880  }
0x39: {  	s10 =	simm.s32 $0x2710;
	s13 =	smul.u32 $0x500, s3;
	[bflag:$0x0] =	sbarrier.arrive $0xFFFF  }
0x3a: {  	[spmem:s1] =	stream.indirect.scatter.add.f32 [tilespmem:s9], [sflag:$0x1], $0x1, s2, s10, $0xb8;
	[tilespmem:$0x5400] =	vst v63  }
0x3b: {  	s14 =	sshll.u32 s12, $0x7;
	s12 =	ssub.s32 $0x2, s12;
	_ =	swait.ge [sflag:s5], $0x2710  }
0x3c: {  	s31 =	sshrl.u32 s12, $0x1;
	[sflag:s5] =	ssyncset.done $0x0  }
0x3d: {  	s13 =	sor.u32 s14, s13;
	s12 =	ssub.s32 s12, s31;
	[sflag:s5] =	ssyncadd.s32 $0xFFFFD8F0  }
0x3e: {  	s13 =	sshrl.u32 s13, $0x3;
	s14 =	smax.u32 s12, $0x1;
	[bflag:$0x0] =	sbarrier.arrive $0xFFFF  }
0x3f: {  	[tilespmem:s6], [sflag:$0x1] =	stream.linear.gather [spmem:s4], $0x280, $0x38;
	[tilespmem:$0x5400] =	vst v63  }
0x40: {  	s12 =	simm.s32 $0x80;
	p0 =	sne.s32 s14, $0x1;
	_ =	swait.ge [sflag:s5], $0x280  }
.Ltmp0:
0x41: {  	s11 =	sadd.s32 s13, s11;
	[sflag:s5] =	ssyncset.done $0x0;
	(pc) =	sbr.rel @!p0 .LBB2_2-.Ltmp0, $4  }
0x42: {  	s13 =	simm.s32 $0x100;
	s11 =	sadd.s32 $0x2C00, s11;
	[sflag:s5] =	ssyncadd.s32 $0xFFFFFD80  }
0x43: {  	[hbm4b:s11+s12] =	stream.strided.scatter [tilespmem:s6], [sflag:$0x1], $0x280, s13, s12, $0x38;
	[tilespmem:$0x5400] =	vst v63  }
0x44: {  	_ =	swait.ge [sflag:s5], $0x280  }
0x45: {  	s14 =	sadd.s32 $0xFFFFFFFF, s14;
	[sflag:s5] =	ssyncset.done $0x0  }
.LBB2_1:
0x46: {  	p0 =	sne.s32 s14, $0x1;
	s14 =	sadd.s32 $0xFFFFFFFF, s14;
	[sflag:s5] =	ssyncadd.s32 $0xFFFFFD80  }
0x47: {  	[tilespmem:$0x4F20] =	vst v0  }
0x48: {  	[tilespmem:$0x4F30] =	vst v0  }
0x49: {  	[tilespmem:$0x4F40] =	vst v0  }
0x4a: {  	[tilespmem:$0x4F00] =	vst v0  }
0x4b: {  	[tilespmem:$0x5170] =	vst v0  }
0x4c: {  	[tilespmem:$0x5160] =	vst v0  }
0x4d: {  	[tilespmem:$0x5150] =	vst v0  }
0x4e: {  	[tilespmem:$0x5140] =	vst v0  }
0x4f: {  	[tilespmem:$0x5130] =	vst v0  }
0x50: {  	[tilespmem:$0x5120] =	vst v0  }
0x51: {  	[tilespmem:$0x5110] =	vst v0  }
0x52: {  	[tilespmem:$0x5100] =	vst v0  }
0x53: {  	[tilespmem:$0x50F0] =	vst v0  }
0x54: {  	[tilespmem:$0x50E0] =	vst v0  }
0x55: {  	[tilespmem:$0x50D0] =	vst v0  }
0x56: {  	[tilespmem:$0x50C0] =	vst v0  }
0x57: {  	[tilespmem:$0x50B0] =	vst v0  }
0x58: {  	[tilespmem:$0x50A0] =	vst v0  }
0x59: {  	[tilespmem:$0x5090] =	vst v0  }
0x5a: {  	[tilespmem:$0x5080] =	vst v0  }
0x5b: {  	[tilespmem:$0x5070] =	vst v0  }
0x5c: {  	[tilespmem:$0x5060] =	vst v0  }
0x5d: {  	[tilespmem:$0x5050] =	vst v0  }
0x5e: {  	[tilespmem:$0x5040] =	vst v0  }
0x5f: {  	[tilespmem:$0x5030] =	vst v0  }
0x60: {  	[tilespmem:$0x5020] =	vst v0  }
0x61: {  	[tilespmem:$0x5010] =	vst v0  }
0x62: {  	[tilespmem:$0x5000] =	vst v0  }
0x63: {  	[tilespmem:$0x4FF0] =	vst v0  }
0x64: {  	[tilespmem:$0x4FE0] =	vst v0  }
0x65: {  	[tilespmem:$0x4FD0] =	vst v0  }
0x66: {  	[tilespmem:$0x4FC0] =	vst v0  }
0x67: {  	[tilespmem:$0x4FB0] =	vst v0  }
0x68: {  	[tilespmem:$0x4FA0] =	vst v0  }
0x69: {  	[tilespmem:$0x4F90] =	vst v0  }
0x6a: {  	[tilespmem:$0x4F80] =	vst v0  }
0x6b: {  	[tilespmem:$0x4F70] =	vst v0  }
0x6c: {  	[tilespmem:$0x4F60] =	vst v0  }
0x6d: {  	[tilespmem:$0x4F50] =	vst v0  }
0x6e: {  	[tilespmem:$0x4F10] =	vst v0  }
0x6f: {  	[spmem:s4] =	stream.linear.scatter [tilespmem:s6], [sflag:$0x1], $0x280, $0x38;
	[tilespmem:$0x5400] =	vst v63  }
0x70: {  	_ =	swait.ge [sflag:s5], $0x280  }
0x71: {  	[sflag:s5] =	ssyncset.done $0x0  }
0x72: {  	[sflag:s5] =	ssyncadd.s32 $0xFFFFFD80  }
0x73: {  	[tilespmem:s2], [sflag:$0x1] =	stream.linear.gather [hbm4b:s7+s2], $0x2710, $0x38;
	[tilespmem:$0x5400] =	vst v63  }
0x74: {  	_ =	swait.ge [sflag:s5], $0x2710  }
0x75: {  	[sflag:s5] =	ssyncset.done $0x0  }
0x76: {  	[sflag:s5] =	ssyncadd.s32 $0xFFFFD8F0  }
0x77: {  	[tilespmem:s9], [sflag:$0x1] =	stream.linear.gather [hbm4b:s8+s2], $0x2780, $0x38;
	[tilespmem:$0x5400] =	vst v63  }
0x78: {  	_ =	swait.ge [sflag:s5], $0x2780  }
0x79: {  	[sflag:s5] =	ssyncset.done $0x0  }
0x7a: {  	[sflag:s5] =	ssyncadd.s32 $0xFFFFD880  }
0x7b: {  	[bflag:$0x0] =	sbarrier.arrive $0xFFFF  }
0x7c: {  	[spmem:s1] =	stream.indirect.scatter.add.f32 [tilespmem:s9], [sflag:$0x1], $0x1, s2, s10, $0xb8;
	[tilespmem:$0x5400] =	vst v63  }
0x7d: {  	_ =	swait.ge [sflag:s5], $0x2710  }
0x7e: {  	[sflag:s5] =	ssyncset.done $0x0  }
0x7f: {  	[sflag:s5] =	ssyncadd.s32 $0xFFFFD8F0  }
0x80: {  	[bflag:$0x0] =	sbarrier.arrive $0xFFFF  }
0x81: {  	[tilespmem:s6], [sflag:$0x1] =	stream.linear.gather [spmem:s4], $0x280, $0x38;
	[tilespmem:$0x5400] =	vst v63  }
0x82: {  	_ =	swait.ge [sflag:s5], $0x280  }
.Ltmp1:
0x83: {  	[sflag:s5] =	ssyncset.done $0x0;
	(pc) =	sbr.rel @p0 .LBB2_1-.Ltmp1, $4  }
0x84: {  	[sflag:s5] =	ssyncadd.s32 $0xFFFFFD80  }
0x85: {  	[hbm4b:s11+s12] =	stream.strided.scatter [tilespmem:s6], [sflag:$0x1], $0x280, s13, s12, $0x38;
	[tilespmem:$0x5400] =	vst v63  }
0x86: {  	_ =	swait.ge [sflag:s5], $0x280  }
0x87: {  	[sflag:s5] =	ssyncset.done $0x0  }
.LBB2_2:
0x88: {  	[sflag:s5] =	ssyncadd.s32 $0xFFFFFD80  }
0x89: {  	_ =	sfence.sel $0x180000  }
0x8a: {  	[bflag:$0x0] =	sbarrier.arrive $0xFFFF  }
0x8b: {  	p0 =	sne.s32 s3, $0x0;
	_ =	strace $0x90000047  }
0x8c: {  	s0 =	sadd.s32 @!p0 $0x100000, s0;
	[bflag:$0x2] =	sbarrier.arrive $0xFFFF  }
0x8d: {  	[sflag:s0] =	ssyncadd.tile.s32 @!p0 $0x1;
	_ =	shalt  }
.Lfunc_end2:
_tile_overlayer_lowered:
.L_overlay_start_2:
0x8e: {  	(tag) =	ssettag $0x2  }
0x8f: {  	s0 =	rddreg [dreg:$0x0];
	s2 =	stileid.u32  }
0x90: {  	s1 =	rddreg [dreg:$0x1];
	p0 =	sne.s32 s2, $0x0  }
0x91: {  	s3 =	rddreg [dreg:$0x2];
	[bflag:$0x3] =	sbarrier.arrive $0xFFFF;
	s2 =	simm.s32 @!p0 $0x1C01  }
0x92: {  	[timem:s3], [sflag:s2] =	dma.local @!p0 [hbm:s0], s1  }
0x93: {  	s0 =	simm.s32 @!p0 $0x1  }
0x94: {  	_ =	swait.ge @!p0 [sflag:s0], s1  }
0x95: {  	s1 =	ssub.s32 @!p0 $0x0, s1;
	[sflag:s0] =	ssyncset.done @!p0 $0x0  }
0x96: {  	[sflag:s0] =	ssyncadd.s32 @!p0 s1  }
0x97: {  	[bflag:$0x3] =	sbarrier.arrive $0xFFFF  }
0x98: {  	_ =	shalt  }

</sc_bundles>
